<compile_context>
chip_gen: v7x
topology: tpu7x:2x2x1
jax: 0.10.2.dev20260603
libtpu: 0.0.44.dev20260713+nightly
codegen_flags: <defaults>
</compile_context>

<pallas_src>
import functools

import jax
import jax.numpy as jnp
from jax import lax
from jax.experimental import pallas as pl
from jax.experimental.pallas import tpu as pltpu
from jax.experimental.pallas import tpu_sc as plsc

R = 16384
C = 1000
K = 200
NC, NS, L = 2, 16, 16
NW = NC * NS
CPW = R // NW
W = 128
NST = CPW // W
JT = K // 8


@functools.partial(
    pl.kernel,
    mesh=plsc.VectorSubcoreMesh(core_axis_name="c", subcore_axis_name="s"),
    compiler_params=pltpu.CompilerParams(needs_layout_passes=False),
    out_type=jax.ShapeDtypeStruct((K, R), jnp.float32),
    scratch_types=[
        pltpu.VMEM((C, W), jnp.float32),
        pltpu.VMEM((8, W), jnp.float32),
        pltpu.VMEM((8, W), jnp.float32),
        pltpu.SemaphoreType.DMA((2,)),
        pltpu.SemaphoreType.DMA((2,)),
    ],
)
def _gather_kernel(xt_hbm, it_hbm, ot_hbm, slab, tb0, tb1, si, so):
    wid = lax.axis_index("s") * NC + lax.axis_index("c")
    base_col = wid * CPW

    cvecs = [
        lax.iota(jnp.int32, L) + ch * L for ch in range(W // L)
    ]

    def do_stripe(st, _):
        c0 = base_col + st * W

        def ind_cp(jt, buf, sem):
            return pltpu.make_async_copy(
                it_hbm.at[pl.ds(jt * 8, 8), pl.ds(c0, W)], buf, sem
            )

        def out_cp(jt, buf, sem):
            return pltpu.make_async_copy(
                buf, ot_hbm.at[pl.ds(jt * 8, 8), pl.ds(c0, W)], sem
            )

        pltpu.sync_copy(xt_hbm.at[:, pl.ds(c0, W)], slab)

        @pl.when(st >= 1)
        def _():
            out_cp(JT - 1, tb0, so.at[0]).wait()

        ind_cp(0, tb0, si.at[0]).start()

        def do_group(jt, buf, bo, ib, ibo):
            ind_cp(jt, buf, si.at[ib]).wait()
            for jj in range(8):
                ts = [
                    plsc.bitcast(buf[jj, pl.ds(ch * L, L)], jnp.int32)
                    for ch in range(W // L)
                ]
                vals = [
                    plsc.load_gather(slab, [ts[ch], cvecs[ch]])
                    for ch in range(W // L)
                ]
                for ch in range(W // L):
                    buf[jj, pl.ds(ch * L, L)] = vals[ch]

            @pl.when(jt >= 1)
            def _():
                out_cp(jt - 1, bo, so.at[ibo]).wait()

            @pl.when(jt + 1 < JT)
            def _():
                ind_cp(jt + 1, bo, si.at[ibo]).start()

            out_cp(jt, buf, so.at[ib]).start()

        do_group(0, tb0, tb1, 0, 1)

        def do_pair(i, _):
            do_group(2 * i + 1, tb1, tb0, 1, 0)
            do_group(2 * i + 2, tb0, tb1, 0, 1)
            return 0

        lax.fori_loop(0, (JT - 1) // 2, do_pair, 0, unroll=False)
        return 0

    lax.fori_loop(0, NST, do_stripe, 0, unroll=False)

    pltpu.make_async_copy(
        tb0, ot_hbm.at[pl.ds((JT - 1) * 8, 8), pl.ds(base_col + (NST - 1) * W, W)],
        so.at[0],
    ).wait()


def kernel(x, ind1):
    xt = x.T
    it = lax.bitcast_convert_type(ind1, jnp.float32).T
    ot = _gather_kernel(xt, it)
    return (ot.T,)

# --- scband reference (transcript-rebuilt; emitter-appended) ---
"""Pipeline reference for scband-sampler-t1-28183575397015 (READ-ONLY COPY).

The authoritative reference and input builder live on the scoring server;
editing this copy changes nothing except your own understanding.
"""

import jax, jax.numpy as jnp
import numpy as np


def setup_inputs(seed: int = 0) -> dict:
    key = jax.random.key(seed)
    k1, k2 = jax.random.split(key)
    x = jax.random.normal(k1, (16384, 1000), dtype=jnp.float32)
    ind1 = jax.random.randint(k2, (16384, 200), 0, 1000, dtype=jnp.int32)
    return {"x": x, "ind1": ind1}


def reference(x, ind1):
    # torch.take_along_dim(x, ind1, 1) -> jnp.take_along_axis(x, ind1, axis=1)
    return (jnp.take_along_axis(x, ind1, axis=1),)

if __name__ == "__main__":
    import jax
    _d = setup_inputs()
    print(jax.jit(kernel)(*tuple(_d.values())))

</pallas_src>

<mosaic_0001>
#map = affine_map<(d0, d1) -> (0, 0)>
module attributes {stable_mosaic.version = 14 : i64} {
  func.func @_gather_kernel(%arg0: i32, %arg1: i32, %arg2: memref<1000x16384xf32, #tpu.memory_space<hbm>>, %arg3: memref<200x16384xf32, #tpu.memory_space<hbm>>, %arg4: memref<200x16384xf32, #tpu.memory_space<hbm>>, %arg5: memref<1000x128xf32, #tpu.memory_space<vmem>>, %arg6: memref<8x128xf32, #tpu.memory_space<vmem>>, %arg7: memref<8x128xf32, #tpu.memory_space<vmem>>, %arg8: memref<2x!tpu.dma_semaphore, #tpu.memory_space<semaphore_mem>>, %arg9: memref<2x!tpu.dma_semaphore, #tpu.memory_space<semaphore_mem>>) attributes {dimension_semantics = [#tpu.dimension_semantics<core_parallel>, #tpu.dimension_semantics<subcore_parallel>], iteration_bounds = array<i64: 2, 16>, scalar_prefetch = 0 : i64, scratch_operands = 5 : i64, tpu.core_type = #tpu.core_type<sc_vector_subcore>, window_params = [{transform_indices = #map}, {transform_indices = #map}, {transform_indices = #map}]} {
    %mul3A = arith.constant 2 : i32
    %mul3A_0 = arith.muli %arg1, %mul3A : i32
    %add3A = arith.addi %mul3A_0, %arg0 : i32
    %mul3A_1 = arith.constant 512 : i32
    %mul3A_2 = arith.muli %add3A, %mul3A_1 : i32
    %iota3A = tpu.iota {dimensions = array<i32: 0>} : vector<16xi32>
    %add3A_3 = arith.constant 0 : i32
    %add3A_4 = vector.broadcast %add3A_3 : i32 to vector<16xi32>
    %add3A_5 = arith.addi %iota3A, %add3A_4 : vector<16xi32>
    %iota3A_6 = tpu.iota {dimensions = array<i32: 0>} : vector<16xi32>
    %add3A_7 = arith.constant 16 : i32
    %add3A_8 = vector.broadcast %add3A_7 : i32 to vector<16xi32>
    %add3A_9 = arith.addi %iota3A_6, %add3A_8 : vector<16xi32>
    %iota3A_10 = tpu.iota {dimensions = array<i32: 0>} : vector<16xi32>
    %add3A_11 = arith.constant 32 : i32
    %add3A_12 = vector.broadcast %add3A_11 : i32 to vector<16xi32>
    %add3A_13 = arith.addi %iota3A_10, %add3A_12 : vector<16xi32>
    %iota3A_14 = tpu.iota {dimensions = array<i32: 0>} : vector<16xi32>
    %add3A_15 = arith.constant 48 : i32
    %add3A_16 = vector.broadcast %add3A_15 : i32 to vector<16xi32>
    %add3A_17 = arith.addi %iota3A_14, %add3A_16 : vector<16xi32>
    %iota3A_18 = tpu.iota {dimensions = array<i32: 0>} : vector<16xi32>
    %add3A_19 = arith.constant 64 : i32
    %add3A_20 = vector.broadcast %add3A_19 : i32 to vector<16xi32>
    %add3A_21 = arith.addi %iota3A_18, %add3A_20 : vector<16xi32>
    %iota3A_22 = tpu.iota {dimensions = array<i32: 0>} : vector<16xi32>
    %add3A_23 = arith.constant 80 : i32
    %add3A_24 = vector.broadcast %add3A_23 : i32 to vector<16xi32>
    %add3A_25 = arith.addi %iota3A_22, %add3A_24 : vector<16xi32>
    %iota3A_26 = tpu.iota {dimensions = array<i32: 0>} : vector<16xi32>
    %add3A_27 = arith.constant 96 : i32
    %add3A_28 = vector.broadcast %add3A_27 : i32 to vector<16xi32>
    %add3A_29 = arith.addi %iota3A_26, %add3A_28 : vector<16xi32>
    %iota3A_30 = tpu.iota {dimensions = array<i32: 0>} : vector<16xi32>
    %add3A_31 = arith.constant 112 : i32
    %add3A_32 = vector.broadcast %add3A_31 : i32 to vector<16xi32>
    %add3A_33 = arith.addi %iota3A_30, %add3A_32 : vector<16xi32>
    %scan3A = arith.constant 0 : i32
    %scan3A_34 = arith.constant 0 : i32
    %scan3A_35 = arith.constant 4 : i32
    %scan3A_36 = arith.addi %scan3A_34, %scan3A_35 : i32
    %scan3A_37 = arith.constant 1 : i32
    %scan3A_38 = scf.for %scan3A_48 = %scan3A_34 to %scan3A_36 step %scan3A_37 iter_args(%scan3A_49 = %scan3A) -> (i32)  : i32 {
      %mul3A_50 = arith.constant 128 : i32
      %mul3A_51 = arith.muli %scan3A_48, %mul3A_50 : i32
      %add3A_52 = arith.addi %mul3A_2, %mul3A_51 : i32
      "tpu.region"() ({
        %run_scoped3A = tpu.sem_alloc : memref<!tpu.dma_semaphore, #tpu.memory_space<semaphore_mem>>
        %dma_start3A_726 = arith.constant 0 : i32
        %dma_start3A_727 = tpu.memref_slice %arg2[%dma_start3A_726, %add3A_52] : memref<1000x16384xf32, #tpu.memory_space<hbm>> -> memref<1000x128xf32, #tpu.memory_space<hbm>>
        %dma_start3A_728 = arith.constant 0 : i32
        %dma_start3A_729 = tpu.memref_slice %arg2[%dma_start3A_728, %add3A_52] : memref<1000x16384xf32, #tpu.memory_space<hbm>> -> memref<1000x128xf32, #tpu.memory_space<hbm>>
        tpu.enqueue_dma source(%dma_start3A_729 : memref<1000x128xf32, #tpu.memory_space<hbm>>) target(%arg5 : memref<1000x128xf32, #tpu.memory_space<vmem>>) target_semaphore(%run_scoped3A : memref<!tpu.dma_semaphore, #tpu.memory_space<semaphore_mem>>)
        %dma_wait3A_730 = arith.constant 0 : i32
        %dma_wait3A_731 = tpu.memref_slice %arg2[%dma_wait3A_730, %add3A_52] : memref<1000x16384xf32, #tpu.memory_space<hbm>> -> memref<1000x128xf32, #tpu.memory_space<hbm>>
        %dma_wait3A_732 = arith.constant 0 : i32
        %dma_wait3A_733 = tpu.memref_slice %arg2[%dma_wait3A_732, %add3A_52] : memref<1000x16384xf32, #tpu.memory_space<hbm>> -> memref<1000x128xf32, #tpu.memory_space<hbm>>
        tpu.wait_dma2 semaphore(%run_scoped3A : memref<!tpu.dma_semaphore, #tpu.memory_space<semaphore_mem>>) src(%dma_wait3A_733 : memref<1000x128xf32, #tpu.memory_space<hbm>>) dst(%arg5 : memref<1000x128xf32, #tpu.memory_space<vmem>>)
        tpu.yield
      }) : () -> ()
      %ge3A = arith.constant 1 : i32
      %ge3A_53 = arith.cmpi sge, %scan3A_48, %ge3A : i32
      %convert_element_type3A = arith.extui %ge3A_53 : i1 to i32
      %cond3A = arith.constant 0 : i32
      %cond3A_54 = arith.cmpi ne, %convert_element_type3A, %cond3A : i32
      scf.if %cond3A_54 {
        %dma_wait3A_726 = arith.constant 0 : i32
        %dma_wait3A_727 = arith.constant 192 : i32
        %dma_wait3A_728 = tpu.memref_slice %arg4[%dma_wait3A_727, %add3A_52] : memref<200x16384xf32, #tpu.memory_space<hbm>> -> memref<8x128xf32, #tpu.memory_space<hbm>>
        %dma_wait3A_729 = tpu.memref_slice %arg9[%dma_wait3A_726] : memref<2x!tpu.dma_semaphore, #tpu.memory_space<semaphore_mem>> -> memref<1x!tpu.dma_semaphore, #tpu.memory_space<semaphore_mem>>
        %dma_wait3A_730 = tpu.memref_squeeze %dma_wait3A_729 : memref<1x!tpu.dma_semaphore, #tpu.memory_space<semaphore_mem>> -> memref<!tpu.dma_semaphore, #tpu.memory_space<semaphore_mem>>
        %dma_wait3A_731 = arith.constant 192 : i32
        %dma_wait3A_732 = tpu.memref_slice %arg4[%dma_wait3A_731, %add3A_52] : memref<200x16384xf32, #tpu.memory_space<hbm>> -> memref<8x128xf32, #tpu.memory_space<hbm>>
        tpu.wait_dma2 semaphore(%dma_wait3A_730 : memref<!tpu.dma_semaphore, #tpu.memory_space<semaphore_mem>>) src(%arg6 : memref<8x128xf32, #tpu.memory_space<vmem>>) dst(%dma_wait3A_732 : memref<8x128xf32, #tpu.memory_space<hbm>>)
      } else {
      }
      %dma_start3A = arith.constant 0 : i32
      %dma_start3A_55 = arith.constant 0 : i32
      %dma_start3A_56 = tpu.memref_slice %arg3[%dma_start3A_55, %add3A_52] : memref<200x16384xf32, #tpu.memory_space<hbm>> -> memref<8x128xf32, #tpu.memory_space<hbm>>
      %dma_start3A_57 = tpu.memref_slice %arg8[%dma_start3A] : memref<2x!tpu.dma_semaphore, #tpu.memory_space<semaphore_mem>> -> memref<1x!tpu.dma_semaphore, #tpu.memory_space<semaphore_mem>>
      %dma_start3A_58 = tpu.memref_squeeze %dma_start3A_57 : memref<1x!tpu.dma_semaphore, #tpu.memory_space<semaphore_mem>> -> memref<!tpu.dma_semaphore, #tpu.memory_space<semaphore_mem>>
      %dma_start3A_59 = arith.constant 0 : i32
      %dma_start3A_60 = tpu.memref_slice %arg3[%dma_start3A_59, %add3A_52] : memref<200x16384xf32, #tpu.memory_space<hbm>> -> memref<8x128xf32, #tpu.memory_space<hbm>>
      tpu.enqueue_dma source(%dma_start3A_60 : memref<8x128xf32, #tpu.memory_space<hbm>>) target(%arg6 : memref<8x128xf32, #tpu.memory_space<vmem>>) target_semaphore(%dma_start3A_58 : memref<!tpu.dma_semaphore, #tpu.memory_space<semaphore_mem>>)
      %dma_wait3A_61 = arith.constant 0 : i32
      %dma_wait3A_62 = arith.constant 0 : i32
      %dma_wait3A_63 = tpu.memref_slice %arg3[%dma_wait3A_62, %add3A_52] : memref<200x16384xf32, #tpu.memory_space<hbm>> -> memref<8x128xf32, #tpu.memory_space<hbm>>
      %dma_wait3A_64 = tpu.memref_slice %arg8[%dma_wait3A_61] : memref<2x!tpu.dma_semaphore, #tpu.memory_space<semaphore_mem>> -> memref<1x!tpu.dma_semaphore, #tpu.memory_space<semaphore_mem>>
      %dma_wait3A_65 = tpu.memref_squeeze %dma_wait3A_64 : memref<1x!tpu.dma_semaphore, #tpu.memory_space<semaphore_mem>> -> memref<!tpu.dma_semaphore, #tpu.memory_space<semaphore_mem>>
      %dma_wait3A_66 = arith.constant 0 : i32
      %dma_wait3A_67 = tpu.memref_slice %arg3[%dma_wait3A_66, %add3A_52] : memref<200x16384xf32, #tpu.memory_space<hbm>> -> memref<8x128xf32, #tpu.memory_space<hbm>>
      tpu.wait_dma2 semaphore(%dma_wait3A_65 : memref<!tpu.dma_semaphore, #tpu.memory_space<semaphore_mem>>) src(%dma_wait3A_67 : memref<8x128xf32, #tpu.memory_space<hbm>>) dst(%arg6 : memref<8x128xf32, #tpu.memory_space<vmem>>)
      %get3A = arith.constant 0 : i32
      %get3A_68 = arith.index_cast %get3A : i32 to index
      %get3A_69 = arith.constant 0 : index
      %get3A_70 = tpu.vector_load %arg6[%get3A_68, %get3A_69] {strides = array<i32>} : memref<8x128xf32, #tpu.memory_space<vmem>>, vector<16xf32>,
      %bitcast3A = vector.bitcast %get3A_70 : vector<16xf32> to vector<16xi32>
      %get3A_71 = arith.constant 0 : i32
      %get3A_72 = arith.index_cast %get3A_71 : i32 to index
      %get3A_73 = arith.constant 16 : index
      %get3A_74 = tpu.vector_load %arg6[%get3A_72, %get3A_73] {strides = array<i32>} : memref<8x128xf32, #tpu.memory_space<vmem>>, vector<16xf32>,
      %bitcast3A_75 = vector.bitcast %get3A_74 : vector<16xf32> to vector<16xi32>
      %get3A_76 = arith.constant 0 : i32
      %get3A_77 = arith.index_cast %get3A_76 : i32 to index
      %get3A_78 = arith.constant 32 : index
      %get3A_79 = tpu.vector_load %arg6[%get3A_77, %get3A_78] {strides = array<i32>} : memref<8x128xf32, #tpu.memory_space<vmem>>, vector<16xf32>,
      %bitcast3A_80 = vector.bitcast %get3A_79 : vector<16xf32> to vector<16xi32>
      %get3A_81 = arith.constant 0 : i32
      %get3A_82 = arith.index_cast %get3A_81 : i32 to index
      %get3A_83 = arith.constant 48 : index
      %get3A_84 = tpu.vector_load %arg6[%get3A_82, %get3A_83] {strides = array<i32>} : memref<8x128xf32, #tpu.memory_space<vmem>>, vector<16xf32>,
      %bitcast3A_85 = vector.bitcast %get3A_84 : vector<16xf32> to vector<16xi32>
      %get3A_86 = arith.constant 0 : i32
      %get3A_87 = arith.index_cast %get3A_86 : i32 to index
      %get3A_88 = arith.constant 64 : index
      %get3A_89 = tpu.vector_load %arg6[%get3A_87, %get3A_88] {strides = array<i32>} : memref<8x128xf32, #tpu.memory_space<vmem>>, vector<16xf32>,
      %bitcast3A_90 = vector.bitcast %get3A_89 : vector<16xf32> to vector<16xi32>
      %get3A_91 = arith.constant 0 : i32
      %get3A_92 = arith.index_cast %get3A_91 : i32 to index
      %get3A_93 = arith.constant 80 : index
      %get3A_94 = tpu.vector_load %arg6[%get3A_92, %get3A_93] {strides = array<i32>} : memref<8x128xf32, #tpu.memory_space<vmem>>, vector<16xf32>,
      %bitcast3A_95 = vector.bitcast %get3A_94 : vector<16xf32> to vector<16xi32>
      %get3A_96 = arith.constant 0 : i32
      %get3A_97 = arith.index_cast %get3A_96 : i32 to index
      %get3A_98 = arith.constant 96 : index
      %get3A_99 = tpu.vector_load %arg6[%get3A_97, %get3A_98] {strides = array<i32>} : memref<8x128xf32, #tpu.memory_space<vmem>>, vector<16xf32>,
      %bitcast3A_100 = vector.bitcast %get3A_99 : vector<16xf32> to vector<16xi32>
      %get3A_101 = arith.constant 0 : i32
      %get3A_102 = arith.index_cast %get3A_101 : i32 to index
      %get3A_103 = arith.constant 112 : index
      %get3A_104 = tpu.vector_load %arg6[%get3A_102, %get3A_103] {strides = array<i32>} : memref<8x128xf32, #tpu.memory_space<vmem>>, vector<16xf32>,
      %bitcast3A_105 = vector.bitcast %get3A_104 : vector<16xf32> to vector<16xi32>
      %gather3A = tpu.vector_load_idx %arg5[%bitcast3A, %add3A_5] : memref<1000x128xf32, #tpu.memory_space<vmem>>[vector<16xi32>, vector<16xi32>], vector<16xf32>,
      %gather3A_106 = tpu.vector_load_idx %arg5[%bitcast3A_75, %add3A_9] : memref<1000x128xf32, #tpu.memory_space<vmem>>[vector<16xi32>, vector<16xi32>], vector<16xf32>,
      %gather3A_107 = tpu.vector_load_idx %arg5[%bitcast3A_80, %add3A_13] : memref<1000x128xf32, #tpu.memory_space<vmem>>[vector<16xi32>, vector<16xi32>], vector<16xf32>,
      %gather3A_108 = tpu.vector_load_idx %arg5[%bitcast3A_85, %add3A_17] : memref<1000x128xf32, #tpu.memory_space<vmem>>[vector<16xi32>, vector<16xi32>], vector<16xf32>,
      %gather3A_109 = tpu.vector_load_idx %arg5[%bitcast3A_90, %add3A_21] : memref<1000x128xf32, #tpu.memory_space<vmem>>[vector<16xi32>, vector<16xi32>], vector<16xf32>,
      %gather3A_110 = tpu.vector_load_idx %arg5[%bitcast3A_95, %add3A_25] : memref<1000x128xf32, #tpu.memory_space<vmem>>[vector<16xi32>, vector<16xi32>], vector<16xf32>,
      %gather3A_111 = tpu.vector_load_idx %arg5[%bitcast3A_100, %add3A_29] : memref<1000x128xf32, #tpu.memory_space<vmem>>[vector<16xi32>, vector<16xi32>], vector<16xf32>,
      %gather3A_112 = tpu.vector_load_idx %arg5[%bitcast3A_105, %add3A_33] : memref<1000x128xf32, #tpu.memory_space<vmem>>[vector<16xi32>, vector<16xi32>], vector<16xf32>,
      %swap3A = arith.constant 0 : i32
      %swap3A_113 = arith.index_cast %swap3A : i32 to index
      %swap3A_114 = arith.constant 0 : index
      %swap3A_115 = tpu.vector_load %arg6[%swap3A_113, %swap3A_114] {strides = array<i32>} : memref<8x128xf32, #tpu.memory_space<vmem>>, vector<16xf32>,
      tpu.vector_store %arg6[%swap3A_113, %swap3A_114], %gather3A {strides = array<i32>} : memref<8x128xf32, #tpu.memory_space<vmem>>, vector<16xf32>,
      %swap3A_116 = arith.constant 0 : i32
      %swap3A_117 = arith.index_cast %swap3A_116 : i32 to index
      %swap3A_118 = arith.constant 16 : index
      %swap3A_119 = tpu.vector_load %arg6[%swap3A_117, %swap3A_118] {strides = array<i32>} : memref<8x128xf32, #tpu.memory_space<vmem>>, vector<16xf32>,
      tpu.vector_store %arg6[%swap3A_117, %swap3A_118], %gather3A_106 {strides = array<i32>} : memref<8x128xf32, #tpu.memory_space<vmem>>, vector<16xf32>,
      %swap3A_120 = arith.constant 0 : i32
      %swap3A_121 = arith.index_cast %swap3A_120 : i32 to index
      %swap3A_122 = arith.constant 32 : index
      %swap3A_123 = tpu.vector_load %arg6[%swap3A_121, %swap3A_122] {strides = array<i32>} : memref<8x128xf32, #tpu.memory_space<vmem>>, vector<16xf32>,
      tpu.vector_store %arg6[%swap3A_121, %swap3A_122], %gather3A_107 {strides = array<i32>} : memref<8x128xf32, #tpu.memory_space<vmem>>, vector<16xf32>,
      %swap3A_124 = arith.constant 0 : i32
      %swap3A_125 = arith.index_cast %swap3A_124 : i32 to index
      %swap3A_126 = arith.constant 48 : index
      %swap3A_127 = tpu.vector_load %arg6[%swap3A_125, %swap3A_126] {strides = array<i32>} : memref<8x128xf32, #tpu.memory_space<vmem>>, vector<16xf32>,
      tpu.vector_store %arg6[%swap3A_125, %swap3A_126], %gather3A_108 {strides = array<i32>} : memref<8x128xf32, #tpu.memory_space<vmem>>, vector<16xf32>,
      %swap3A_128 = arith.constant 0 : i32
      %swap3A_129 = arith.index_cast %swap3A_128 : i32 to index
      %swap3A_130 = arith.constant 64 : index
      %swap3A_131 = tpu.vector_load %arg6[%swap3A_129, %swap3A_130] {strides = array<i32>} : memref<8x128xf32, #tpu.memory_space<vmem>>, vector<16xf32>,
      tpu.vector_store %arg6[%swap3A_129, %swap3A_130], %gather3A_109 {strides = array<i32>} : memref<8x128xf32, #tpu.memory_space<vmem>>, vector<16xf32>,
      %swap3A_132 = arith.constant 0 : i32
      %swap3A_133 = arith.index_cast %swap3A_132 : i32 to index
      %swap3A_134 = arith.constant 80 : index
      %swap3A_135 = tpu.vector_load %arg6[%swap3A_133, %swap3A_134] {strides = array<i32>} : memref<8x128xf32, #tpu.memory_space<vmem>>, vector<16xf32>,
      tpu.vector_store %arg6[%swap3A_133, %swap3A_134], %gather3A_110 {strides = array<i32>} : memref<8x128xf32, #tpu.memory_space<vmem>>, vector<16xf32>,
      %swap3A_136 = arith.constant 0 : i32
      %swap3A_137 = arith.index_cast %swap3A_136 : i32 to index
      %swap3A_138 = arith.constant 96 : index
      %swap3A_139 = tpu.vector_load %arg6[%swap3A_137, %swap3A_138] {strides = array<i32>} : memref<8x128xf32, #tpu.memory_space<vmem>>, vector<16xf32>,
      tpu.vector_store %arg6[%swap3A_137, %swap3A_138], %gather3A_111 {strides = array<i32>} : memref<8x128xf32, #tpu.memory_space<vmem>>, vector<16xf32>,
      %swap3A_140 = arith.constant 0 : i32
      %swap3A_141 = arith.index_cast %swap3A_140 : i32 to index
      %swap3A_142 = arith.constant 112 : index
      %swap3A_143 = tpu.vector_load %arg6[%swap3A_141, %swap3A_142] {strides = array<i32>} : memref<8x128xf32, #tpu.memory_space<vmem>>, vector<16xf32>,
      tpu.vector_store %arg6[%swap3A_141, %swap3A_142], %gather3A_112 {strides = array<i32>} : memref<8x128xf32, #tpu.memory_space<vmem>>, vector<16xf32>,
      %get3A_144 = arith.constant 1 : i32
      %get3A_145 = arith.index_cast %get3A_144 : i32 to index
      %get3A_146 = arith.constant 0 : index
      %get3A_147 = tpu.vector_load %arg6[%get3A_145, %get3A_146] {strides = array<i32>} : memref<8x128xf32, #tpu.memory_space<vmem>>, vector<16xf32>,
      %bitcast3A_148 = vector.bitcast %get3A_147 : vector<16xf32> to vector<16xi32>
      %get3A_149 = arith.constant 1 : i32
      %get3A_150 = arith.index_cast %get3A_149 : i32 to index
      %get3A_151 = arith.constant 16 : index
      %get3A_152 = tpu.vector_load %arg6[%get3A_150, %get3A_151] {strides = array<i32>} : memref<8x128xf32, #tpu.memory_space<vmem>>, vector<16xf32>,
      %bitcast3A_153 = vector.bitcast %get3A_152 : vector<16xf32> to vector<16xi32>
      %get3A_154 = arith.constant 1 : i32
      %get3A_155 = arith.index_cast %get3A_154 : i32 to index
      %get3A_156 = arith.constant 32 : index
      %get3A_157 = tpu.vector_load %arg6[%get3A_155, %get3A_156] {strides = array<i32>} : memref<8x128xf32, #tpu.memory_space<vmem>>, vector<16xf32>,
      %bitcast3A_158 = vector.bitcast %get3A_157 : vector<16xf32> to vector<16xi32>
      %get3A_159 = arith.constant 1 : i32
      %get3A_160 = arith.index_cast %get3A_159 : i32 to index
      %get3A_161 = arith.constant 48 : index
      %get3A_162 = tpu.vector_load %arg6[%get3A_160, %get3A_161] {strides = array<i32>} : memref<8x128xf32, #tpu.memory_space<vmem>>, vector<16xf32>,
      %bitcast3A_163 = vector.bitcast %get3A_162 : vector<16xf32> to vector<16xi32>
      %get3A_164 = arith.constant 1 : i32
      %get3A_165 = arith.index_cast %get3A_164 : i32 to index
      %get3A_166 = arith.constant 64 : index
      %get3A_167 = tpu.vector_load %arg6[%get3A_165, %get3A_166] {strides = array<i32>} : memref<8x128xf32, #tpu.memory_space<vmem>>, vector<16xf32>,
      %bitcast3A_168 = vector.bitcast %get3A_167 : vector<16xf32> to vector<16xi32>
      %get3A_169 = arith.constant 1 : i32
      %get3A_170 = arith.index_cast %get3A_169 : i32 to index
      %get3A_171 = arith.constant 80 : index
      %get3A_172 = tpu.vector_load %arg6[%get3A_170, %get3A_171] {strides = array<i32>} : memref<8x128xf32, #tpu.memory_space<vmem>>, vector<16xf32>,
      %bitcast3A_173 = vector.bitcast %get3A_172 : vector<16xf32> to vector<16xi32>
      %get3A_174 = arith.constant 1 : i32
      %get3A_175 = arith.index_cast %get3A_174 : i32 to index
      %get3A_176 = arith.constant 96 : index
      %get3A_177 = tpu.vector_load %arg6[%get3A_175, %get3A_176] {strides = array<i32>} : memref<8x128xf32, #tpu.memory_space<vmem>>, vector<16xf32>,
      %bitcast3A_178 = vector.bitcast %get3A_177 : vector<16xf32> to vector<16xi32>
      %get3A_179 = arith.constant 1 : i32
      %get3A_180 = arith.index_cast %get3A_179 : i32 to index
      %get3A_181 = arith.constant 112 : index
      %get3A_182 = tpu.vector_load %arg6[%get3A_180, %get3A_181] {strides = array<i32>} : memref<8x128xf32, #tpu.memory_space<vmem>>, vector<16xf32>,
      %bitcast3A_183 = vector.bitcast %get3A_182 : vector<16xf32> to vector<16xi32>
      %gather3A_184 = tpu.vector_load_idx %arg5[%bitcast3A_148, %add3A_5] : memref<1000x128xf32, #tpu.memory_space<vmem>>[vector<16xi32>, vector<16xi32>], vector<16xf32>,
      %gather3A_185 = tpu.vector_load_idx %arg5[%bitcast3A_153, %add3A_9] : memref<1000x128xf32, #tpu.memory_space<vmem>>[vector<16xi32>, vector<16xi32>], vector<16xf32>,
      %gather3A_186 = tpu.vector_load_idx %arg5[%bitcast3A_158, %add3A_13] : memref<1000x128xf32, #tpu.memory_space<vmem>>[vector<16xi32>, vector<16xi32>], vector<16xf32>,
      %gather3A_187 = tpu.vector_load_idx %arg5[%bitcast3A_163, %add3A_17] : memref<1000x128xf32, #tpu.memory_space<vmem>>[vector<16xi32>, vector<16xi32>], vector<16xf32>,
      %gather3A_188 = tpu.vector_load_idx %arg5[%bitcast3A_168, %add3A_21] : memref<1000x128xf32, #tpu.memory_space<vmem>>[vector<16xi32>, vector<16xi32>], vector<16xf32>,
      %gather3A_189 = tpu.vector_load_idx %arg5[%bitcast3A_173, %add3A_25] : memref<1000x128xf32, #tpu.memory_space<vmem>>[vector<16xi32>, vector<16xi32>], vector<16xf32>,
      %gather3A_190 = tpu.vector_load_idx %arg5[%bitcast3A_178, %add3A_29] : memref<1000x128xf32, #tpu.memory_space<vmem>>[vector<16xi32>, vector<16xi32>], vector<16xf32>,
      %gather3A_191 = tpu.vector_load_idx %arg5[%bitcast3A_183, %add3A_33] : memref<1000x128xf32, #tpu.memory_space<vmem>>[vector<16xi32>, vector<16xi32>], vector<16xf32>,
      %swap3A_192 = arith.constant 1 : i32
      %swap3A_193 = arith.index_cast %swap3A_192 : i32 to index
      %swap3A_194 = arith.constant 0 : index
      %swap3A_195 = tpu.vector_load %arg6[%swap3A_193, %swap3A_194] {strides = array<i32>} : memref<8x128xf32, #tpu.memory_space<vmem>>, vector<16xf32>,
      tpu.vector_store %arg6[%swap3A_193, %swap3A_194], %gather3A_184 {strides = array<i32>} : memref<8x128xf32, #tpu.memory_space<vmem>>, vector<16xf32>,
      %swap3A_196 = arith.constant 1 : i32
      %swap3A_197 = arith.index_cast %swap3A_196 : i32 to index
      %swap3A_198 = arith.constant 16 : index
      %swap3A_199 = tpu.vector_load %arg6[%swap3A_197, %swap3A_198] {strides = array<i32>} : memref<8x128xf32, #tpu.memory_space<vmem>>, vector<16xf32>,
      tpu.vector_store %arg6[%swap3A_197, %swap3A_198], %gather3A_185 {strides = array<i32>} : memref<8x128xf32, #tpu.memory_space<vmem>>, vector<16xf32>,
      %swap3A_200 = arith.constant 1 : i32
      %swap3A_201 = arith.index_cast %swap3A_200 : i32 to index
      %swap3A_202 = arith.constant 32 : index
      %swap3A_203 = tpu.vector_load %arg6[%swap3A_201, %swap3A_202] {strides = array<i32>} : memref<8x128xf32, #tpu.memory_space<vmem>>, vector<16xf32>,
      tpu.vector_store %arg6[%swap3A_201, %swap3A_202], %gather3A_186 {strides = array<i32>} : memref<8x128xf32, #tpu.memory_space<vmem>>, vector<16xf32>,
      %swap3A_204 = arith.constant 1 : i32
      %swap3A_205 = arith.index_cast %swap3A_204 : i32 to index
      %swap3A_206 = arith.constant 48 : index
      %swap3A_207 = tpu.vector_load %arg6[%swap3A_205, %swap3A_206] {strides = array<i32>} : memref<8x128xf32, #tpu.memory_space<vmem>>, vector<16xf32>,
      tpu.vector_store %arg6[%swap3A_205, %swap3A_206], %gather3A_187 {strides = array<i32>} : memref<8x128xf32, #tpu.memory_space<vmem>>, vector<16xf32>,
      %swap3A_208 = arith.constant 1 : i32
      %swap3A_209 = arith.index_cast %swap3A_208 : i32 to index
      %swap3A_210 = arith.constant 64 : index
      %swap3A_211 = tpu.vector_load %arg6[%swap3A_209, %swap3A_210] {strides = array<i32>} : memref<8x128xf32, #tpu.memory_space<vmem>>, vector<16xf32>,
      tpu.vector_store %arg6[%swap3A_209, %swap3A_210], %gather3A_188 {strides = array<i32>} : memref<8x128xf32, #tpu.memory_space<vmem>>, vector<16xf32>,
      %swap3A_212 = arith.constant 1 : i32
      %swap3A_213 = arith.index_cast %swap3A_212 : i32 to index
      %swap3A_214 = arith.constant 80 : index
      %swap3A_215 = tpu.vector_load %arg6[%swap3A_213, %swap3A_214] {strides = array<i32>} : memref<8x128xf32, #tpu.memory_space<vmem>>, vector<16xf32>,
      tpu.vector_store %arg6[%swap3A_213, %swap3A_214], %gather3A_189 {strides = array<i32>} : memref<8x128xf32, #tpu.memory_space<vmem>>, vector<16xf32>,
      %swap3A_216 = arith.constant 1 : i32
      %swap3A_217 = arith.index_cast %swap3A_216 : i32 to index
      %swap3A_218 = arith.constant 96 : index
      %swap3A_219 = tpu.vector_load %arg6[%swap3A_217, %swap3A_218] {strides = array<i32>} : memref<8x128xf32, #tpu.memory_space<vmem>>, vector<16xf32>,
      tpu.vector_store %arg6[%swap3A_217, %swap3A_218], %gather3A_190 {strides = array<i32>} : memref<8x128xf32, #tpu.memory_space<vmem>>, vector<16xf32>,
      %swap3A_220 = arith.constant 1 : i32
      %swap3A_221 = arith.index_cast %swap3A_220 : i32 to index
      %swap3A_222 = arith.constant 112 : index
      %swap3A_223 = tpu.vector_load %arg6[%swap3A_221, %swap3A_222] {strides = array<i32>} : memref<8x128xf32, #tpu.memory_space<vmem>>, vector<16xf32>,
      tpu.vector_store %arg6[%swap3A_221, %swap3A_222], %gather3A_191 {strides = array<i32>} : memref<8x128xf32, #tpu.memory_space<vmem>>, vector<16xf32>,
      %get3A_224 = arith.constant 2 : i32
      %get3A_225 = arith.index_cast %get3A_224 : i32 to index
      %get3A_226 = arith.constant 0 : index
      %get3A_227 = tpu.vector_load %arg6[%get3A_225, %get3A_226] {strides = array<i32>} : memref<8x128xf32, #tpu.memory_space<vmem>>, vector<16xf32>,
      %bitcast3A_228 = vector.bitcast %get3A_227 : vector<16xf32> to vector<16xi32>
      %get3A_229 = arith.constant 2 : i32
      %get3A_230 = arith.index_cast %get3A_229 : i32 to index
      %get3A_231 = arith.constant 16 : index
      %get3A_232 = tpu.vector_load %arg6[%get3A_230, %get3A_231] {strides = array<i32>} : memref<8x128xf32, #tpu.memory_space<vmem>>, vector<16xf32>,
      %bitcast3A_233 = vector.bitcast %get3A_232 : vector<16xf32> to vector<16xi32>
      %get3A_234 = arith.constant 2 : i32
      %get3A_235 = arith.index_cast %get3A_234 : i32 to index
      %get3A_236 = arith.constant 32 : index
      %get3A_237 = tpu.vector_load %arg6[%get3A_235, %get3A_236] {strides = array<i32>} : memref<8x128xf32, #tpu.memory_space<vmem>>, vector<16xf32>,
      %bitcast3A_238 = vector.bitcast %get3A_237 : vector<16xf32> to vector<16xi32>
      %get3A_239 = arith.constant 2 : i32
      %get3A_240 = arith.index_cast %get3A_239 : i32 to index
      %get3A_241 = arith.constant 48 : index
      %get3A_242 = tpu.vector_load %arg6[%get3A_240, %get3A_241] {strides = array<i32>} : memref<8x128xf32, #tpu.memory_space<vmem>>, vector<16xf32>,
      %bitcast3A_243 = vector.bitcast %get3A_242 : vector<16xf32> to vector<16xi32>
      %get3A_244 = arith.constant 2 : i32
      %get3A_245 = arith.index_cast %get3A_244 : i32 to index
      %get3A_246 = arith.constant 64 : index
      %get3A_247 = tpu.vector_load %arg6[%get3A_245, %get3A_246] {strides = array<i32>} : memref<8x128xf32, #tpu.memory_space<vmem>>, vector<16xf32>,
      %bitcast3A_248 = vector.bitcast %get3A_247 : vector<16xf32> to vector<16xi32>
      %get3A_249 = arith.constant 2 : i32
      %get3A_250 = arith.index_cast %get3A_249 : i32 to index
      %get3A_251 = arith.constant 80 : index
      %get3A_252 = tpu.vector_load %arg6[%get3A_250, %get3A_251] {strides = array<i32>} : memref<8x128xf32, #tpu.memory_space<vmem>>, vector<16xf32>,
      %bitcast3A_253 = vector.bitcast %get3A_252 : vector<16xf32> to vector<16xi32>
      %get3A_254 = arith.constant 2 : i32
      %get3A_255 = arith.index_cast %get3A_254 : i32 to index
      %get3A_256 = arith.constant 96 : index
      %get3A_257 = tpu.vector_load %arg6[%get3A_255, %get3A_256] {strides = array<i32>} : memref<8x128xf32, #tpu.memory_space<vmem>>, vector<16xf32>,
      %bitcast3A_258 = vector.bitcast %get3A_257 : vector<16xf32> to vector<16xi32>
      %get3A_259 = arith.constant 2 : i32
      %get3A_260 = arith.index_cast %get3A_259 : i32 to index
      %get3A_261 = arith.constant 112 : index
      %get3A_262 = tpu.vector_load %arg6[%get3A_260, %get3A_261] {strides = array<i32>} : memref<8x128xf32, #tpu.memory_space<vmem>>, vector<16xf32>,
      %bitcast3A_263 = vector.bitcast %get3A_262 : vector<16xf32> to vector<16xi32>
      %gather3A_264 = tpu.vector_load_idx %arg5[%bitcast3A_228, %add3A_5] : memref<1000x128xf32, #tpu.memory_space<vmem>>[vector<16xi32>, vector<16xi32>], vector<16xf32>,
      %gather3A_265 = tpu.vector_load_idx %arg5[%bitcast3A_233, %add3A_9] : memref<1000x128xf32, #tpu.memory_space<vmem>>[vector<16xi32>, vector<16xi32>], vector<16xf32>,
      %gather3A_266 = tpu.vector_load_idx %arg5[%bitcast3A_238, %add3A_13] : memref<1000x128xf32, #tpu.memory_space<vmem>>[vector<16xi32>, vector<16xi32>], vector<16xf32>,
      %gather3A_267 = tpu.vector_load_idx %arg5[%bitcast3A_243, %add3A_17] : memref<1000x128xf32, #tpu.memory_space<vmem>>[vector<16xi32>, vector<16xi32>], vector<16xf32>,
      %gather3A_268 = tpu.vector_load_idx %arg5[%bitcast3A_248, %add3A_21] : memref<1000x128xf32, #tpu.memory_space<vmem>>[vector<16xi32>, vector<16xi32>], vector<16xf32>,
      %gather3A_269 = tpu.vector_load_idx %arg5[%bitcast3A_253, %add3A_25] : memref<1000x128xf32, #tpu.memory_space<vmem>>[vector<16xi32>, vector<16xi32>], vector<16xf32>,
      %gather3A_270 = tpu.vector_load_idx %arg5[%bitcast3A_258, %add3A_29] : memref<1000x128xf32, #tpu.memory_space<vmem>>[vector<16xi32>, vector<16xi32>], vector<16xf32>,
      %gather3A_271 = tpu.vector_load_idx %arg5[%bitcast3A_263, %add3A_33] : memref<1000x128xf32, #tpu.memory_space<vmem>>[vector<16xi32>, vector<16xi32>], vector<16xf32>,
      %swap3A_272 = arith.constant 2 : i32
      %swap3A_273 = arith.index_cast %swap3A_272 : i32 to index
      %swap3A_274 = arith.constant 0 : index
      %swap3A_275 = tpu.vector_load %arg6[%swap3A_273, %swap3A_274] {strides = array<i32>} : memref<8x128xf32, #tpu.memory_space<vmem>>, vector<16xf32>,
      tpu.vector_store %arg6[%swap3A_273, %swap3A_274], %gather3A_264 {strides = array<i32>} : memref<8x128xf32, #tpu.memory_space<vmem>>, vector<16xf32>,
      %swap3A_276 = arith.constant 2 : i32
      %swap3A_277 = arith.index_cast %swap3A_276 : i32 to index
      %swap3A_278 = arith.constant 16 : index
      %swap3A_279 = tpu.vector_load %arg6[%swap3A_277, %swap3A_278] {strides = array<i32>} : memref<8x128xf32, #tpu.memory_space<vmem>>, vector<16xf32>,
      tpu.vector_store %arg6[%swap3A_277, %swap3A_278], %gather3A_265 {strides = array<i32>} : memref<8x128xf32, #tpu.memory_space<vmem>>, vector<16xf32>,
      %swap3A_280 = arith.constant 2 : i32
      %swap3A_281 = arith.index_cast %swap3A_280 : i32 to index
      %swap3A_282 = arith.constant 32 : index
      %swap3A_283 = tpu.vector_load %arg6[%swap3A_281, %swap3A_282] {strides = array<i32>} : memref<8x128xf32, #tpu.memory_space<vmem>>, vector<16xf32>,
      tpu.vector_store %arg6[%swap3A_281, %swap3A_282], %gather3A_266 {strides = array<i32>} : memref<8x128xf32, #tpu.memory_space<vmem>>, vector<16xf32>,
      %swap3A_284 = arith.constant 2 : i32
      %swap3A_285 = arith.index_cast %swap3A_284 : i32 to index
      %swap3A_286 = arith.constant 48 : index
      %swap3A_287 = tpu.vector_load %arg6[%swap3A_285, %swap3A_286] {strides = array<i32>} : memref<8x128xf32, #tpu.memory_space<vmem>>, vector<16xf32>,
      tpu.vector_store %arg6[%swap3A_285, %swap3A_286], %gather3A_267 {strides = array<i32>} : memref<8x128xf32, #tpu.memory_space<vmem>>, vector<16xf32>,
      %swap3A_288 = arith.constant 2 : i32
      %swap3A_289 = arith.index_cast %swap3A_288 : i32 to index
      %swap3A_290 = arith.constant 64 : index
      %swap3A_291 = tpu.vector_load %arg6[%swap3A_289, %swap3A_290] {strides = array<i32>} : memref<8x128xf32, #tpu.memory_space<vmem>>, vector<16xf32>,
      tpu.vector_store %arg6[%swap3A_289, %swap3A_290], %gather3A_268 {strides = array<i32>} : memref<8x128xf32, #tpu.memory_space<vmem>>, vector<16xf32>,
      %swap3A_292 = arith.constant 2 : i32
      %swap3A_293 = arith.index_cast %swap3A_292 : i32 to index
      %swap3A_294 = arith.constant 80 : index
      %swap3A_295 = tpu.vector_load %arg6[%swap3A_293, %swap3A_294] {strides = array<i32>} : memref<8x128xf32, #tpu.memory_space<vmem>>, vector<16xf32>,
      tpu.vector_store %arg6[%swap3A_293, %swap3A_294], %gather3A_269 {strides = array<i32>} : memref<8x128xf32, #tpu.memory_space<vmem>>, vector<16xf32>,
      %swap3A_296 = arith.constant 2 : i32
      %swap3A_297 = arith.index_cast %swap3A_296 : i32 to index
      %swap3A_298 = arith.constant 96 : index
      %swap3A_299 = tpu.vector_load %arg6[%swap3A_297, %swap3A_298] {strides = array<i32>} : memref<8x128xf32, #tpu.memory_space<vmem>>, vector<16xf32>,
      tpu.vector_store %arg6[%swap3A_297, %swap3A_298], %gather3A_270 {strides = array<i32>} : memref<8x128xf32, #tpu.memory_space<vmem>>, vector<16xf32>,
      %swap3A_300 = arith.constant 2 : i32
      %swap3A_301 = arith.index_cast %swap3A_300 : i32 to index
      %swap3A_302 = arith.constant 112 : index
      %swap3A_303 = tpu.vector_load %arg6[%swap3A_301, %swap3A_302] {strides = array<i32>} : memref<8x128xf32, #tpu.memory_space<vmem>>, vector<16xf32>,
      tpu.vector_store %arg6[%swap3A_301, %swap3A_302], %gather3A_271 {strides = array<i32>} : memref<8x128xf32, #tpu.memory_space<vmem>>, vector<16xf32>,
      %get3A_304 = arith.constant 3 : i32
      %get3A_305 = arith.index_cast %get3A_304 : i32 to index
      %get3A_306 = arith.constant 0 : index
      %get3A_307 = tpu.vector_load %arg6[%get3A_305, %get3A_306] {strides = array<i32>} : memref<8x128xf32, #tpu.memory_space<vmem>>, vector<16xf32>,
      %bitcast3A_308 = vector.bitcast %get3A_307 : vector<16xf32> to vector<16xi32>
      %get3A_309 = arith.constant 3 : i32
      %get3A_310 = arith.index_cast %get3A_309 : i32 to index
      %get3A_311 = arith.constant 16 : index
      %get3A_312 = tpu.vector_load %arg6[%get3A_310, %get3A_311] {strides = array<i32>} : memref<8x128xf32, #tpu.memory_space<vmem>>, vector<16xf32>,
      %bitcast3A_313 = vector.bitcast %get3A_312 : vector<16xf32> to vector<16xi32>
      %get3A_314 = arith.constant 3 : i32
      %get3A_315 = arith.index_cast %get3A_314 : i32 to index
      %get3A_316 = arith.constant 32 : index
      %get3A_317 = tpu.vector_load %arg6[%get3A_315, %get3A_316] {strides = array<i32>} : memref<8x128xf32, #tpu.memory_space<vmem>>, vector<16xf32>,
      %bitcast3A_318 = vector.bitcast %get3A_317 : vector<16xf32> to vector<16xi32>
      %get3A_319 = arith.constant 3 : i32
      %get3A_320 = arith.index_cast %get3A_319 : i32 to index
      %get3A_321 = arith.constant 48 : index
      %get3A_322 = tpu.vector_load %arg6[%get3A_320, %get3A_321] {strides = array<i32>} : memref<8x128xf32, #tpu.memory_space<vmem>>, vector<16xf32>,
      %bitcast3A_323 = vector.bitcast %get3A_322 : vector<16xf32> to vector<16xi32>
      %get3A_324 = arith.constant 3 : i32
      %get3A_325 = arith.index_cast %get3A_324 : i32 to index
      %get3A_326 = arith.constant 64 : index
      %get3A_327 = tpu.vector_load %arg6[%get3A_325, %get3A_326] {strides = array<i32>} : memref<8x128xf32, #tpu.memory_space<vmem>>, vector<16xf32>,
      %bitcast3A_328 = vector.bitcast %get3A_327 : vector<16xf32> to vector<16xi32>
      %get3A_329 = arith.constant 3 : i32
      %get3A_330 = arith.index_cast %get3A_329 : i32 to index
      %get3A_331 = arith.constant 80 : index
      %get3A_332 = tpu.vector_load %arg6[%get3A_330, %get3A_331] {strides = array<i32>} : memref<8x128xf32, #tpu.memory_space<vmem>>, vector<16xf32>,
      %bitcast3A_333 = vector.bitcast %get3A_332 : vector<16xf32> to vector<16xi32>
      %get3A_334 = arith.constant 3 : i32
      %get3A_335 = arith.index_cast %get3A_334 : i32 to index
      %get3A_336 = arith.constant 96 : index
      %get3A_337 = tpu.vector_load %arg6[%get3A_335, %get3A_336] {strides = array<i32>} : memref<8x128xf32, #tpu.memory_space<vmem>>, vector<16xf32>,
      %bitcast3A_338 = vector.bitcast %get3A_337 : vector<16xf32> to vector<16xi32>
      %get3A_339 = arith.constant 3 : i32
      %get3A_340 = arith.index_cast %get3A_339 : i32 to index
      %get3A_341 = arith.constant 112 : index
      %get3A_342 = tpu.vector_load %arg6[%get3A_340, %get3A_341] {strides = array<i32>} : memref<8x128xf32, #tpu.memory_space<vmem>>, vector<16xf32>,
      %bitcast3A_343 = vector.bitcast %get3A_342 : vector<16xf32> to vector<16xi32>
      %gather3A_344 = tpu.vector_load_idx %arg5[%bitcast3A_308, %add3A_5] : memref<1000x128xf32, #tpu.memory_space<vmem>>[vector<16xi32>, vector<16xi32>], vector<16xf32>,
      %gather3A_345 = tpu.vector_load_idx %arg5[%bitcast3A_313, %add3A_9] : memref<1000x128xf32, #tpu.memory_space<vmem>>[vector<16xi32>, vector<16xi32>], vector<16xf32>,
      %gather3A_346 = tpu.vector_load_idx %arg5[%bitcast3A_318, %add3A_13] : memref<1000x128xf32, #tpu.memory_space<vmem>>[vector<16xi32>, vector<16xi32>], vector<16xf32>,
      %gather3A_347 = tpu.vector_load_idx %arg5[%bitcast3A_323, %add3A_17] : memref<1000x128xf32, #tpu.memory_space<vmem>>[vector<16xi32>, vector<16xi32>], vector<16xf32>,
      %gather3A_348 = tpu.vector_load_idx %arg5[%bitcast3A_328, %add3A_21] : memref<1000x128xf32, #tpu.memory_space<vmem>>[vector<16xi32>, vector<16xi32>], vector<16xf32>,
      %gather3A_349 = tpu.vector_load_idx %arg5[%bitcast3A_333, %add3A_25] : memref<1000x128xf32, #tpu.memory_space<vmem>>[vector<16xi32>, vector<16xi32>], vector<16xf32>,
      %gather3A_350 = tpu.vector_load_idx %arg5[%bitcast3A_338, %add3A_29] : memref<1000x128xf32, #tpu.memory_space<vmem>>[vector<16xi32>, vector<16xi32>], vector<16xf32>,
      %gather3A_351 = tpu.vector_load_idx %arg5[%bitcast3A_343, %add3A_33] : memref<1000x128xf32, #tpu.memory_space<vmem>>[vector<16xi32>, vector<16xi32>], vector<16xf32>,
      %swap3A_352 = arith.constant 3 : i32
      %swap3A_353 = arith.index_cast %swap3A_352 : i32 to index
      %swap3A_354 = arith.constant 0 : index
      %swap3A_355 = tpu.vector_load %arg6[%swap3A_353, %swap3A_354] {strides = array<i32>} : memref<8x128xf32, #tpu.memory_space<vmem>>, vector<16xf32>,
      tpu.vector_store %arg6[%swap3A_353, %swap3A_354], %gather3A_344 {strides = array<i32>} : memref<8x128xf32, #tpu.memory_space<vmem>>, vector<16xf32>,
      %swap3A_356 = arith.constant 3 : i32
      %swap3A_357 = arith.index_cast %swap3A_356 : i32 to index
      %swap3A_358 = arith.constant 16 : index
      %swap3A_359 = tpu.vector_load %arg6[%swap3A_357, %swap3A_358] {strides = array<i32>} : memref<8x128xf32, #tpu.memory_space<vmem>>, vector<16xf32>,
      tpu.vector_store %arg6[%swap3A_357, %swap3A_358], %gather3A_345 {strides = array<i32>} : memref<8x128xf32, #tpu.memory_space<vmem>>, vector<16xf32>,
      %swap3A_360 = arith.constant 3 : i32
      %swap3A_361 = arith.index_cast %swap3A_360 : i32 to index
      %swap3A_362 = arith.constant 32 : index
      %swap3A_363 = tpu.vector_load %arg6[%swap3A_361, %swap3A_362] {strides = array<i32>} : memref<8x128xf32, #tpu.memory_space<vmem>>, vector<16xf32>,
      tpu.vector_store %arg6[%swap3A_361, %swap3A_362], %gather3A_346 {strides = array<i32>} : memref<8x128xf32, #tpu.memory_space<vmem>>, vector<16xf32>,
      %swap3A_364 = arith.constant 3 : i32
      %swap3A_365 = arith.index_cast %swap3A_364 : i32 to index
      %swap3A_366 = arith.constant 48 : index
      %swap3A_367 = tpu.vector_load %arg6[%swap3A_365, %swap3A_366] {strides = array<i32>} : memref<8x128xf32, #tpu.memory_space<vmem>>, vector<16xf32>,
      tpu.vector_store %arg6[%swap3A_365, %swap3A_366], %gather3A_347 {strides = array<i32>} : memref<8x128xf32, #tpu.memory_space<vmem>>, vector<16xf32>,
      %swap3A_368 = arith.constant 3 : i32
      %swap3A_369 = arith.index_cast %swap3A_368 : i32 to index
      %swap3A_370 = arith.constant 64 : index
      %swap3A_371 = tpu.vector_load %arg6[%swap3A_369, %swap3A_370] {strides = array<i32>} : memref<8x128xf32, #tpu.memory_space<vmem>>, vector<16xf32>,
      tpu.vector_store %arg6[%swap3A_369, %swap3A_370], %gather3A_348 {strides = array<i32>} : memref<8x128xf32, #tpu.memory_space<vmem>>, vector<16xf32>,
      %swap3A_372 = arith.constant 3 : i32
      %swap3A_373 = arith.index_cast %swap3A_372 : i32 to index
      %swap3A_374 = arith.constant 80 : index
      %swap3A_375 = tpu.vector_load %arg6[%swap3A_373, %swap3A_374] {strides = array<i32>} : memref<8x128xf32, #tpu.memory_space<vmem>>, vector<16xf32>,
      tpu.vector_store %arg6[%swap3A_373, %swap3A_374], %gather3A_349 {strides = array<i32>} : memref<8x128xf32, #tpu.memory_space<vmem>>, vector<16xf32>,
      %swap3A_376 = arith.constant 3 : i32
      %swap3A_377 = arith.index_cast %swap3A_376 : i32 to index
      %swap3A_378 = arith.constant 96 : index
      %swap3A_379 = tpu.vector_load %arg6[%swap3A_377, %swap3A_378] {strides = array<i32>} : memref<8x128xf32, #tpu.memory_space<vmem>>, vector<16xf32>,
      tpu.vector_store %arg6[%swap3A_377, %swap3A_378], %gather3A_350 {strides = array<i32>} : memref<8x128xf32, #tpu.memory_space<vmem>>, vector<16xf32>,
      %swap3A_380 = arith.constant 3 : i32
      %swap3A_381 = arith.index_cast %swap3A_380 : i32 to index
      %swap3A_382 = arith.constant 112 : index
      %swap3A_383 = tpu.vector_load %arg6[%swap3A_381, %swap3A_382] {strides = array<i32>} : memref<8x128xf32, #tpu.memory_space<vmem>>, vector<16xf32>,
      tpu.vector_store %arg6[%swap3A_381, %swap3A_382], %gather3A_351 {strides = array<i32>} : memref<8x128xf32, #tpu.memory_space<vmem>>, vector<16xf32>,
      %get3A_384 = arith.constant 4 : i32
      %get3A_385 = arith.index_cast %get3A_384 : i32 to index
      %get3A_386 = arith.constant 0 : index
      %get3A_387 = tpu.vector_load %arg6[%get3A_385, %get3A_386] {strides = array<i32>} : memref<8x128xf32, #tpu.memory_space<vmem>>, vector<16xf32>,
      %bitcast3A_388 = vector.bitcast %get3A_387 : vector<16xf32> to vector<16xi32>
      %get3A_389 = arith.constant 4 : i32
      %get3A_390 = arith.index_cast %get3A_389 : i32 to index
      %get3A_391 = arith.constant 16 : index
      %get3A_392 = tpu.vector_load %arg6[%get3A_390, %get3A_391] {strides = array<i32>} : memref<8x128xf32, #tpu.memory_space<vmem>>, vector<16xf32>,
      %bitcast3A_393 = vector.bitcast %get3A_392 : vector<16xf32> to vector<16xi32>
      %get3A_394 = arith.constant 4 : i32
      %get3A_395 = arith.index_cast %get3A_394 : i32 to index
      %get3A_396 = arith.constant 32 : index
      %get3A_397 = tpu.vector_load %arg6[%get3A_395, %get3A_396] {strides = array<i32>} : memref<8x128xf32, #tpu.memory_space<vmem>>, vector<16xf32>,
      %bitcast3A_398 = vector.bitcast %get3A_397 : vector<16xf32> to vector<16xi32>
      %get3A_399 = arith.constant 4 : i32
      %get3A_400 = arith.index_cast %get3A_399 : i32 to index
      %get3A_401 = arith.constant 48 : index
      %get3A_402 = tpu.vector_load %arg6[%get3A_400, %get3A_401] {strides = array<i32>} : memref<8x128xf32, #tpu.memory_space<vmem>>, vector<16xf32>,
      %bitcast3A_403 = vector.bitcast %get3A_402 : vector<16xf32> to vector<16xi32>
      %get3A_404 = arith.constant 4 : i32
      %get3A_405 = arith.index_cast %get3A_404 : i32 to index
      %get3A_406 = arith.constant 64 : index
      %get3A_407 = tpu.vector_load %arg6[%get3A_405, %get3A_406] {strides = array<i32>} : memref<8x128xf32, #tpu.memory_space<vmem>>, vector<16xf32>,
      %bitcast3A_408 = vector.bitcast %get3A_407 : vector<16xf32> to vector<16xi32>
      %get3A_409 = arith.constant 4 : i32
      %get3A_410 = arith.index_cast %get3A_409 : i32 to index
      %get3A_411 = arith.constant 80 : index
      %get3A_412 = tpu.vector_load %arg6[%get3A_410, %get3A_411] {strides = array<i32>} : memref<8x128xf32, #tpu.memory_space<vmem>>, vector<16xf32>,
      %bitcast3A_413 = vector.bitcast %get3A_412 : vector<16xf32> to vector<16xi32>
      %get3A_414 = arith.constant 4 : i32
      %get3A_415 = arith.index_cast %get3A_414 : i32 to index
      %get3A_416 = arith.constant 96 : index
      %get3A_417 = tpu.vector_load %arg6[%get3A_415, %get3A_416] {strides = array<i32>} : memref<8x128xf32, #tpu.memory_space<vmem>>, vector<16xf32>,
      %bitcast3A_418 = vector.bitcast %get3A_417 : vector<16xf32> to vector<16xi32>
      %get3A_419 = arith.constant 4 : i32
      %get3A_420 = arith.index_cast %get3A_419 : i32 to index
      %get3A_421 = arith.constant 112 : index
      %get3A_422 = tpu.vector_load %arg6[%get3A_420, %get3A_421] {strides = array<i32>} : memref<8x128xf32, #tpu.memory_space<vmem>>, vector<16xf32>,
      %bitcast3A_423 = vector.bitcast %get3A_422 : vector<16xf32> to vector<16xi32>
      %gather3A_424 = tpu.vector_load_idx %arg5[%bitcast3A_388, %add3A_5] : memref<1000x128xf32, #tpu.memory_space<vmem>>[vector<16xi32>, vector<16xi32>], vector<16xf32>,
      %gather3A_425 = tpu.vector_load_idx %arg5[%bitcast3A_393, %add3A_9] : memref<1000x128xf32, #tpu.memory_space<vmem>>[vector<16xi32>, vector<16xi32>], vector<16xf32>,
      %gather3A_426 = tpu.vector_load_idx %arg5[%bitcast3A_398, %add3A_13] : memref<1000x128xf32, #tpu.memory_space<vmem>>[vector<16xi32>, vector<16xi32>], vector<16xf32>,
      %gather3A_427 = tpu.vector_load_idx %arg5[%bitcast3A_403, %add3A_17] : memref<1000x128xf32, #tpu.memory_space<vmem>>[vector<16xi32>, vector<16xi32>], vector<16xf32>,
      %gather3A_428 = tpu.vector_load_idx %arg5[%bitcast3A_408, %add3A_21] : memref<1000x128xf32, #tpu.memory_space<vmem>>[vector<16xi32>, vector<16xi32>], vector<16xf32>,
      %gather3A_429 = tpu.vector_load_idx %arg5[%bitcast3A_413, %add3A_25] : memref<1000x128xf32, #tpu.memory_space<vmem>>[vector<16xi32>, vector<16xi32>], vector<16xf32>,
      %gather3A_430 = tpu.vector_load_idx %arg5[%bitcast3A_418, %add3A_29] : memref<1000x128xf32, #tpu.memory_space<vmem>>[vector<16xi32>, vector<16xi32>], vector<16xf32>,
      %gather3A_431 = tpu.vector_load_idx %arg5[%bitcast3A_423, %add3A_33] : memref<1000x128xf32, #tpu.memory_space<vmem>>[vector<16xi32>, vector<16xi32>], vector<16xf32>,
      %swap3A_432 = arith.constant 4 : i32
      %swap3A_433 = arith.index_cast %swap3A_432 : i32 to index
      %swap3A_434 = arith.constant 0 : index
      %swap3A_435 = tpu.vector_load %arg6[%swap3A_433, %swap3A_434] {strides = array<i32>} : memref<8x128xf32, #tpu.memory_space<vmem>>, vector<16xf32>,
      tpu.vector_store %arg6[%swap3A_433, %swap3A_434], %gather3A_424 {strides = array<i32>} : memref<8x128xf32, #tpu.memory_space<vmem>>, vector<16xf32>,
      %swap3A_436 = arith.constant 4 : i32
      %swap3A_437 = arith.index_cast %swap3A_436 : i32 to index
      %swap3A_438 = arith.constant 16 : index
      %swap3A_439 = tpu.vector_load %arg6[%swap3A_437, %swap3A_438] {strides = array<i32>} : memref<8x128xf32, #tpu.memory_space<vmem>>, vector<16xf32>,
      tpu.vector_store %arg6[%swap3A_437, %swap3A_438], %gather3A_425 {strides = array<i32>} : memref<8x128xf32, #tpu.memory_space<vmem>>, vector<16xf32>,
      %swap3A_440 = arith.constant 4 : i32
      %swap3A_441 = arith.index_cast %swap3A_440 : i32 to index
      %swap3A_442 = arith.constant 32 : index
      %swap3A_443 = tpu.vector_load %arg6[%swap3A_441, %swap3A_442] {strides = array<i32>} : memref<8x128xf32, #tpu.memory_space<vmem>>, vector<16xf32>,
      tpu.vector_store %arg6[%swap3A_441, %swap3A_442], %gather3A_426 {strides = array<i32>} : memref<8x128xf32, #tpu.memory_space<vmem>>, vector<16xf32>,
      %swap3A_444 = arith.constant 4 : i32
      %swap3A_445 = arith.index_cast %swap3A_444 : i32 to index
      %swap3A_446 = arith.constant 48 : index
      %swap3A_447 = tpu.vector_load %arg6[%swap3A_445, %swap3A_446] {strides = array<i32>} : memref<8x128xf32, #tpu.memory_space<vmem>>, vector<16xf32>,
      tpu.vector_store %arg6[%swap3A_445, %swap3A_446], %gather3A_427 {strides = array<i32>} : memref<8x128xf32, #tpu.memory_space<vmem>>, vector<16xf32>,
      %swap3A_448 = arith.constant 4 : i32
      %swap3A_449 = arith.index_cast %swap3A_448 : i32 to index
      %swap3A_450 = arith.constant 64 : index
      %swap3A_451 = tpu.vector_load %arg6[%swap3A_449, %swap3A_450] {strides = array<i32>} : memref<8x128xf32, #tpu.memory_space<vmem>>, vector<16xf32>,
      tpu.vector_store %arg6[%swap3A_449, %swap3A_450], %gather3A_428 {strides = array<i32>} : memref<8x128xf32, #tpu.memory_space<vmem>>, vector<16xf32>,
      %swap3A_452 = arith.constant 4 : i32
      %swap3A_453 = arith.index_cast %swap3A_452 : i32 to index
      %swap3A_454 = arith.constant 80 : index
      %swap3A_455 = tpu.vector_load %arg6[%swap3A_453, %swap3A_454] {strides = array<i32>} : memref<8x128xf32, #tpu.memory_space<vmem>>, vector<16xf32>,
      tpu.vector_store %arg6[%swap3A_453, %swap3A_454], %gather3A_429 {strides = array<i32>} : memref<8x128xf32, #tpu.memory_space<vmem>>, vector<16xf32>,
      %swap3A_456 = arith.constant 4 : i32
      %swap3A_457 = arith.index_cast %swap3A_456 : i32 to index
      %swap3A_458 = arith.constant 96 : index
      %swap3A_459 = tpu.vector_load %arg6[%swap3A_457, %swap3A_458] {strides = array<i32>} : memref<8x128xf32, #tpu.memory_space<vmem>>, vector<16xf32>,
      tpu.vector_store %arg6[%swap3A_457, %swap3A_458], %gather3A_430 {strides = array<i32>} : memref<8x128xf32, #tpu.memory_space<vmem>>, vector<16xf32>,
      %swap3A_460 = arith.constant 4 : i32
      %swap3A_461 = arith.index_cast %swap3A_460 : i32 to index
      %swap3A_462 = arith.constant 112 : index
      %swap3A_463 = tpu.vector_load %arg6[%swap3A_461, %swap3A_462] {strides = array<i32>} : memref<8x128xf32, #tpu.memory_space<vmem>>, vector<16xf32>,
      tpu.vector_store %arg6[%swap3A_461, %swap3A_462], %gather3A_431 {strides = array<i32>} : memref<8x128xf32, #tpu.memory_space<vmem>>, vector<16xf32>,
      %get3A_464 = arith.constant 5 : i32
      %get3A_465 = arith.index_cast %get3A_464 : i32 to index
      %get3A_466 = arith.constant 0 : index
      %get3A_467 = tpu.vector_load %arg6[%get3A_465, %get3A_466] {strides = array<i32>} : memref<8x128xf32, #tpu.memory_space<vmem>>, vector<16xf32>,
      %bitcast3A_468 = vector.bitcast %get3A_467 : vector<16xf32> to vector<16xi32>
      %get3A_469 = arith.constant 5 : i32
      %get3A_470 = arith.index_cast %get3A_469 : i32 to index
      %get3A_471 = arith.constant 16 : index
      %get3A_472 = tpu.vector_load %arg6[%get3A_470, %get3A_471] {strides = array<i32>} : memref<8x128xf32, #tpu.memory_space<vmem>>, vector<16xf32>,
      %bitcast3A_473 = vector.bitcast %get3A_472 : vector<16xf32> to vector<16xi32>
      %get3A_474 = arith.constant 5 : i32
      %get3A_475 = arith.index_cast %get3A_474 : i32 to index
      %get3A_476 = arith.constant 32 : index
      %get3A_477 = tpu.vector_load %arg6[%get3A_475, %get3A_476] {strides = array<i32>} : memref<8x128xf32, #tpu.memory_space<vmem>>, vector<16xf32>,
      %bitcast3A_478 = vector.bitcast %get3A_477 : vector<16xf32> to vector<16xi32>
      %get3A_479 = arith.constant 5 : i32
      %get3A_480 = arith.index_cast %get3A_479 : i32 to index
      %get3A_481 = arith.constant 48 : index
      %get3A_482 = tpu.vector_load %arg6[%get3A_480, %get3A_481] {strides = array<i32>} : memref<8x128xf32, #tpu.memory_space<vmem>>, vector<16xf32>,
      %bitcast3A_483 = vector.bitcast %get3A_482 : vector<16xf32> to vector<16xi32>
      %get3A_484 = arith.constant 5 : i32
      %get3A_485 = arith.index_cast %get3A_484 : i32 to index
      %get3A_486 = arith.constant 64 : index
      %get3A_487 = tpu.vector_load %arg6[%get3A_485, %get3A_486] {strides = array<i32>} : memref<8x128xf32, #tpu.memory_space<vmem>>, vector<16xf32>,
      %bitcast3A_488 = vector.bitcast %get3A_487 : vector<16xf32> to vector<16xi32>
      %get3A_489 = arith.constant 5 : i32
      %get3A_490 = arith.index_cast %get3A_489 : i32 to index
      %get3A_491 = arith.constant 80 : index
      %get3A_492 = tpu.vector_load %arg6[%get3A_490, %get3A_491] {strides = array<i32>} : memref<8x128xf32, #tpu.memory_space<vmem>>, vector<16xf32>,
      %bitcast3A_493 = vector.bitcast %get3A_492 : vector<16xf32> to vector<16xi32>
      %get3A_494 = arith.constant 5 : i32
      %get3A_495 = arith.index_cast %get3A_494 : i32 to index
      %get3A_496 = arith.constant 96 : index
      %get3A_497 = tpu.vector_load %arg6[%get3A_495, %get3A_496] {strides = array<i32>} : memref<8x128xf32, #tpu.memory_space<vmem>>, vector<16xf32>,
      %bitcast3A_498 = vector.bitcast %get3A_497 : vector<16xf32> to vector<16xi32>
      %get3A_499 = arith.constant 5 : i32
      %get3A_500 = arith.index_cast %get3A_499 : i32 to index
      %get3A_501 = arith.constant 112 : index
      %get3A_502 = tpu.vector_load %arg6[%get3A_500, %get3A_501] {strides = array<i32>} : memref<8x128xf32, #tpu.memory_space<vmem>>, vector<16xf32>,
      %bitcast3A_503 = vector.bitcast %get3A_502 : vector<16xf32> to vector<16xi32>
      %gather3A_504 = tpu.vector_load_idx %arg5[%bitcast3A_468, %add3A_5] : memref<1000x128xf32, #tpu.memory_space<vmem>>[vector<16xi32>, vector<16xi32>], vector<16xf32>,
      %gather3A_505 = tpu.vector_load_idx %arg5[%bitcast3A_473, %add3A_9] : memref<1000x128xf32, #tpu.memory_space<vmem>>[vector<16xi32>, vector<16xi32>], vector<16xf32>,
      %gather3A_506 = tpu.vector_load_idx %arg5[%bitcast3A_478, %add3A_13] : memref<1000x128xf32, #tpu.memory_space<vmem>>[vector<16xi32>, vector<16xi32>], vector<16xf32>,
      %gather3A_507 = tpu.vector_load_idx %arg5[%bitcast3A_483, %add3A_17] : memref<1000x128xf32, #tpu.memory_space<vmem>>[vector<16xi32>, vector<16xi32>], vector<16xf32>,
      %gather3A_508 = tpu.vector_load_idx %arg5[%bitcast3A_488, %add3A_21] : memref<1000x128xf32, #tpu.memory_space<vmem>>[vector<16xi32>, vector<16xi32>], vector<16xf32>,
      %gather3A_509 = tpu.vector_load_idx %arg5[%bitcast3A_493, %add3A_25] : memref<1000x128xf32, #tpu.memory_space<vmem>>[vector<16xi32>, vector<16xi32>], vector<16xf32>,
      %gather3A_510 = tpu.vector_load_idx %arg5[%bitcast3A_498, %add3A_29] : memref<1000x128xf32, #tpu.memory_space<vmem>>[vector<16xi32>, vector<16xi32>], vector<16xf32>,
      %gather3A_511 = tpu.vector_load_idx %arg5[%bitcast3A_503, %add3A_33] : memref<1000x128xf32, #tpu.memory_space<vmem>>[vector<16xi32>, vector<16xi32>], vector<16xf32>,
      %swap3A_512 = arith.constant 5 : i32
      %swap3A_513 = arith.index_cast %swap3A_512 : i32 to index
      %swap3A_514 = arith.constant 0 : index
      %swap3A_515 = tpu.vector_load %arg6[%swap3A_513, %swap3A_514] {strides = array<i32>} : memref<8x128xf32, #tpu.memory_space<vmem>>, vector<16xf32>,
      tpu.vector_store %arg6[%swap3A_513, %swap3A_514], %gather3A_504 {strides = array<i32>} : memref<8x128xf32, #tpu.memory_space<vmem>>, vector<16xf32>,
      %swap3A_516 = arith.constant 5 : i32
      %swap3A_517 = arith.index_cast %swap3A_516 : i32 to index
      %swap3A_518 = arith.constant 16 : index
      %swap3A_519 = tpu.vector_load %arg6[%swap3A_517, %swap3A_518] {strides = array<i32>} : memref<8x128xf32, #tpu.memory_space<vmem>>, vector<16xf32>,
      tpu.vector_store %arg6[%swap3A_517, %swap3A_518], %gather3A_505 {strides = array<i32>} : memref<8x128xf32, #tpu.memory_space<vmem>>, vector<16xf32>,
      %swap3A_520 = arith.constant 5 : i32
      %swap3A_521 = arith.index_cast %swap3A_520 : i32 to index
      %swap3A_522 = arith.constant 32 : index
      %swap3A_523 = tpu.vector_load %arg6[%swap3A_521, %swap3A_522] {strides = array<i32>} : memref<8x128xf32, #tpu.memory_space<vmem>>, vector<16xf32>,
      tpu.vector_store %arg6[%swap3A_521, %swap3A_522], %gather3A_506 {strides = array<i32>} : memref<8x128xf32, #tpu.memory_space<vmem>>, vector<16xf32>,
      %swap3A_524 = arith.constant 5 : i32
      %swap3A_525 = arith.index_cast %swap3A_524 : i32 to index
      %swap3A_526 = arith.constant 48 : index
      %swap3A_527 = tpu.vector_load %arg6[%swap3A_525, %swap3A_526] {strides = array<i32>} : memref<8x128xf32, #tpu.memory_space<vmem>>, vector<16xf32>,
      tpu.vector_store %arg6[%swap3A_525, %swap3A_526], %gather3A_507 {strides = array<i32>} : memref<8x128xf32, #tpu.memory_space<vmem>>, vector<16xf32>,
      %swap3A_528 = arith.constant 5 : i32
      %swap3A_529 = arith.index_cast %swap3A_528 : i32 to index
      %swap3A_530 = arith.constant 64 : index
      %swap3A_531 = tpu.vector_load %arg6[%swap3A_529, %swap3A_530] {strides = array<i32>} : memref<8x128xf32, #tpu.memory_space<vmem>>, vector<16xf32>,
      tpu.vector_store %arg6[%swap3A_529, %swap3A_530], %gather3A_508 {strides = array<i32>} : memref<8x128xf32, #tpu.memory_space<vmem>>, vector<16xf32>,
      %swap3A_532 = arith.constant 5 : i32
      %swap3A_533 = arith.index_cast %swap3A_532 : i32 to index
      %swap3A_534 = arith.constant 80 : index
      %swap3A_535 = tpu.vector_load %arg6[%swap3A_533, %swap3A_534] {strides = array<i32>} : memref<8x128xf32, #tpu.memory_space<vmem>>, vector<16xf32>,
      tpu.vector_store %arg6[%swap3A_533, %swap3A_534], %gather3A_509 {strides = array<i32>} : memref<8x128xf32, #tpu.memory_space<vmem>>, vector<16xf32>,
      %swap3A_536 = arith.constant 5 : i32
      %swap3A_537 = arith.index_cast %swap3A_536 : i32 to index
      %swap3A_538 = arith.constant 96 : index
      %swap3A_539 = tpu.vector_load %arg6[%swap3A_537, %swap3A_538] {strides = array<i32>} : memref<8x128xf32, #tpu.memory_space<vmem>>, vector<16xf32>,
      tpu.vector_store %arg6[%swap3A_537, %swap3A_538], %gather3A_510 {strides = array<i32>} : memref<8x128xf32, #tpu.memory_space<vmem>>, vector<16xf32>,
      %swap3A_540 = arith.constant 5 : i32
      %swap3A_541 = arith.index_cast %swap3A_540 : i32 to index
      %swap3A_542 = arith.constant 112 : index
      %swap3A_543 = tpu.vector_load %arg6[%swap3A_541, %swap3A_542] {strides = array<i32>} : memref<8x128xf32, #tpu.memory_space<vmem>>, vector<16xf32>,
      tpu.vector_store %arg6[%swap3A_541, %swap3A_542], %gather3A_511 {strides = array<i32>} : memref<8x128xf32, #tpu.memory_space<vmem>>, vector<16xf32>,
      %get3A_544 = arith.constant 6 : i32
      %get3A_545 = arith.index_cast %get3A_544 : i32 to index
      %get3A_546 = arith.constant 0 : index
      %get3A_547 = tpu.vector_load %arg6[%get3A_545, %get3A_546] {strides = array<i32>} : memref<8x128xf32, #tpu.memory_space<vmem>>, vector<16xf32>,
      %bitcast3A_548 = vector.bitcast %get3A_547 : vector<16xf32> to vector<16xi32>
      %get3A_549 = arith.constant 6 : i32
      %get3A_550 = arith.index_cast %get3A_549 : i32 to index
      %get3A_551 = arith.constant 16 : index
      %get3A_552 = tpu.vector_load %arg6[%get3A_550, %get3A_551] {strides = array<i32>} : memref<8x128xf32, #tpu.memory_space<vmem>>, vector<16xf32>,
      %bitcast3A_553 = vector.bitcast %get3A_552 : vector<16xf32> to vector<16xi32>
      %get3A_554 = arith.constant 6 : i32
      %get3A_555 = arith.index_cast %get3A_554 : i32 to index
      %get3A_556 = arith.constant 32 : index
      %get3A_557 = tpu.vector_load %arg6[%get3A_555, %get3A_556] {strides = array<i32>} : memref<8x128xf32, #tpu.memory_space<vmem>>, vector<16xf32>,
      %bitcast3A_558 = vector.bitcast %get3A_557 : vector<16xf32> to vector<16xi32>
      %get3A_559 = arith.constant 6 : i32
      %get3A_560 = arith.index_cast %get3A_559 : i32 to index
      %get3A_561 = arith.constant 48 : index
      %get3A_562 = tpu.vector_load %arg6[%get3A_560, %get3A_561] {strides = array<i32>} : memref<8x128xf32, #tpu.memory_space<vmem>>, vector<16xf32>,
      %bitcast3A_563 = vector.bitcast %get3A_562 : vector<16xf32> to vector<16xi32>
      %get3A_564 = arith.constant 6 : i32
      %get3A_565 = arith.index_cast %get3A_564 : i32 to index
      %get3A_566 = arith.constant 64 : index
      %get3A_567 = tpu.vector_load %arg6[%get3A_565, %get3A_566] {strides = array<i32>} : memref<8x128xf32, #tpu.memory_space<vmem>>, vector<16xf32>,
      %bitcast3A_568 = vector.bitcast %get3A_567 : vector<16xf32> to vector<16xi32>
      %get3A_569 = arith.constant 6 : i32
      %get3A_570 = arith.index_cast %get3A_569 : i32 to index
      %get3A_571 = arith.constant 80 : index
      %get3A_572 = tpu.vector_load %arg6[%get3A_570, %get3A_571] {strides = array<i32>} : memref<8x128xf32, #tpu.memory_space<vmem>>, vector<16xf32>,
      %bitcast3A_573 = vector.bitcast %get3A_572 : vector<16xf32> to vector<16xi32>
      %get3A_574 = arith.constant 6 : i32
      %get3A_575 = arith.index_cast %get3A_574 : i32 to index
      %get3A_576 = arith.constant 96 : index
      %get3A_577 = tpu.vector_load %arg6[%get3A_575, %get3A_576] {strides = array<i32>} : memref<8x128xf32, #tpu.memory_space<vmem>>, vector<16xf32>,
      %bitcast3A_578 = vector.bitcast %get3A_577 : vector<16xf32> to vector<16xi32>
      %get3A_579 = arith.constant 6 : i32
      %get3A_580 = arith.index_cast %get3A_579 : i32 to index
      %get3A_581 = arith.constant 112 : index
      %get3A_582 = tpu.vector_load %arg6[%get3A_580, %get3A_581] {strides = array<i32>} : memref<8x128xf32, #tpu.memory_space<vmem>>, vector<16xf32>,
      %bitcast3A_583 = vector.bitcast %get3A_582 : vector<16xf32> to vector<16xi32>
      %gather3A_584 = tpu.vector_load_idx %arg5[%bitcast3A_548, %add3A_5] : memref<1000x128xf32, #tpu.memory_space<vmem>>[vector<16xi32>, vector<16xi32>], vector<16xf32>,
      %gather3A_585 = tpu.vector_load_idx %arg5[%bitcast3A_553, %add3A_9] : memref<1000x128xf32, #tpu.memory_space<vmem>>[vector<16xi32>, vector<16xi32>], vector<16xf32>,
      %gather3A_586 = tpu.vector_load_idx %arg5[%bitcast3A_558, %add3A_13] : memref<1000x128xf32, #tpu.memory_space<vmem>>[vector<16xi32>, vector<16xi32>], vector<16xf32>,
      %gather3A_587 = tpu.vector_load_idx %arg5[%bitcast3A_563, %add3A_17] : memref<1000x128xf32, #tpu.memory_space<vmem>>[vector<16xi32>, vector<16xi32>], vector<16xf32>,
      %gather3A_588 = tpu.vector_load_idx %arg5[%bitcast3A_568, %add3A_21] : memref<1000x128xf32, #tpu.memory_space<vmem>>[vector<16xi32>, vector<16xi32>], vector<16xf32>,
      %gather3A_589 = tpu.vector_load_idx %arg5[%bitcast3A_573, %add3A_25] : memref<1000x128xf32, #tpu.memory_space<vmem>>[vector<16xi32>, vector<16xi32>], vector<16xf32>,
      %gather3A_590 = tpu.vector_load_idx %arg5[%bitcast3A_578, %add3A_29] : memref<1000x128xf32, #tpu.memory_space<vmem>>[vector<16xi32>, vector<16xi32>], vector<16xf32>,
      %gather3A_591 = tpu.vector_load_idx %arg5[%bitcast3A_583, %add3A_33] : memref<1000x128xf32, #tpu.memory_space<vmem>>[vector<16xi32>, vector<16xi32>], vector<16xf32>,
      %swap3A_592 = arith.constant 6 : i32
      %swap3A_593 = arith.index_cast %swap3A_592 : i32 to index
      %swap3A_594 = arith.constant 0 : index
      %swap3A_595 = tpu.vector_load %arg6[%swap3A_593, %swap3A_594] {strides = array<i32>} : memref<8x128xf32, #tpu.memory_space<vmem>>, vector<16xf32>,
      tpu.vector_store %arg6[%swap3A_593, %swap3A_594], %gather3A_584 {strides = array<i32>} : memref<8x128xf32, #tpu.memory_space<vmem>>, vector<16xf32>,
      %swap3A_596 = arith.constant 6 : i32
      %swap3A_597 = arith.index_cast %swap3A_596 : i32 to index
      %swap3A_598 = arith.constant 16 : index
      %swap3A_599 = tpu.vector_load %arg6[%swap3A_597, %swap3A_598] {strides = array<i32>} : memref<8x128xf32, #tpu.memory_space<vmem>>, vector<16xf32>,
      tpu.vector_store %arg6[%swap3A_597, %swap3A_598], %gather3A_585 {strides = array<i32>} : memref<8x128xf32, #tpu.memory_space<vmem>>, vector<16xf32>,
      %swap3A_600 = arith.constant 6 : i32
      %swap3A_601 = arith.index_cast %swap3A_600 : i32 to index
      %swap3A_602 = arith.constant 32 : index
      %swap3A_603 = tpu.vector_load %arg6[%swap3A_601, %swap3A_602] {strides = array<i32>} : memref<8x128xf32, #tpu.memory_space<vmem>>, vector<16xf32>,
      tpu.vector_store %arg6[%swap3A_601, %swap3A_602], %gather3A_586 {strides = array<i32>} : memref<8x128xf32, #tpu.memory_space<vmem>>, vector<16xf32>,
      %swap3A_604 = arith.constant 6 : i32
      %swap3A_605 = arith.index_cast %swap3A_604 : i32 to index
      %swap3A_606 = arith.constant 48 : index
      %swap3A_607 = tpu.vector_load %arg6[%swap3A_605, %swap3A_606] {strides = array<i32>} : memref<8x128xf32, #tpu.memory_space<vmem>>, vector<16xf32>,
      tpu.vector_store %arg6[%swap3A_605, %swap3A_606], %gather3A_587 {strides = array<i32>} : memref<8x128xf32, #tpu.memory_space<vmem>>, vector<16xf32>,
      %swap3A_608 = arith.constant 6 : i32
      %swap3A_609 = arith.index_cast %swap3A_608 : i32 to index
      %swap3A_610 = arith.constant 64 : index
      %swap3A_611 = tpu.vector_load %arg6[%swap3A_609, %swap3A_610] {strides = array<i32>} : memref<8x128xf32, #tpu.memory_space<vmem>>, vector<16xf32>,
      tpu.vector_store %arg6[%swap3A_609, %swap3A_610], %gather3A_588 {strides = array<i32>} : memref<8x128xf32, #tpu.memory_space<vmem>>, vector<16xf32>,
      %swap3A_612 = arith.constant 6 : i32
      %swap3A_613 = arith.index_cast %swap3A_612 : i32 to index
      %swap3A_614 = arith.constant 80 : index
      %swap3A_615 = tpu.vector_load %arg6[%swap3A_613, %swap3A_614] {strides = array<i32>} : memref<8x128xf32, #tpu.memory_space<vmem>>, vector<16xf32>,
      tpu.vector_store %arg6[%swap3A_613, %swap3A_614], %gather3A_589 {strides = array<i32>} : memref<8x128xf32, #tpu.memory_space<vmem>>, vector<16xf32>,
      %swap3A_616 = arith.constant 6 : i32
      %swap3A_617 = arith.index_cast %swap3A_616 : i32 to index
      %swap3A_618 = arith.constant 96 : index
      %swap3A_619 = tpu.vector_load %arg6[%swap3A_617, %swap3A_618] {strides = array<i32>} : memref<8x128xf32, #tpu.memory_space<vmem>>, vector<16xf32>,
      tpu.vector_store %arg6[%swap3A_617, %swap3A_618], %gather3A_590 {strides = array<i32>} : memref<8x128xf32, #tpu.memory_space<vmem>>, vector<16xf32>,
      %swap3A_620 = arith.constant 6 : i32
      %swap3A_621 = arith.index_cast %swap3A_620 : i32 to index
      %swap3A_622 = arith.constant 112 : index
      %swap3A_623 = tpu.vector_load %arg6[%swap3A_621, %swap3A_622] {strides = array<i32>} : memref<8x128xf32, #tpu.memory_space<vmem>>, vector<16xf32>,
      tpu.vector_store %arg6[%swap3A_621, %swap3A_622], %gather3A_591 {strides = array<i32>} : memref<8x128xf32, #tpu.memory_space<vmem>>, vector<16xf32>,
      %get3A_624 = arith.constant 7 : i32
      %get3A_625 = arith.index_cast %get3A_624 : i32 to index
      %get3A_626 = arith.constant 0 : index
      %get3A_627 = tpu.vector_load %arg6[%get3A_625, %get3A_626] {strides = array<i32>} : memref<8x128xf32, #tpu.memory_space<vmem>>, vector<16xf32>,
      %bitcast3A_628 = vector.bitcast %get3A_627 : vector<16xf32> to vector<16xi32>
      %get3A_629 = arith.constant 7 : i32
      %get3A_630 = arith.index_cast %get3A_629 : i32 to index
      %get3A_631 = arith.constant 16 : index
      %get3A_632 = tpu.vector_load %arg6[%get3A_630, %get3A_631] {strides = array<i32>} : memref<8x128xf32, #tpu.memory_space<vmem>>, vector<16xf32>,
      %bitcast3A_633 = vector.bitcast %get3A_632 : vector<16xf32> to vector<16xi32>
      %get3A_634 = arith.constant 7 : i32
      %get3A_635 = arith.index_cast %get3A_634 : i32 to index
      %get3A_636 = arith.constant 32 : index
      %get3A_637 = tpu.vector_load %arg6[%get3A_635, %get3A_636] {strides = array<i32>} : memref<8x128xf32, #tpu.memory_space<vmem>>, vector<16xf32>,
      %bitcast3A_638 = vector.bitcast %get3A_637 : vector<16xf32> to vector<16xi32>
      %get3A_639 = arith.constant 7 : i32
      %get3A_640 = arith.index_cast %get3A_639 : i32 to index
      %get3A_641 = arith.constant 48 : index
      %get3A_642 = tpu.vector_load %arg6[%get3A_640, %get3A_641] {strides = array<i32>} : memref<8x128xf32, #tpu.memory_space<vmem>>, vector<16xf32>,
      %bitcast3A_643 = vector.bitcast %get3A_642 : vector<16xf32> to vector<16xi32>
      %get3A_644 = arith.constant 7 : i32
      %get3A_645 = arith.index_cast %get3A_644 : i32 to index
      %get3A_646 = arith.constant 64 : index
      %get3A_647 = tpu.vector_load %arg6[%get3A_645, %get3A_646] {strides = array<i32>} : memref<8x128xf32, #tpu.memory_space<vmem>>, vector<16xf32>,
      %bitcast3A_648 = vector.bitcast %get3A_647 : vector<16xf32> to vector<16xi32>
      %get3A_649 = arith.constant 7 : i32
      %get3A_650 = arith.index_cast %get3A_649 : i32 to index
      %get3A_651 = arith.constant 80 : index
      %get3A_652 = tpu.vector_load %arg6[%get3A_650, %get3A_651] {strides = array<i32>} : memref<8x128xf32, #tpu.memory_space<vmem>>, vector<16xf32>,
      %bitcast3A_653 = vector.bitcast %get3A_652 : vector<16xf32> to vector<16xi32>
      %get3A_654 = arith.constant 7 : i32
      %get3A_655 = arith.index_cast %get3A_654 : i32 to index
      %get3A_656 = arith.constant 96 : index
      %get3A_657 = tpu.vector_load %arg6[%get3A_655, %get3A_656] {strides = array<i32>} : memref<8x128xf32, #tpu.memory_space<vmem>>, vector<16xf32>,
      %bitcast3A_658 = vector.bitcast %get3A_657 : vector<16xf32> to vector<16xi32>
      %get3A_659 = arith.constant 7 : i32
      %get3A_660 = arith.index_cast %get3A_659 : i32 to index
      %get3A_661 = arith.constant 112 : index
      %get3A_662 = tpu.vector_load %arg6[%get3A_660, %get3A_661] {strides = array<i32>} : memref<8x128xf32, #tpu.memory_space<vmem>>, vector<16xf32>,
      %bitcast3A_663 = vector.bitcast %get3A_662 : vector<16xf32> to vector<16xi32>
      %gather3A_664 = tpu.vector_load_idx %arg5[%bitcast3A_628, %add3A_5] : memref<1000x128xf32, #tpu.memory_space<vmem>>[vector<16xi32>, vector<16xi32>], vector<16xf32>,
      %gather3A_665 = tpu.vector_load_idx %arg5[%bitcast3A_633, %add3A_9] : memref<1000x128xf32, #tpu.memory_space<vmem>>[vector<16xi32>, vector<16xi32>], vector<16xf32>,
      %gather3A_666 = tpu.vector_load_idx %arg5[%bitcast3A_638, %add3A_13] : memref<1000x128xf32, #tpu.memory_space<vmem>>[vector<16xi32>, vector<16xi32>], vector<16xf32>,
      %gather3A_667 = tpu.vector_load_idx %arg5[%bitcast3A_643, %add3A_17] : memref<1000x128xf32, #tpu.memory_space<vmem>>[vector<16xi32>, vector<16xi32>], vector<16xf32>,
      %gather3A_668 = tpu.vector_load_idx %arg5[%bitcast3A_648, %add3A_21] : memref<1000x128xf32, #tpu.memory_space<vmem>>[vector<16xi32>, vector<16xi32>], vector<16xf32>,
      %gather3A_669 = tpu.vector_load_idx %arg5[%bitcast3A_653, %add3A_25] : memref<1000x128xf32, #tpu.memory_space<vmem>>[vector<16xi32>, vector<16xi32>], vector<16xf32>,
      %gather3A_670 = tpu.vector_load_idx %arg5[%bitcast3A_658, %add3A_29] : memref<1000x128xf32, #tpu.memory_space<vmem>>[vector<16xi32>, vector<16xi32>], vector<16xf32>,
      %gather3A_671 = tpu.vector_load_idx %arg5[%bitcast3A_663, %add3A_33] : memref<1000x128xf32, #tpu.memory_space<vmem>>[vector<16xi32>, vector<16xi32>], vector<16xf32>,
      %swap3A_672 = arith.constant 7 : i32
      %swap3A_673 = arith.index_cast %swap3A_672 : i32 to index
      %swap3A_674 = arith.constant 0 : index
      %swap3A_675 = tpu.vector_load %arg6[%swap3A_673, %swap3A_674] {strides = array<i32>} : memref<8x128xf32, #tpu.memory_space<vmem>>, vector<16xf32>,
      tpu.vector_store %arg6[%swap3A_673, %swap3A_674], %gather3A_664 {strides = array<i32>} : memref<8x128xf32, #tpu.memory_space<vmem>>, vector<16xf32>,
      %swap3A_676 = arith.constant 7 : i32
      %swap3A_677 = arith.index_cast %swap3A_676 : i32 to index
      %swap3A_678 = arith.constant 16 : index
      %swap3A_679 = tpu.vector_load %arg6[%swap3A_677, %swap3A_678] {strides = array<i32>} : memref<8x128xf32, #tpu.memory_space<vmem>>, vector<16xf32>,
      tpu.vector_store %arg6[%swap3A_677, %swap3A_678], %gather3A_665 {strides = array<i32>} : memref<8x128xf32, #tpu.memory_space<vmem>>, vector<16xf32>,
      %swap3A_680 = arith.constant 7 : i32
      %swap3A_681 = arith.index_cast %swap3A_680 : i32 to index
      %swap3A_682 = arith.constant 32 : index
      %swap3A_683 = tpu.vector_load %arg6[%swap3A_681, %swap3A_682] {strides = array<i32>} : memref<8x128xf32, #tpu.memory_space<vmem>>, vector<16xf32>,
      tpu.vector_store %arg6[%swap3A_681, %swap3A_682], %gather3A_666 {strides = array<i32>} : memref<8x128xf32, #tpu.memory_space<vmem>>, vector<16xf32>,
      %swap3A_684 = arith.constant 7 : i32
      %swap3A_685 = arith.index_cast %swap3A_684 : i32 to index
      %swap3A_686 = arith.constant 48 : index
      %swap3A_687 = tpu.vector_load %arg6[%swap3A_685, %swap3A_686] {strides = array<i32>} : memref<8x128xf32, #tpu.memory_space<vmem>>, vector<16xf32>,
      tpu.vector_store %arg6[%swap3A_685, %swap3A_686], %gather3A_667 {strides = array<i32>} : memref<8x128xf32, #tpu.memory_space<vmem>>, vector<16xf32>,
      %swap3A_688 = arith.constant 7 : i32
      %swap3A_689 = arith.index_cast %swap3A_688 : i32 to index
      %swap3A_690 = arith.constant 64 : index
      %swap3A_691 = tpu.vector_load %arg6[%swap3A_689, %swap3A_690] {strides = array<i32>} : memref<8x128xf32, #tpu.memory_space<vmem>>, vector<16xf32>,
      tpu.vector_store %arg6[%swap3A_689, %swap3A_690], %gather3A_668 {strides = array<i32>} : memref<8x128xf32, #tpu.memory_space<vmem>>, vector<16xf32>,
      %swap3A_692 = arith.constant 7 : i32
      %swap3A_693 = arith.index_cast %swap3A_692 : i32 to index
      %swap3A_694 = arith.constant 80 : index
      %swap3A_695 = tpu.vector_load %arg6[%swap3A_693, %swap3A_694] {strides = array<i32>} : memref<8x128xf32, #tpu.memory_space<vmem>>, vector<16xf32>,
      tpu.vector_store %arg6[%swap3A_693, %swap3A_694], %gather3A_669 {strides = array<i32>} : memref<8x128xf32, #tpu.memory_space<vmem>>, vector<16xf32>,
      %swap3A_696 = arith.constant 7 : i32
      %swap3A_697 = arith.index_cast %swap3A_696 : i32 to index
      %swap3A_698 = arith.constant 96 : index
      %swap3A_699 = tpu.vector_load %arg6[%swap3A_697, %swap3A_698] {strides = array<i32>} : memref<8x128xf32, #tpu.memory_space<vmem>>, vector<16xf32>,
      tpu.vector_store %arg6[%swap3A_697, %swap3A_698], %gather3A_670 {strides = array<i32>} : memref<8x128xf32, #tpu.memory_space<vmem>>, vector<16xf32>,
      %swap3A_700 = arith.constant 7 : i32
      %swap3A_701 = arith.index_cast %swap3A_700 : i32 to index
      %swap3A_702 = arith.constant 112 : index
      %swap3A_703 = tpu.vector_load %arg6[%swap3A_701, %swap3A_702] {strides = array<i32>} : memref<8x128xf32, #tpu.memory_space<vmem>>, vector<16xf32>,
      tpu.vector_store %arg6[%swap3A_701, %swap3A_702], %gather3A_671 {strides = array<i32>} : memref<8x128xf32, #tpu.memory_space<vmem>>, vector<16xf32>,
      %dma_start3A_704 = arith.constant 1 : i32
      %dma_start3A_705 = arith.constant 8 : i32
      %dma_start3A_706 = tpu.memref_slice %arg3[%dma_start3A_705, %add3A_52] : memref<200x16384xf32, #tpu.memory_space<hbm>> -> memref<8x128xf32, #tpu.memory_space<hbm>>
      %dma_start3A_707 = tpu.memref_slice %arg8[%dma_start3A_704] : memref<2x!tpu.dma_semaphore, #tpu.memory_space<semaphore_mem>> -> memref<1x!tpu.dma_semaphore, #tpu.memory_space<semaphore_mem>>
      %dma_start3A_708 = tpu.memref_squeeze %dma_start3A_707 : memref<1x!tpu.dma_semaphore, #tpu.memory_space<semaphore_mem>> -> memref<!tpu.dma_semaphore, #tpu.memory_space<semaphore_mem>>
      %dma_start3A_709 = arith.constant 8 : i32
      %dma_start3A_710 = tpu.memref_slice %arg3[%dma_start3A_709, %add3A_52] : memref<200x16384xf32, #tpu.memory_space<hbm>> -> memref<8x128xf32, #tpu.memory_space<hbm>>
      tpu.enqueue_dma source(%dma_start3A_710 : memref<8x128xf32, #tpu.memory_space<hbm>>) target(%arg7 : memref<8x128xf32, #tpu.memory_space<vmem>>) target_semaphore(%dma_start3A_708 : memref<!tpu.dma_semaphore, #tpu.memory_space<semaphore_mem>>)
      %dma_start3A_711 = arith.constant 0 : i32
      %dma_start3A_712 = arith.constant 0 : i32
      %dma_start3A_713 = tpu.memref_slice %arg4[%dma_start3A_712, %add3A_52] : memref<200x16384xf32, #tpu.memory_space<hbm>> -> memref<8x128xf32, #tpu.memory_space<hbm>>
      %dma_start3A_714 = tpu.memref_slice %arg9[%dma_start3A_711] : memref<2x!tpu.dma_semaphore, #tpu.memory_space<semaphore_mem>> -> memref<1x!tpu.dma_semaphore, #tpu.memory_space<semaphore_mem>>
      %dma_start3A_715 = tpu.memref_squeeze %dma_start3A_714 : memref<1x!tpu.dma_semaphore, #tpu.memory_space<semaphore_mem>> -> memref<!tpu.dma_semaphore, #tpu.memory_space<semaphore_mem>>
      %dma_start3A_716 = arith.constant 0 : i32
      %dma_start3A_717 = tpu.memref_slice %arg4[%dma_start3A_716, %add3A_52] : memref<200x16384xf32, #tpu.memory_space<hbm>> -> memref<8x128xf32, #tpu.memory_space<hbm>>
      tpu.enqueue_dma source(%arg6 : memref<8x128xf32, #tpu.memory_space<vmem>>) target(%dma_start3A_717 : memref<8x128xf32, #tpu.memory_space<hbm>>) target_semaphore(%dma_start3A_715 : memref<!tpu.dma_semaphore, #tpu.memory_space<semaphore_mem>>)
      %scan3A_718 = arith.constant 0 : i32
      %scan3A_719 = arith.constant 0 : i32
      %scan3A_720 = arith.constant 12 : i32
      %scan3A_721 = arith.addi %scan3A_719, %scan3A_720 : i32
      %scan3A_722 = arith.constant 1 : i32
      %scan3A_723 = scf.for %scan3A_726 = %scan3A_719 to %scan3A_721 step %scan3A_722 iter_args(%scan3A_727 = %scan3A_718) -> (i32)  : i32 {
        %mul3A_728 = arith.constant 2 : i32
        %mul3A_729 = arith.muli %mul3A_728, %scan3A_726 : i32
        %add3A_730 = arith.constant 1 : i32
        %add3A_731 = arith.addi %mul3A_729, %add3A_730 : i32
        %mul3A_732 = arith.constant 8 : i32
        %mul3A_733 = arith.muli %add3A_731, %mul3A_732 : i32
        %dma_wait3A_734 = arith.constant 1 : i32
        %dma_wait3A_735 = tpu.memref_slice %arg3[%mul3A_733, %add3A_52] : memref<200x16384xf32, #tpu.memory_space<hbm>> -> memref<8x128xf32, #tpu.memory_space<hbm>>
        %dma_wait3A_736 = tpu.memref_slice %arg8[%dma_wait3A_734] : memref<2x!tpu.dma_semaphore, #tpu.memory_space<semaphore_mem>> -> memref<1x!tpu.dma_semaphore, #tpu.memory_space<semaphore_mem>>
        %dma_wait3A_737 = tpu.memref_squeeze %dma_wait3A_736 : memref<1x!tpu.dma_semaphore, #tpu.memory_space<semaphore_mem>> -> memref<!tpu.dma_semaphore, #tpu.memory_space<semaphore_mem>>
        %dma_wait3A_738 = tpu.memref_slice %arg3[%mul3A_733, %add3A_52] : memref<200x16384xf32, #tpu.memory_space<hbm>> -> memref<8x128xf32, #tpu.memory_space<hbm>>
        tpu.wait_dma2 semaphore(%dma_wait3A_737 : memref<!tpu.dma_semaphore, #tpu.memory_space<semaphore_mem>>) src(%dma_wait3A_738 : memref<8x128xf32, #tpu.memory_space<hbm>>) dst(%arg7 : memref<8x128xf32, #tpu.memory_space<vmem>>)
        %get3A_739 = arith.constant 0 : i32
        %get3A_740 = arith.index_cast %get3A_739 : i32 to index
        %get3A_741 = arith.constant 0 : index
        %get3A_742 = tpu.vector_load %arg7[%get3A_740, %get3A_741] {strides = array<i32>} : memref<8x128xf32, #tpu.memory_space<vmem>>, vector<16xf32>,
        %bitcast3A_743 = vector.bitcast %get3A_742 : vector<16xf32> to vector<16xi32>
        %get3A_744 = arith.constant 0 : i32
        %get3A_745 = arith.index_cast %get3A_744 : i32 to index
        %get3A_746 = arith.constant 16 : index
        %get3A_747 = tpu.vector_load %arg7[%get3A_745, %get3A_746] {strides = array<i32>} : memref<8x128xf32, #tpu.memory_space<vmem>>, vector<16xf32>,
        %bitcast3A_748 = vector.bitcast %get3A_747 : vector<16xf32> to vector<16xi32>
        %get3A_749 = arith.constant 0 : i32
        %get3A_750 = arith.index_cast %get3A_749 : i32 to index
        %get3A_751 = arith.constant 32 : index
        %get3A_752 = tpu.vector_load %arg7[%get3A_750, %get3A_751] {strides = array<i32>} : memref<8x128xf32, #tpu.memory_space<vmem>>, vector<16xf32>,
        %bitcast3A_753 = vector.bitcast %get3A_752 : vector<16xf32> to vector<16xi32>
        %get3A_754 = arith.constant 0 : i32
        %get3A_755 = arith.index_cast %get3A_754 : i32 to index
        %get3A_756 = arith.constant 48 : index
        %get3A_757 = tpu.vector_load %arg7[%get3A_755, %get3A_756] {strides = array<i32>} : memref<8x128xf32, #tpu.memory_space<vmem>>, vector<16xf32>,
        %bitcast3A_758 = vector.bitcast %get3A_757 : vector<16xf32> to vector<16xi32>
        %get3A_759 = arith.constant 0 : i32
        %get3A_760 = arith.index_cast %get3A_759 : i32 to index
        %get3A_761 = arith.constant 64 : index
        %get3A_762 = tpu.vector_load %arg7[%get3A_760, %get3A_761] {strides = array<i32>} : memref<8x128xf32, #tpu.memory_space<vmem>>, vector<16xf32>,
        %bitcast3A_763 = vector.bitcast %get3A_762 : vector<16xf32> to vector<16xi32>
        %get3A_764 = arith.constant 0 : i32
        %get3A_765 = arith.index_cast %get3A_764 : i32 to index
        %get3A_766 = arith.constant 80 : index
        %get3A_767 = tpu.vector_load %arg7[%get3A_765, %get3A_766] {strides = array<i32>} : memref<8x128xf32, #tpu.memory_space<vmem>>, vector<16xf32>,
        %bitcast3A_768 = vector.bitcast %get3A_767 : vector<16xf32> to vector<16xi32>
        %get3A_769 = arith.constant 0 : i32
        %get3A_770 = arith.index_cast %get3A_769 : i32 to index
        %get3A_771 = arith.constant 96 : index
        %get3A_772 = tpu.vector_load %arg7[%get3A_770, %get3A_771] {strides = array<i32>} : memref<8x128xf32, #tpu.memory_space<vmem>>, vector<16xf32>,
        %bitcast3A_773 = vector.bitcast %get3A_772 : vector<16xf32> to vector<16xi32>
        %get3A_774 = arith.constant 0 : i32
        %get3A_775 = arith.index_cast %get3A_774 : i32 to index
        %get3A_776 = arith.constant 112 : index
        %get3A_777 = tpu.vector_load %arg7[%get3A_775, %get3A_776] {strides = array<i32>} : memref<8x128xf32, #tpu.memory_space<vmem>>, vector<16xf32>,
        %bitcast3A_778 = vector.bitcast %get3A_777 : vector<16xf32> to vector<16xi32>
        %gather3A_779 = tpu.vector_load_idx %arg5[%bitcast3A_743, %add3A_5] : memref<1000x128xf32, #tpu.memory_space<vmem>>[vector<16xi32>, vector<16xi32>], vector<16xf32>,
        %gather3A_780 = tpu.vector_load_idx %arg5[%bitcast3A_748, %add3A_9] : memref<1000x128xf32, #tpu.memory_space<vmem>>[vector<16xi32>, vector<16xi32>], vector<16xf32>,
        %gather3A_781 = tpu.vector_load_idx %arg5[%bitcast3A_753, %add3A_13] : memref<1000x128xf32, #tpu.memory_space<vmem>>[vector<16xi32>, vector<16xi32>], vector<16xf32>,
        %gather3A_782 = tpu.vector_load_idx %arg5[%bitcast3A_758, %add3A_17] : memref<1000x128xf32, #tpu.memory_space<vmem>>[vector<16xi32>, vector<16xi32>], vector<16xf32>,
        %gather3A_783 = tpu.vector_load_idx %arg5[%bitcast3A_763, %add3A_21] : memref<1000x128xf32, #tpu.memory_space<vmem>>[vector<16xi32>, vector<16xi32>], vector<16xf32>,
        %gather3A_784 = tpu.vector_load_idx %arg5[%bitcast3A_768, %add3A_25] : memref<1000x128xf32, #tpu.memory_space<vmem>>[vector<16xi32>, vector<16xi32>], vector<16xf32>,
        %gather3A_785 = tpu.vector_load_idx %arg5[%bitcast3A_773, %add3A_29] : memref<1000x128xf32, #tpu.memory_space<vmem>>[vector<16xi32>, vector<16xi32>], vector<16xf32>,
        %gather3A_786 = tpu.vector_load_idx %arg5[%bitcast3A_778, %add3A_33] : memref<1000x128xf32, #tpu.memory_space<vmem>>[vector<16xi32>, vector<16xi32>], vector<16xf32>,
        %swap3A_787 = arith.constant 0 : i32
        %swap3A_788 = arith.index_cast %swap3A_787 : i32 to index
        %swap3A_789 = arith.constant 0 : index
        %swap3A_790 = tpu.vector_load %arg7[%swap3A_788, %swap3A_789] {strides = array<i32>} : memref<8x128xf32, #tpu.memory_space<vmem>>, vector<16xf32>,
        tpu.vector_store %arg7[%swap3A_788, %swap3A_789], %gather3A_779 {strides = array<i32>} : memref<8x128xf32, #tpu.memory_space<vmem>>, vector<16xf32>,
        %swap3A_791 = arith.constant 0 : i32
        %swap3A_792 = arith.index_cast %swap3A_791 : i32 to index
        %swap3A_793 = arith.constant 16 : index
        %swap3A_794 = tpu.vector_load %arg7[%swap3A_792, %swap3A_793] {strides = array<i32>} : memref<8x128xf32, #tpu.memory_space<vmem>>, vector<16xf32>,
        tpu.vector_store %arg7[%swap3A_792, %swap3A_793], %gather3A_780 {strides = array<i32>} : memref<8x128xf32, #tpu.memory_space<vmem>>, vector<16xf32>,
        %swap3A_795 = arith.constant 0 : i32
        %swap3A_796 = arith.index_cast %swap3A_795 : i32 to index
        %swap3A_797 = arith.constant 32 : index
        %swap3A_798 = tpu.vector_load %arg7[%swap3A_796, %swap3A_797] {strides = array<i32>} : memref<8x128xf32, #tpu.memory_space<vmem>>, vector<16xf32>,
        tpu.vector_store %arg7[%swap3A_796, %swap3A_797], %gather3A_781 {strides = array<i32>} : memref<8x128xf32, #tpu.memory_space<vmem>>, vector<16xf32>,
        %swap3A_799 = arith.constant 0 : i32
        %swap3A_800 = arith.index_cast %swap3A_799 : i32 to index
        %swap3A_801 = arith.constant 48 : index
        %swap3A_802 = tpu.vector_load %arg7[%swap3A_800, %swap3A_801] {strides = array<i32>} : memref<8x128xf32, #tpu.memory_space<vmem>>, vector<16xf32>,
        tpu.vector_store %arg7[%swap3A_800, %swap3A_801], %gather3A_782 {strides = array<i32>} : memref<8x128xf32, #tpu.memory_space<vmem>>, vector<16xf32>,
        %swap3A_803 = arith.constant 0 : i32
        %swap3A_804 = arith.index_cast %swap3A_803 : i32 to index
        %swap3A_805 = arith.constant 64 : index
        %swap3A_806 = tpu.vector_load %arg7[%swap3A_804, %swap3A_805] {strides = array<i32>} : memref<8x128xf32, #tpu.memory_space<vmem>>, vector<16xf32>,
        tpu.vector_store %arg7[%swap3A_804, %swap3A_805], %gather3A_783 {strides = array<i32>} : memref<8x128xf32, #tpu.memory_space<vmem>>, vector<16xf32>,
        %swap3A_807 = arith.constant 0 : i32
        %swap3A_808 = arith.index_cast %swap3A_807 : i32 to index
        %swap3A_809 = arith.constant 80 : index
        %swap3A_810 = tpu.vector_load %arg7[%swap3A_808, %swap3A_809] {strides = array<i32>} : memref<8x128xf32, #tpu.memory_space<vmem>>, vector<16xf32>,
        tpu.vector_store %arg7[%swap3A_808, %swap3A_809], %gather3A_784 {strides = array<i32>} : memref<8x128xf32, #tpu.memory_space<vmem>>, vector<16xf32>,
        %swap3A_811 = arith.constant 0 : i32
        %swap3A_812 = arith.index_cast %swap3A_811 : i32 to index
        %swap3A_813 = arith.constant 96 : index
        %swap3A_814 = tpu.vector_load %arg7[%swap3A_812, %swap3A_813] {strides = array<i32>} : memref<8x128xf32, #tpu.memory_space<vmem>>, vector<16xf32>,
        tpu.vector_store %arg7[%swap3A_812, %swap3A_813], %gather3A_785 {strides = array<i32>} : memref<8x128xf32, #tpu.memory_space<vmem>>, vector<16xf32>,
        %swap3A_815 = arith.constant 0 : i32
        %swap3A_816 = arith.index_cast %swap3A_815 : i32 to index
        %swap3A_817 = arith.constant 112 : index
        %swap3A_818 = tpu.vector_load %arg7[%swap3A_816, %swap3A_817] {strides = array<i32>} : memref<8x128xf32, #tpu.memory_space<vmem>>, vector<16xf32>,
        tpu.vector_store %arg7[%swap3A_816, %swap3A_817], %gather3A_786 {strides = array<i32>} : memref<8x128xf32, #tpu.memory_space<vmem>>, vector<16xf32>,
        %get3A_819 = arith.constant 1 : i32
        %get3A_820 = arith.index_cast %get3A_819 : i32 to index
        %get3A_821 = arith.constant 0 : index
        %get3A_822 = tpu.vector_load %arg7[%get3A_820, %get3A_821] {strides = array<i32>} : memref<8x128xf32, #tpu.memory_space<vmem>>, vector<16xf32>,
        %bitcast3A_823 = vector.bitcast %get3A_822 : vector<16xf32> to vector<16xi32>
        %get3A_824 = arith.constant 1 : i32
        %get3A_825 = arith.index_cast %get3A_824 : i32 to index
        %get3A_826 = arith.constant 16 : index
        %get3A_827 = tpu.vector_load %arg7[%get3A_825, %get3A_826] {strides = array<i32>} : memref<8x128xf32, #tpu.memory_space<vmem>>, vector<16xf32>,
        %bitcast3A_828 = vector.bitcast %get3A_827 : vector<16xf32> to vector<16xi32>
        %get3A_829 = arith.constant 1 : i32
        %get3A_830 = arith.index_cast %get3A_829 : i32 to index
        %get3A_831 = arith.constant 32 : index
        %get3A_832 = tpu.vector_load %arg7[%get3A_830, %get3A_831] {strides = array<i32>} : memref<8x128xf32, #tpu.memory_space<vmem>>, vector<16xf32>,
        %bitcast3A_833 = vector.bitcast %get3A_832 : vector<16xf32> to vector<16xi32>
        %get3A_834 = arith.constant 1 : i32
        %get3A_835 = arith.index_cast %get3A_834 : i32 to index
        %get3A_836 = arith.constant 48 : index
        %get3A_837 = tpu.vector_load %arg7[%get3A_835, %get3A_836] {strides = array<i32>} : memref<8x128xf32, #tpu.memory_space<vmem>>, vector<16xf32>,
        %bitcast3A_838 = vector.bitcast %get3A_837 : vector<16xf32> to vector<16xi32>
        %get3A_839 = arith.constant 1 : i32
        %get3A_840 = arith.index_cast %get3A_839 : i32 to index
        %get3A_841 = arith.constant 64 : index
        %get3A_842 = tpu.vector_load %arg7[%get3A_840, %get3A_841] {strides = array<i32>} : memref<8x128xf32, #tpu.memory_space<vmem>>, vector<16xf32>,
        %bitcast3A_843 = vector.bitcast %get3A_842 : vector<16xf32> to vector<16xi32>
        %get3A_844 = arith.constant 1 : i32
        %get3A_845 = arith.index_cast %get3A_844 : i32 to index
        %get3A_846 = arith.constant 80 : index
        %get3A_847 = tpu.vector_load %arg7[%get3A_845, %get3A_846] {strides = array<i32>} : memref<8x128xf32, #tpu.memory_space<vmem>>, vector<16xf32>,
        %bitcast3A_848 = vector.bitcast %get3A_847 : vector<16xf32> to vector<16xi32>
        %get3A_849 = arith.constant 1 : i32
        %get3A_850 = arith.index_cast %get3A_849 : i32 to index
        %get3A_851 = arith.constant 96 : index
        %get3A_852 = tpu.vector_load %arg7[%get3A_850, %get3A_851] {strides = array<i32>} : memref<8x128xf32, #tpu.memory_space<vmem>>, vector<16xf32>,
        %bitcast3A_853 = vector.bitcast %get3A_852 : vector<16xf32> to vector<16xi32>
        %get3A_854 = arith.constant 1 : i32
        %get3A_855 = arith.index_cast %get3A_854 : i32 to index
        %get3A_856 = arith.constant 112 : index
        %get3A_857 = tpu.vector_load %arg7[%get3A_855, %get3A_856] {strides = array<i32>} : memref<8x128xf32, #tpu.memory_space<vmem>>, vector<16xf32>,
        %bitcast3A_858 = vector.bitcast %get3A_857 : vector<16xf32> to vector<16xi32>
        %gather3A_859 = tpu.vector_load_idx %arg5[%bitcast3A_823, %add3A_5] : memref<1000x128xf32, #tpu.memory_space<vmem>>[vector<16xi32>, vector<16xi32>], vector<16xf32>,
        %gather3A_860 = tpu.vector_load_idx %arg5[%bitcast3A_828, %add3A_9] : memref<1000x128xf32, #tpu.memory_space<vmem>>[vector<16xi32>, vector<16xi32>], vector<16xf32>,
        %gather3A_861 = tpu.vector_load_idx %arg5[%bitcast3A_833, %add3A_13] : memref<1000x128xf32, #tpu.memory_space<vmem>>[vector<16xi32>, vector<16xi32>], vector<16xf32>,
        %gather3A_862 = tpu.vector_load_idx %arg5[%bitcast3A_838, %add3A_17] : memref<1000x128xf32, #tpu.memory_space<vmem>>[vector<16xi32>, vector<16xi32>], vector<16xf32>,
        %gather3A_863 = tpu.vector_load_idx %arg5[%bitcast3A_843, %add3A_21] : memref<1000x128xf32, #tpu.memory_space<vmem>>[vector<16xi32>, vector<16xi32>], vector<16xf32>,
        %gather3A_864 = tpu.vector_load_idx %arg5[%bitcast3A_848, %add3A_25] : memref<1000x128xf32, #tpu.memory_space<vmem>>[vector<16xi32>, vector<16xi32>], vector<16xf32>,
        %gather3A_865 = tpu.vector_load_idx %arg5[%bitcast3A_853, %add3A_29] : memref<1000x128xf32, #tpu.memory_space<vmem>>[vector<16xi32>, vector<16xi32>], vector<16xf32>,
        %gather3A_866 = tpu.vector_load_idx %arg5[%bitcast3A_858, %add3A_33] : memref<1000x128xf32, #tpu.memory_space<vmem>>[vector<16xi32>, vector<16xi32>], vector<16xf32>,
        %swap3A_867 = arith.constant 1 : i32
        %swap3A_868 = arith.index_cast %swap3A_867 : i32 to index
        %swap3A_869 = arith.constant 0 : index
        %swap3A_870 = tpu.vector_load %arg7[%swap3A_868, %swap3A_869] {strides = array<i32>} : memref<8x128xf32, #tpu.memory_space<vmem>>, vector<16xf32>,
        tpu.vector_store %arg7[%swap3A_868, %swap3A_869], %gather3A_859 {strides = array<i32>} : memref<8x128xf32, #tpu.memory_space<vmem>>, vector<16xf32>,
        %swap3A_871 = arith.constant 1 : i32
        %swap3A_872 = arith.index_cast %swap3A_871 : i32 to index
        %swap3A_873 = arith.constant 16 : index
        %swap3A_874 = tpu.vector_load %arg7[%swap3A_872, %swap3A_873] {strides = array<i32>} : memref<8x128xf32, #tpu.memory_space<vmem>>, vector<16xf32>,
        tpu.vector_store %arg7[%swap3A_872, %swap3A_873], %gather3A_860 {strides = array<i32>} : memref<8x128xf32, #tpu.memory_space<vmem>>, vector<16xf32>,
        %swap3A_875 = arith.constant 1 : i32
        %swap3A_876 = arith.index_cast %swap3A_875 : i32 to index
        %swap3A_877 = arith.constant 32 : index
        %swap3A_878 = tpu.vector_load %arg7[%swap3A_876, %swap3A_877] {strides = array<i32>} : memref<8x128xf32, #tpu.memory_space<vmem>>, vector<16xf32>,
        tpu.vector_store %arg7[%swap3A_876, %swap3A_877], %gather3A_861 {strides = array<i32>} : memref<8x128xf32, #tpu.memory_space<vmem>>, vector<16xf32>,
        %swap3A_879 = arith.constant 1 : i32
        %swap3A_880 = arith.index_cast %swap3A_879 : i32 to index
        %swap3A_881 = arith.constant 48 : index
        %swap3A_882 = tpu.vector_load %arg7[%swap3A_880, %swap3A_881] {strides = array<i32>} : memref<8x128xf32, #tpu.memory_space<vmem>>, vector<16xf32>,
        tpu.vector_store %arg7[%swap3A_880, %swap3A_881], %gather3A_862 {strides = array<i32>} : memref<8x128xf32, #tpu.memory_space<vmem>>, vector<16xf32>,
        %swap3A_883 = arith.constant 1 : i32
        %swap3A_884 = arith.index_cast %swap3A_883 : i32 to index
        %swap3A_885 = arith.constant 64 : index
        %swap3A_886 = tpu.vector_load %arg7[%swap3A_884, %swap3A_885] {strides = array<i32>} : memref<8x128xf32, #tpu.memory_space<vmem>>, vector<16xf32>,
        tpu.vector_store %arg7[%swap3A_884, %swap3A_885], %gather3A_863 {strides = array<i32>} : memref<8x128xf32, #tpu.memory_space<vmem>>, vector<16xf32>,
        %swap3A_887 = arith.constant 1 : i32
        %swap3A_888 = arith.index_cast %swap3A_887 : i32 to index
        %swap3A_889 = arith.constant 80 : index
        %swap3A_890 = tpu.vector_load %arg7[%swap3A_888, %swap3A_889] {strides = array<i32>} : memref<8x128xf32, #tpu.memory_space<vmem>>, vector<16xf32>,
        tpu.vector_store %arg7[%swap3A_888, %swap3A_889], %gather3A_864 {strides = array<i32>} : memref<8x128xf32, #tpu.memory_space<vmem>>, vector<16xf32>,
        %swap3A_891 = arith.constant 1 : i32
        %swap3A_892 = arith.index_cast %swap3A_891 : i32 to index
        %swap3A_893 = arith.constant 96 : index
        %swap3A_894 = tpu.vector_load %arg7[%swap3A_892, %swap3A_893] {strides = array<i32>} : memref<8x128xf32, #tpu.memory_space<vmem>>, vector<16xf32>,
        tpu.vector_store %arg7[%swap3A_892, %swap3A_893], %gather3A_865 {strides = array<i32>} : memref<8x128xf32, #tpu.memory_space<vmem>>, vector<16xf32>,
        %swap3A_895 = arith.constant 1 : i32
        %swap3A_896 = arith.index_cast %swap3A_895 : i32 to index
        %swap3A_897 = arith.constant 112 : index
        %swap3A_898 = tpu.vector_load %arg7[%swap3A_896, %swap3A_897] {strides = array<i32>} : memref<8x128xf32, #tpu.memory_space<vmem>>, vector<16xf32>,
        tpu.vector_store %arg7[%swap3A_896, %swap3A_897], %gather3A_866 {strides = array<i32>} : memref<8x128xf32, #tpu.memory_space<vmem>>, vector<16xf32>,
        %get3A_899 = arith.constant 2 : i32
        %get3A_900 = arith.index_cast %get3A_899 : i32 to index
        %get3A_901 = arith.constant 0 : index
        %get3A_902 = tpu.vector_load %arg7[%get3A_900, %get3A_901] {strides = array<i32>} : memref<8x128xf32, #tpu.memory_space<vmem>>, vector<16xf32>,
        %bitcast3A_903 = vector.bitcast %get3A_902 : vector<16xf32> to vector<16xi32>
        %get3A_904 = arith.constant 2 : i32
        %get3A_905 = arith.index_cast %get3A_904 : i32 to index
        %get3A_906 = arith.constant 16 : index
        %get3A_907 = tpu.vector_load %arg7[%get3A_905, %get3A_906] {strides = array<i32>} : memref<8x128xf32, #tpu.memory_space<vmem>>, vector<16xf32>,
        %bitcast3A_908 = vector.bitcast %get3A_907 : vector<16xf32> to vector<16xi32>
        %get3A_909 = arith.constant 2 : i32
        %get3A_910 = arith.index_cast %get3A_909 : i32 to index
        %get3A_911 = arith.constant 32 : index
        %get3A_912 = tpu.vector_load %arg7[%get3A_910, %get3A_911] {strides = array<i32>} : memref<8x128xf32, #tpu.memory_space<vmem>>, vector<16xf32>,
        %bitcast3A_913 = vector.bitcast %get3A_912 : vector<16xf32> to vector<16xi32>
        %get3A_914 = arith.constant 2 : i32
        %get3A_915 = arith.index_cast %get3A_914 : i32 to index
        %get3A_916 = arith.constant 48 : index
        %get3A_917 = tpu.vector_load %arg7[%get3A_915, %get3A_916] {strides = array<i32>} : memref<8x128xf32, #tpu.memory_space<vmem>>, vector<16xf32>,
        %bitcast3A_918 = vector.bitcast %get3A_917 : vector<16xf32> to vector<16xi32>
        %get3A_919 = arith.constant 2 : i32
        %get3A_920 = arith.index_cast %get3A_919 : i32 to index
        %get3A_921 = arith.constant 64 : index
        %get3A_922 = tpu.vector_load %arg7[%get3A_920, %get3A_921] {strides = array<i32>} : memref<8x128xf32, #tpu.memory_space<vmem>>, vector<16xf32>,
        %bitcast3A_923 = vector.bitcast %get3A_922 : vector<16xf32> to vector<16xi32>
        %get3A_924 = arith.constant 2 : i32
        %get3A_925 = arith.index_cast %get3A_924 : i32 to index
        %get3A_926 = arith.constant 80 : index
        %get3A_927 = tpu.vector_load %arg7[%get3A_925, %get3A_926] {strides = array<i32>} : memref<8x128xf32, #tpu.memory_space<vmem>>, vector<16xf32>,
        %bitcast3A_928 = vector.bitcast %get3A_927 : vector<16xf32> to vector<16xi32>
        %get3A_929 = arith.constant 2 : i32
        %get3A_930 = arith.index_cast %get3A_929 : i32 to index
        %get3A_931 = arith.constant 96 : index
        %get3A_932 = tpu.vector_load %arg7[%get3A_930, %get3A_931] {strides = array<i32>} : memref<8x128xf32, #tpu.memory_space<vmem>>, vector<16xf32>,
        %bitcast3A_933 = vector.bitcast %get3A_932 : vector<16xf32> to vector<16xi32>
        %get3A_934 = arith.constant 2 : i32
        %get3A_935 = arith.index_cast %get3A_934 : i32 to index
        %get3A_936 = arith.constant 112 : index
        %get3A_937 = tpu.vector_load %arg7[%get3A_935, %get3A_936] {strides = array<i32>} : memref<8x128xf32, #tpu.memory_space<vmem>>, vector<16xf32>,
        %bitcast3A_938 = vector.bitcast %get3A_937 : vector<16xf32> to vector<16xi32>
        %gather3A_939 = tpu.vector_load_idx %arg5[%bitcast3A_903, %add3A_5] : memref<1000x128xf32, #tpu.memory_space<vmem>>[vector<16xi32>, vector<16xi32>], vector<16xf32>,
        %gather3A_940 = tpu.vector_load_idx %arg5[%bitcast3A_908, %add3A_9] : memref<1000x128xf32, #tpu.memory_space<vmem>>[vector<16xi32>, vector<16xi32>], vector<16xf32>,
        %gather3A_941 = tpu.vector_load_idx %arg5[%bitcast3A_913, %add3A_13] : memref<1000x128xf32, #tpu.memory_space<vmem>>[vector<16xi32>, vector<16xi32>], vector<16xf32>,
        %gather3A_942 = tpu.vector_load_idx %arg5[%bitcast3A_918, %add3A_17] : memref<1000x128xf32, #tpu.memory_space<vmem>>[vector<16xi32>, vector<16xi32>], vector<16xf32>,
        %gather3A_943 = tpu.vector_load_idx %arg5[%bitcast3A_923, %add3A_21] : memref<1000x128xf32, #tpu.memory_space<vmem>>[vector<16xi32>, vector<16xi32>], vector<16xf32>,
        %gather3A_944 = tpu.vector_load_idx %arg5[%bitcast3A_928, %add3A_25] : memref<1000x128xf32, #tpu.memory_space<vmem>>[vector<16xi32>, vector<16xi32>], vector<16xf32>,
        %gather3A_945 = tpu.vector_load_idx %arg5[%bitcast3A_933, %add3A_29] : memref<1000x128xf32, #tpu.memory_space<vmem>>[vector<16xi32>, vector<16xi32>], vector<16xf32>,
        %gather3A_946 = tpu.vector_load_idx %arg5[%bitcast3A_938, %add3A_33] : memref<1000x128xf32, #tpu.memory_space<vmem>>[vector<16xi32>, vector<16xi32>], vector<16xf32>,
        %swap3A_947 = arith.constant 2 : i32
        %swap3A_948 = arith.index_cast %swap3A_947 : i32 to index
        %swap3A_949 = arith.constant 0 : index
        %swap3A_950 = tpu.vector_load %arg7[%swap3A_948, %swap3A_949] {strides = array<i32>} : memref<8x128xf32, #tpu.memory_space<vmem>>, vector<16xf32>,
        tpu.vector_store %arg7[%swap3A_948, %swap3A_949], %gather3A_939 {strides = array<i32>} : memref<8x128xf32, #tpu.memory_space<vmem>>, vector<16xf32>,
        %swap3A_951 = arith.constant 2 : i32
        %swap3A_952 = arith.index_cast %swap3A_951 : i32 to index
        %swap3A_953 = arith.constant 16 : index
        %swap3A_954 = tpu.vector_load %arg7[%swap3A_952, %swap3A_953] {strides = array<i32>} : memref<8x128xf32, #tpu.memory_space<vmem>>, vector<16xf32>,
        tpu.vector_store %arg7[%swap3A_952, %swap3A_953], %gather3A_940 {strides = array<i32>} : memref<8x128xf32, #tpu.memory_space<vmem>>, vector<16xf32>,
        %swap3A_955 = arith.constant 2 : i32
        %swap3A_956 = arith.index_cast %swap3A_955 : i32 to index
        %swap3A_957 = arith.constant 32 : index
        %swap3A_958 = tpu.vector_load %arg7[%swap3A_956, %swap3A_957] {strides = array<i32>} : memref<8x128xf32, #tpu.memory_space<vmem>>, vector<16xf32>,
        tpu.vector_store %arg7[%swap3A_956, %swap3A_957], %gather3A_941 {strides = array<i32>} : memref<8x128xf32, #tpu.memory_space<vmem>>, vector<16xf32>,
        %swap3A_959 = arith.constant 2 : i32
        %swap3A_960 = arith.index_cast %swap3A_959 : i32 to index
        %swap3A_961 = arith.constant 48 : index
        %swap3A_962 = tpu.vector_load %arg7[%swap3A_960, %swap3A_961] {strides = array<i32>} : memref<8x128xf32, #tpu.memory_space<vmem>>, vector<16xf32>,
        tpu.vector_store %arg7[%swap3A_960, %swap3A_961], %gather3A_942 {strides = array<i32>} : memref<8x128xf32, #tpu.memory_space<vmem>>, vector<16xf32>,
        %swap3A_963 = arith.constant 2 : i32
        %swap3A_964 = arith.index_cast %swap3A_963 : i32 to index
        %swap3A_965 = arith.constant 64 : index
        %swap3A_966 = tpu.vector_load %arg7[%swap3A_964, %swap3A_965] {strides = array<i32>} : memref<8x128xf32, #tpu.memory_space<vmem>>, vector<16xf32>,
        tpu.vector_store %arg7[%swap3A_964, %swap3A_965], %gather3A_943 {strides = array<i32>} : memref<8x128xf32, #tpu.memory_space<vmem>>, vector<16xf32>,
        %swap3A_967 = arith.constant 2 : i32
        %swap3A_968 = arith.index_cast %swap3A_967 : i32 to index
        %swap3A_969 = arith.constant 80 : index
        %swap3A_970 = tpu.vector_load %arg7[%swap3A_968, %swap3A_969] {strides = array<i32>} : memref<8x128xf32, #tpu.memory_space<vmem>>, vector<16xf32>,
        tpu.vector_store %arg7[%swap3A_968, %swap3A_969], %gather3A_944 {strides = array<i32>} : memref<8x128xf32, #tpu.memory_space<vmem>>, vector<16xf32>,
        %swap3A_971 = arith.constant 2 : i32
        %swap3A_972 = arith.index_cast %swap3A_971 : i32 to index
        %swap3A_973 = arith.constant 96 : index
        %swap3A_974 = tpu.vector_load %arg7[%swap3A_972, %swap3A_973] {strides = array<i32>} : memref<8x128xf32, #tpu.memory_space<vmem>>, vector<16xf32>,
        tpu.vector_store %arg7[%swap3A_972, %swap3A_973], %gather3A_945 {strides = array<i32>} : memref<8x128xf32, #tpu.memory_space<vmem>>, vector<16xf32>,
        %swap3A_975 = arith.constant 2 : i32
        %swap3A_976 = arith.index_cast %swap3A_975 : i32 to index
        %swap3A_977 = arith.constant 112 : index
        %swap3A_978 = tpu.vector_load %arg7[%swap3A_976, %swap3A_977] {strides = array<i32>} : memref<8x128xf32, #tpu.memory_space<vmem>>, vector<16xf32>,
        tpu.vector_store %arg7[%swap3A_976, %swap3A_977], %gather3A_946 {strides = array<i32>} : memref<8x128xf32, #tpu.memory_space<vmem>>, vector<16xf32>,
        %get3A_979 = arith.constant 3 : i32
        %get3A_980 = arith.index_cast %get3A_979 : i32 to index
        %get3A_981 = arith.constant 0 : index
        %get3A_982 = tpu.vector_load %arg7[%get3A_980, %get3A_981] {strides = array<i32>} : memref<8x128xf32, #tpu.memory_space<vmem>>, vector<16xf32>,
        %bitcast3A_983 = vector.bitcast %get3A_982 : vector<16xf32> to vector<16xi32>
        %get3A_984 = arith.constant 3 : i32
        %get3A_985 = arith.index_cast %get3A_984 : i32 to index
        %get3A_986 = arith.constant 16 : index
        %get3A_987 = tpu.vector_load %arg7[%get3A_985, %get3A_986] {strides = array<i32>} : memref<8x128xf32, #tpu.memory_space<vmem>>, vector<16xf32>,
        %bitcast3A_988 = vector.bitcast %get3A_987 : vector<16xf32> to vector<16xi32>
        %get3A_989 = arith.constant 3 : i32
        %get3A_990 = arith.index_cast %get3A_989 : i32 to index
        %get3A_991 = arith.constant 32 : index
        %get3A_992 = tpu.vector_load %arg7[%get3A_990, %get3A_991] {strides = array<i32>} : memref<8x128xf32, #tpu.memory_space<vmem>>, vector<16xf32>,
        %bitcast3A_993 = vector.bitcast %get3A_992 : vector<16xf32> to vector<16xi32>
        %get3A_994 = arith.constant 3 : i32
        %get3A_995 = arith.index_cast %get3A_994 : i32 to index
        %get3A_996 = arith.constant 48 : index
        %get3A_997 = tpu.vector_load %arg7[%get3A_995, %get3A_996] {strides = array<i32>} : memref<8x128xf32, #tpu.memory_space<vmem>>, vector<16xf32>,
        %bitcast3A_998 = vector.bitcast %get3A_997 : vector<16xf32> to vector<16xi32>
        %get3A_999 = arith.constant 3 : i32
        %get3A_1000 = arith.index_cast %get3A_999 : i32 to index
        %get3A_1001 = arith.constant 64 : index
        %get3A_1002 = tpu.vector_load %arg7[%get3A_1000, %get3A_1001] {strides = array<i32>} : memref<8x128xf32, #tpu.memory_space<vmem>>, vector<16xf32>,
        %bitcast3A_1003 = vector.bitcast %get3A_1002 : vector<16xf32> to vector<16xi32>
        %get3A_1004 = arith.constant 3 : i32
        %get3A_1005 = arith.index_cast %get3A_1004 : i32 to index
        %get3A_1006 = arith.constant 80 : index
        %get3A_1007 = tpu.vector_load %arg7[%get3A_1005, %get3A_1006] {strides = array<i32>} : memref<8x128xf32, #tpu.memory_space<vmem>>, vector<16xf32>,
        %bitcast3A_1008 = vector.bitcast %get3A_1007 : vector<16xf32> to vector<16xi32>
        %get3A_1009 = arith.constant 3 : i32
        %get3A_1010 = arith.index_cast %get3A_1009 : i32 to index
        %get3A_1011 = arith.constant 96 : index
        %get3A_1012 = tpu.vector_load %arg7[%get3A_1010, %get3A_1011] {strides = array<i32>} : memref<8x128xf32, #tpu.memory_space<vmem>>, vector<16xf32>,
        %bitcast3A_1013 = vector.bitcast %get3A_1012 : vector<16xf32> to vector<16xi32>
        %get3A_1014 = arith.constant 3 : i32
        %get3A_1015 = arith.index_cast %get3A_1014 : i32 to index
        %get3A_1016 = arith.constant 112 : index
        %get3A_1017 = tpu.vector_load %arg7[%get3A_1015, %get3A_1016] {strides = array<i32>} : memref<8x128xf32, #tpu.memory_space<vmem>>, vector<16xf32>,
        %bitcast3A_1018 = vector.bitcast %get3A_1017 : vector<16xf32> to vector<16xi32>
        %gather3A_1019 = tpu.vector_load_idx %arg5[%bitcast3A_983, %add3A_5] : memref<1000x128xf32, #tpu.memory_space<vmem>>[vector<16xi32>, vector<16xi32>], vector<16xf32>,
        %gather3A_1020 = tpu.vector_load_idx %arg5[%bitcast3A_988, %add3A_9] : memref<1000x128xf32, #tpu.memory_space<vmem>>[vector<16xi32>, vector<16xi32>], vector<16xf32>,
        %gather3A_1021 = tpu.vector_load_idx %arg5[%bitcast3A_993, %add3A_13] : memref<1000x128xf32, #tpu.memory_space<vmem>>[vector<16xi32>, vector<16xi32>], vector<16xf32>,
        %gather3A_1022 = tpu.vector_load_idx %arg5[%bitcast3A_998, %add3A_17] : memref<1000x128xf32, #tpu.memory_space<vmem>>[vector<16xi32>, vector<16xi32>], vector<16xf32>,
        %gather3A_1023 = tpu.vector_load_idx %arg5[%bitcast3A_1003, %add3A_21] : memref<1000x128xf32, #tpu.memory_space<vmem>>[vector<16xi32>, vector<16xi32>], vector<16xf32>,
        %gather3A_1024 = tpu.vector_load_idx %arg5[%bitcast3A_1008, %add3A_25] : memref<1000x128xf32, #tpu.memory_space<vmem>>[vector<16xi32>, vector<16xi32>], vector<16xf32>,
        %gather3A_1025 = tpu.vector_load_idx %arg5[%bitcast3A_1013, %add3A_29] : memref<1000x128xf32, #tpu.memory_space<vmem>>[vector<16xi32>, vector<16xi32>], vector<16xf32>,
        %gather3A_1026 = tpu.vector_load_idx %arg5[%bitcast3A_1018, %add3A_33] : memref<1000x128xf32, #tpu.memory_space<vmem>>[vector<16xi32>, vector<16xi32>], vector<16xf32>,
        %swap3A_1027 = arith.constant 3 : i32
        %swap3A_1028 = arith.index_cast %swap3A_1027 : i32 to index
        %swap3A_1029 = arith.constant 0 : index
        %swap3A_1030 = tpu.vector_load %arg7[%swap3A_1028, %swap3A_1029] {strides = array<i32>} : memref<8x128xf32, #tpu.memory_space<vmem>>, vector<16xf32>,
        tpu.vector_store %arg7[%swap3A_1028, %swap3A_1029], %gather3A_1019 {strides = array<i32>} : memref<8x128xf32, #tpu.memory_space<vmem>>, vector<16xf32>,
        %swap3A_1031 = arith.constant 3 : i32
        %swap3A_1032 = arith.index_cast %swap3A_1031 : i32 to index
        %swap3A_1033 = arith.constant 16 : index
        %swap3A_1034 = tpu.vector_load %arg7[%swap3A_1032, %swap3A_1033] {strides = array<i32>} : memref<8x128xf32, #tpu.memory_space<vmem>>, vector<16xf32>,
        tpu.vector_store %arg7[%swap3A_1032, %swap3A_1033], %gather3A_1020 {strides = array<i32>} : memref<8x128xf32, #tpu.memory_space<vmem>>, vector<16xf32>,
        %swap3A_1035 = arith.constant 3 : i32
        %swap3A_1036 = arith.index_cast %swap3A_1035 : i32 to index
        %swap3A_1037 = arith.constant 32 : index
        %swap3A_1038 = tpu.vector_load %arg7[%swap3A_1036, %swap3A_1037] {strides = array<i32>} : memref<8x128xf32, #tpu.memory_space<vmem>>, vector<16xf32>,
        tpu.vector_store %arg7[%swap3A_1036, %swap3A_1037], %gather3A_1021 {strides = array<i32>} : memref<8x128xf32, #tpu.memory_space<vmem>>, vector<16xf32>,
        %swap3A_1039 = arith.constant 3 : i32
        %swap3A_1040 = arith.index_cast %swap3A_1039 : i32 to index
        %swap3A_1041 = arith.constant 48 : index
        %swap3A_1042 = tpu.vector_load %arg7[%swap3A_1040, %swap3A_1041] {strides = array<i32>} : memref<8x128xf32, #tpu.memory_space<vmem>>, vector<16xf32>,
        tpu.vector_store %arg7[%swap3A_1040, %swap3A_1041], %gather3A_1022 {strides = array<i32>} : memref<8x128xf32, #tpu.memory_space<vmem>>, vector<16xf32>,
        %swap3A_1043 = arith.constant 3 : i32
        %swap3A_1044 = arith.index_cast %swap3A_1043 : i32 to index
        %swap3A_1045 = arith.constant 64 : index
        %swap3A_1046 = tpu.vector_load %arg7[%swap3A_1044, %swap3A_1045] {strides = array<i32>} : memref<8x128xf32, #tpu.memory_space<vmem>>, vector<16xf32>,
        tpu.vector_store %arg7[%swap3A_1044, %swap3A_1045], %gather3A_1023 {strides = array<i32>} : memref<8x128xf32, #tpu.memory_space<vmem>>, vector<16xf32>,
        %swap3A_1047 = arith.constant 3 : i32
        %swap3A_1048 = arith.index_cast %swap3A_1047 : i32 to index
        %swap3A_1049 = arith.constant 80 : index
        %swap3A_1050 = tpu.vector_load %arg7[%swap3A_1048, %swap3A_1049] {strides = array<i32>} : memref<8x128xf32, #tpu.memory_space<vmem>>, vector<16xf32>,
        tpu.vector_store %arg7[%swap3A_1048, %swap3A_1049], %gather3A_1024 {strides = array<i32>} : memref<8x128xf32, #tpu.memory_space<vmem>>, vector<16xf32>,
        %swap3A_1051 = arith.constant 3 : i32
        %swap3A_1052 = arith.index_cast %swap3A_1051 : i32 to index
        %swap3A_1053 = arith.constant 96 : index
        %swap3A_1054 = tpu.vector_load %arg7[%swap3A_1052, %swap3A_1053] {strides = array<i32>} : memref<8x128xf32, #tpu.memory_space<vmem>>, vector<16xf32>,
        tpu.vector_store %arg7[%swap3A_1052, %swap3A_1053], %gather3A_1025 {strides = array<i32>} : memref<8x128xf32, #tpu.memory_space<vmem>>, vector<16xf32>,
        %swap3A_1055 = arith.constant 3 : i32
        %swap3A_1056 = arith.index_cast %swap3A_1055 : i32 to index
        %swap3A_1057 = arith.constant 112 : index
        %swap3A_1058 = tpu.vector_load %arg7[%swap3A_1056, %swap3A_1057] {strides = array<i32>} : memref<8x128xf32, #tpu.memory_space<vmem>>, vector<16xf32>,
        tpu.vector_store %arg7[%swap3A_1056, %swap3A_1057], %gather3A_1026 {strides = array<i32>} : memref<8x128xf32, #tpu.memory_space<vmem>>, vector<16xf32>,
        %get3A_1059 = arith.constant 4 : i32
        %get3A_1060 = arith.index_cast %get3A_1059 : i32 to index
        %get3A_1061 = arith.constant 0 : index
        %get3A_1062 = tpu.vector_load %arg7[%get3A_1060, %get3A_1061] {strides = array<i32>} : memref<8x128xf32, #tpu.memory_space<vmem>>, vector<16xf32>,
        %bitcast3A_1063 = vector.bitcast %get3A_1062 : vector<16xf32> to vector<16xi32>
        %get3A_1064 = arith.constant 4 : i32
        %get3A_1065 = arith.index_cast %get3A_1064 : i32 to index
        %get3A_1066 = arith.constant 16 : index
        %get3A_1067 = tpu.vector_load %arg7[%get3A_1065, %get3A_1066] {strides = array<i32>} : memref<8x128xf32, #tpu.memory_space<vmem>>, vector<16xf32>,
        %bitcast3A_1068 = vector.bitcast %get3A_1067 : vector<16xf32> to vector<16xi32>
        %get3A_1069 = arith.constant 4 : i32
        %get3A_1070 = arith.index_cast %get3A_1069 : i32 to index
        %get3A_1071 = arith.constant 32 : index
        %get3A_1072 = tpu.vector_load %arg7[%get3A_1070, %get3A_1071] {strides = array<i32>} : memref<8x128xf32, #tpu.memory_space<vmem>>, vector<16xf32>,
        %bitcast3A_1073 = vector.bitcast %get3A_1072 : vector<16xf32> to vector<16xi32>
        %get3A_1074 = arith.constant 4 : i32
        %get3A_1075 = arith.index_cast %get3A_1074 : i32 to index
        %get3A_1076 = arith.constant 48 : index
        %get3A_1077 = tpu.vector_load %arg7[%get3A_1075, %get3A_1076] {strides = array<i32>} : memref<8x128xf32, #tpu.memory_space<vmem>>, vector<16xf32>,
        %bitcast3A_1078 = vector.bitcast %get3A_1077 : vector<16xf32> to vector<16xi32>
        %get3A_1079 = arith.constant 4 : i32
        %get3A_1080 = arith.index_cast %get3A_1079 : i32 to index
        %get3A_1081 = arith.constant 64 : index
        %get3A_1082 = tpu.vector_load %arg7[%get3A_1080, %get3A_1081] {strides = array<i32>} : memref<8x128xf32, #tpu.memory_space<vmem>>, vector<16xf32>,
        %bitcast3A_1083 = vector.bitcast %get3A_1082 : vector<16xf32> to vector<16xi32>
        %get3A_1084 = arith.constant 4 : i32
        %get3A_1085 = arith.index_cast %get3A_1084 : i32 to index
        %get3A_1086 = arith.constant 80 : index
        %get3A_1087 = tpu.vector_load %arg7[%get3A_1085, %get3A_1086] {strides = array<i32>} : memref<8x128xf32, #tpu.memory_space<vmem>>, vector<16xf32>,
        %bitcast3A_1088 = vector.bitcast %get3A_1087 : vector<16xf32> to vector<16xi32>
        %get3A_1089 = arith.constant 4 : i32
        %get3A_1090 = arith.index_cast %get3A_1089 : i32 to index
        %get3A_1091 = arith.constant 96 : index
        %get3A_1092 = tpu.vector_load %arg7[%get3A_1090, %get3A_1091] {strides = array<i32>} : memref<8x128xf32, #tpu.memory_space<vmem>>, vector<16xf32>,
        %bitcast3A_1093 = vector.bitcast %get3A_1092 : vector<16xf32> to vector<16xi32>
        %get3A_1094 = arith.constant 4 : i32
        %get3A_1095 = arith.index_cast %get3A_1094 : i32 to index
        %get3A_1096 = arith.constant 112 : index
        %get3A_1097 = tpu.vector_load %arg7[%get3A_1095, %get3A_1096] {strides = array<i32>} : memref<8x128xf32, #tpu.memory_space<vmem>>, vector<16xf32>,
        %bitcast3A_1098 = vector.bitcast %get3A_1097 : vector<16xf32> to vector<16xi32>
        %gather3A_1099 = tpu.vector_load_idx %arg5[%bitcast3A_1063, %add3A_5] : memref<1000x128xf32, #tpu.memory_space<vmem>>[vector<16xi32>, vector<16xi32>], vector<16xf32>,
        %gather3A_1100 = tpu.vector_load_idx %arg5[%bitcast3A_1068, %add3A_9] : memref<1000x128xf32, #tpu.memory_space<vmem>>[vector<16xi32>, vector<16xi32>], vector<16xf32>,
        %gather3A_1101 = tpu.vector_load_idx %arg5[%bitcast3A_1073, %add3A_13] : memref<1000x128xf32, #tpu.memory_space<vmem>>[vector<16xi32>, vector<16xi32>], vector<16xf32>,
        %gather3A_1102 = tpu.vector_load_idx %arg5[%bitcast3A_1078, %add3A_17] : memref<1000x128xf32, #tpu.memory_space<vmem>>[vector<16xi32>, vector<16xi32>], vector<16xf32>,
        %gather3A_1103 = tpu.vector_load_idx %arg5[%bitcast3A_1083, %add3A_21] : memref<1000x128xf32, #tpu.memory_space<vmem>>[vector<16xi32>, vector<16xi32>], vector<16xf32>,
        %gather3A_1104 = tpu.vector_load_idx %arg5[%bitcast3A_1088, %add3A_25] : memref<1000x128xf32, #tpu.memory_space<vmem>>[vector<16xi32>, vector<16xi32>], vector<16xf32>,
        %gather3A_1105 = tpu.vector_load_idx %arg5[%bitcast3A_1093, %add3A_29] : memref<1000x128xf32, #tpu.memory_space<vmem>>[vector<16xi32>, vector<16xi32>], vector<16xf32>,
        %gather3A_1106 = tpu.vector_load_idx %arg5[%bitcast3A_1098, %add3A_33] : memref<1000x128xf32, #tpu.memory_space<vmem>>[vector<16xi32>, vector<16xi32>], vector<16xf32>,
        %swap3A_1107 = arith.constant 4 : i32
        %swap3A_1108 = arith.index_cast %swap3A_1107 : i32 to index
        %swap3A_1109 = arith.constant 0 : index
        %swap3A_1110 = tpu.vector_load %arg7[%swap3A_1108, %swap3A_1109] {strides = array<i32>} : memref<8x128xf32, #tpu.memory_space<vmem>>, vector<16xf32>,
        tpu.vector_store %arg7[%swap3A_1108, %swap3A_1109], %gather3A_1099 {strides = array<i32>} : memref<8x128xf32, #tpu.memory_space<vmem>>, vector<16xf32>,
        %swap3A_1111 = arith.constant 4 : i32
        %swap3A_1112 = arith.index_cast %swap3A_1111 : i32 to index
        %swap3A_1113 = arith.constant 16 : index
        %swap3A_1114 = tpu.vector_load %arg7[%swap3A_1112, %swap3A_1113] {strides = array<i32>} : memref<8x128xf32, #tpu.memory_space<vmem>>, vector<16xf32>,
        tpu.vector_store %arg7[%swap3A_1112, %swap3A_1113], %gather3A_1100 {strides = array<i32>} : memref<8x128xf32, #tpu.memory_space<vmem>>, vector<16xf32>,
        %swap3A_1115 = arith.constant 4 : i32
        %swap3A_1116 = arith.index_cast %swap3A_1115 : i32 to index
        %swap3A_1117 = arith.constant 32 : index
        %swap3A_1118 = tpu.vector_load %arg7[%swap3A_1116, %swap3A_1117] {strides = array<i32>} : memref<8x128xf32, #tpu.memory_space<vmem>>, vector<16xf32>,
        tpu.vector_store %arg7[%swap3A_1116, %swap3A_1117], %gather3A_1101 {strides = array<i32>} : memref<8x128xf32, #tpu.memory_space<vmem>>, vector<16xf32>,
        %swap3A_1119 = arith.constant 4 : i32
        %swap3A_1120 = arith.index_cast %swap3A_1119 : i32 to index
        %swap3A_1121 = arith.constant 48 : index
        %swap3A_1122 = tpu.vector_load %arg7[%swap3A_1120, %swap3A_1121] {strides = array<i32>} : memref<8x128xf32, #tpu.memory_space<vmem>>, vector<16xf32>,
        tpu.vector_store %arg7[%swap3A_1120, %swap3A_1121], %gather3A_1102 {strides = array<i32>} : memref<8x128xf32, #tpu.memory_space<vmem>>, vector<16xf32>,
        %swap3A_1123 = arith.constant 4 : i32
        %swap3A_1124 = arith.index_cast %swap3A_1123 : i32 to index
        %swap3A_1125 = arith.constant 64 : index
        %swap3A_1126 = tpu.vector_load %arg7[%swap3A_1124, %swap3A_1125] {strides = array<i32>} : memref<8x128xf32, #tpu.memory_space<vmem>>, vector<16xf32>,
        tpu.vector_store %arg7[%swap3A_1124, %swap3A_1125], %gather3A_1103 {strides = array<i32>} : memref<8x128xf32, #tpu.memory_space<vmem>>, vector<16xf32>,
        %swap3A_1127 = arith.constant 4 : i32
        %swap3A_1128 = arith.index_cast %swap3A_1127 : i32 to index
        %swap3A_1129 = arith.constant 80 : index
        %swap3A_1130 = tpu.vector_load %arg7[%swap3A_1128, %swap3A_1129] {strides = array<i32>} : memref<8x128xf32, #tpu.memory_space<vmem>>, vector<16xf32>,
        tpu.vector_store %arg7[%swap3A_1128, %swap3A_1129], %gather3A_1104 {strides = array<i32>} : memref<8x128xf32, #tpu.memory_space<vmem>>, vector<16xf32>,
        %swap3A_1131 = arith.constant 4 : i32
        %swap3A_1132 = arith.index_cast %swap3A_1131 : i32 to index
        %swap3A_1133 = arith.constant 96 : index
        %swap3A_1134 = tpu.vector_load %arg7[%swap3A_1132, %swap3A_1133] {strides = array<i32>} : memref<8x128xf32, #tpu.memory_space<vmem>>, vector<16xf32>,
        tpu.vector_store %arg7[%swap3A_1132, %swap3A_1133], %gather3A_1105 {strides = array<i32>} : memref<8x128xf32, #tpu.memory_space<vmem>>, vector<16xf32>,
        %swap3A_1135 = arith.constant 4 : i32
        %swap3A_1136 = arith.index_cast %swap3A_1135 : i32 to index
        %swap3A_1137 = arith.constant 112 : index
        %swap3A_1138 = tpu.vector_load %arg7[%swap3A_1136, %swap3A_1137] {strides = array<i32>} : memref<8x128xf32, #tpu.memory_space<vmem>>, vector<16xf32>,
        tpu.vector_store %arg7[%swap3A_1136, %swap3A_1137], %gather3A_1106 {strides = array<i32>} : memref<8x128xf32, #tpu.memory_space<vmem>>, vector<16xf32>,
        %get3A_1139 = arith.constant 5 : i32
        %get3A_1140 = arith.index_cast %get3A_1139 : i32 to index
        %get3A_1141 = arith.constant 0 : index
        %get3A_1142 = tpu.vector_load %arg7[%get3A_1140, %get3A_1141] {strides = array<i32>} : memref<8x128xf32, #tpu.memory_space<vmem>>, vector<16xf32>,
        %bitcast3A_1143 = vector.bitcast %get3A_1142 : vector<16xf32> to vector<16xi32>
        %get3A_1144 = arith.constant 5 : i32
        %get3A_1145 = arith.index_cast %get3A_1144 : i32 to index
        %get3A_1146 = arith.constant 16 : index
        %get3A_1147 = tpu.vector_load %arg7[%get3A_1145, %get3A_1146] {strides = array<i32>} : memref<8x128xf32, #tpu.memory_space<vmem>>, vector<16xf32>,
        %bitcast3A_1148 = vector.bitcast %get3A_1147 : vector<16xf32> to vector<16xi32>
        %get3A_1149 = arith.constant 5 : i32
        %get3A_1150 = arith.index_cast %get3A_1149 : i32 to index
        %get3A_1151 = arith.constant 32 : index
        %get3A_1152 = tpu.vector_load %arg7[%get3A_1150, %get3A_1151] {strides = array<i32>} : memref<8x128xf32, #tpu.memory_space<vmem>>, vector<16xf32>,
        %bitcast3A_1153 = vector.bitcast %get3A_1152 : vector<16xf32> to vector<16xi32>
        %get3A_1154 = arith.constant 5 : i32
        %get3A_1155 = arith.index_cast %get3A_1154 : i32 to index
        %get3A_1156 = arith.constant 48 : index
        %get3A_1157 = tpu.vector_load %arg7[%get3A_1155, %get3A_1156] {strides = array<i32>} : memref<8x128xf32, #tpu.memory_space<vmem>>, vector<16xf32>,
        %bitcast3A_1158 = vector.bitcast %get3A_1157 : vector<16xf32> to vector<16xi32>
        %get3A_1159 = arith.constant 5 : i32
        %get3A_1160 = arith.index_cast %get3A_1159 : i32 to index
        %get3A_1161 = arith.constant 64 : index
        %get3A_1162 = tpu.vector_load %arg7[%get3A_1160, %get3A_1161] {strides = array<i32>} : memref<8x128xf32, #tpu.memory_space<vmem>>, vector<16xf32>,
        %bitcast3A_1163 = vector.bitcast %get3A_1162 : vector<16xf32> to vector<16xi32>
        %get3A_1164 = arith.constant 5 : i32
        %get3A_1165 = arith.index_cast %get3A_1164 : i32 to index
        %get3A_1166 = arith.constant 80 : index
        %get3A_1167 = tpu.vector_load %arg7[%get3A_1165, %get3A_1166] {strides = array<i32>} : memref<8x128xf32, #tpu.memory_space<vmem>>, vector<16xf32>,
        %bitcast3A_1168 = vector.bitcast %get3A_1167 : vector<16xf32> to vector<16xi32>
        %get3A_1169 = arith.constant 5 : i32
        %get3A_1170 = arith.index_cast %get3A_1169 : i32 to index
        %get3A_1171 = arith.constant 96 : index
        %get3A_1172 = tpu.vector_load %arg7[%get3A_1170, %get3A_1171] {strides = array<i32>} : memref<8x128xf32, #tpu.memory_space<vmem>>, vector<16xf32>,
        %bitcast3A_1173 = vector.bitcast %get3A_1172 : vector<16xf32> to vector<16xi32>
        %get3A_1174 = arith.constant 5 : i32
        %get3A_1175 = arith.index_cast %get3A_1174 : i32 to index
        %get3A_1176 = arith.constant 112 : index
        %get3A_1177 = tpu.vector_load %arg7[%get3A_1175, %get3A_1176] {strides = array<i32>} : memref<8x128xf32, #tpu.memory_space<vmem>>, vector<16xf32>,
        %bitcast3A_1178 = vector.bitcast %get3A_1177 : vector<16xf32> to vector<16xi32>
        %gather3A_1179 = tpu.vector_load_idx %arg5[%bitcast3A_1143, %add3A_5] : memref<1000x128xf32, #tpu.memory_space<vmem>>[vector<16xi32>, vector<16xi32>], vector<16xf32>,
        %gather3A_1180 = tpu.vector_load_idx %arg5[%bitcast3A_1148, %add3A_9] : memref<1000x128xf32, #tpu.memory_space<vmem>>[vector<16xi32>, vector<16xi32>], vector<16xf32>,
        %gather3A_1181 = tpu.vector_load_idx %arg5[%bitcast3A_1153, %add3A_13] : memref<1000x128xf32, #tpu.memory_space<vmem>>[vector<16xi32>, vector<16xi32>], vector<16xf32>,
        %gather3A_1182 = tpu.vector_load_idx %arg5[%bitcast3A_1158, %add3A_17] : memref<1000x128xf32, #tpu.memory_space<vmem>>[vector<16xi32>, vector<16xi32>], vector<16xf32>,
        %gather3A_1183 = tpu.vector_load_idx %arg5[%bitcast3A_1163, %add3A_21] : memref<1000x128xf32, #tpu.memory_space<vmem>>[vector<16xi32>, vector<16xi32>], vector<16xf32>,
        %gather3A_1184 = tpu.vector_load_idx %arg5[%bitcast3A_1168, %add3A_25] : memref<1000x128xf32, #tpu.memory_space<vmem>>[vector<16xi32>, vector<16xi32>], vector<16xf32>,
        %gather3A_1185 = tpu.vector_load_idx %arg5[%bitcast3A_1173, %add3A_29] : memref<1000x128xf32, #tpu.memory_space<vmem>>[vector<16xi32>, vector<16xi32>], vector<16xf32>,
        %gather3A_1186 = tpu.vector_load_idx %arg5[%bitcast3A_1178, %add3A_33] : memref<1000x128xf32, #tpu.memory_space<vmem>>[vector<16xi32>, vector<16xi32>], vector<16xf32>,
        %swap3A_1187 = arith.constant 5 : i32
        %swap3A_1188 = arith.index_cast %swap3A_1187 : i32 to index
        %swap3A_1189 = arith.constant 0 : index
        %swap3A_1190 = tpu.vector_load %arg7[%swap3A_1188, %swap3A_1189] {strides = array<i32>} : memref<8x128xf32, #tpu.memory_space<vmem>>, vector<16xf32>,
        tpu.vector_store %arg7[%swap3A_1188, %swap3A_1189], %gather3A_1179 {strides = array<i32>} : memref<8x128xf32, #tpu.memory_space<vmem>>, vector<16xf32>,
        %swap3A_1191 = arith.constant 5 : i32
        %swap3A_1192 = arith.index_cast %swap3A_1191 : i32 to index
        %swap3A_1193 = arith.constant 16 : index
        %swap3A_1194 = tpu.vector_load %arg7[%swap3A_1192, %swap3A_1193] {strides = array<i32>} : memref<8x128xf32, #tpu.memory_space<vmem>>, vector<16xf32>,
        tpu.vector_store %arg7[%swap3A_1192, %swap3A_1193], %gather3A_1180 {strides = array<i32>} : memref<8x128xf32, #tpu.memory_space<vmem>>, vector<16xf32>,
        %swap3A_1195 = arith.constant 5 : i32
        %swap3A_1196 = arith.index_cast %swap3A_1195 : i32 to index
        %swap3A_1197 = arith.constant 32 : index
        %swap3A_1198 = tpu.vector_load %arg7[%swap3A_1196, %swap3A_1197] {strides = array<i32>} : memref<8x128xf32, #tpu.memory_space<vmem>>, vector<16xf32>,
        tpu.vector_store %arg7[%swap3A_1196, %swap3A_1197], %gather3A_1181 {strides = array<i32>} : memref<8x128xf32, #tpu.memory_space<vmem>>, vector<16xf32>,
        %swap3A_1199 = arith.constant 5 : i32
        %swap3A_1200 = arith.index_cast %swap3A_1199 : i32 to index
        %swap3A_1201 = arith.constant 48 : index
        %swap3A_1202 = tpu.vector_load %arg7[%swap3A_1200, %swap3A_1201] {strides = array<i32>} : memref<8x128xf32, #tpu.memory_space<vmem>>, vector<16xf32>,
        tpu.vector_store %arg7[%swap3A_1200, %swap3A_1201], %gather3A_1182 {strides = array<i32>} : memref<8x128xf32, #tpu.memory_space<vmem>>, vector<16xf32>,
        %swap3A_1203 = arith.constant 5 : i32
        %swap3A_1204 = arith.index_cast %swap3A_1203 : i32 to index
        %swap3A_1205 = arith.constant 64 : index
        %swap3A_1206 = tpu.vector_load %arg7[%swap3A_1204, %swap3A_1205] {strides = array<i32>} : memref<8x128xf32, #tpu.memory_space<vmem>>, vector<16xf32>,
        tpu.vector_store %arg7[%swap3A_1204, %swap3A_1205], %gather3A_1183 {strides = array<i32>} : memref<8x128xf32, #tpu.memory_space<vmem>>, vector<16xf32>,
        %swap3A_1207 = arith.constant 5 : i32
        %swap3A_1208 = arith.index_cast %swap3A_1207 : i32 to index
        %swap3A_1209 = arith.constant 80 : index
        %swap3A_1210 = tpu.vector_load %arg7[%swap3A_1208, %swap3A_1209] {strides = array<i32>} : memref<8x128xf32, #tpu.memory_space<vmem>>, vector<16xf32>,
        tpu.vector_store %arg7[%swap3A_1208, %swap3A_1209], %gather3A_1184 {strides = array<i32>} : memref<8x128xf32, #tpu.memory_space<vmem>>, vector<16xf32>,
        %swap3A_1211 = arith.constant 5 : i32
        %swap3A_1212 = arith.index_cast %swap3A_1211 : i32 to index
        %swap3A_1213 = arith.constant 96 : index
        %swap3A_1214 = tpu.vector_load %arg7[%swap3A_1212, %swap3A_1213] {strides = array<i32>} : memref<8x128xf32, #tpu.memory_space<vmem>>, vector<16xf32>,
        tpu.vector_store %arg7[%swap3A_1212, %swap3A_1213], %gather3A_1185 {strides = array<i32>} : memref<8x128xf32, #tpu.memory_space<vmem>>, vector<16xf32>,
        %swap3A_1215 = arith.constant 5 : i32
        %swap3A_1216 = arith.index_cast %swap3A_1215 : i32 to index
        %swap3A_1217 = arith.constant 112 : index
        %swap3A_1218 = tpu.vector_load %arg7[%swap3A_1216, %swap3A_1217] {strides = array<i32>} : memref<8x128xf32, #tpu.memory_space<vmem>>, vector<16xf32>,
        tpu.vector_store %arg7[%swap3A_1216, %swap3A_1217], %gather3A_1186 {strides = array<i32>} : memref<8x128xf32, #tpu.memory_space<vmem>>, vector<16xf32>,
        %get3A_1219 = arith.constant 6 : i32
        %get3A_1220 = arith.index_cast %get3A_1219 : i32 to index
        %get3A_1221 = arith.constant 0 : index
        %get3A_1222 = tpu.vector_load %arg7[%get3A_1220, %get3A_1221] {strides = array<i32>} : memref<8x128xf32, #tpu.memory_space<vmem>>, vector<16xf32>,
        %bitcast3A_1223 = vector.bitcast %get3A_1222 : vector<16xf32> to vector<16xi32>
        %get3A_1224 = arith.constant 6 : i32
        %get3A_1225 = arith.index_cast %get3A_1224 : i32 to index
        %get3A_1226 = arith.constant 16 : index
        %get3A_1227 = tpu.vector_load %arg7[%get3A_1225, %get3A_1226] {strides = array<i32>} : memref<8x128xf32, #tpu.memory_space<vmem>>, vector<16xf32>,
        %bitcast3A_1228 = vector.bitcast %get3A_1227 : vector<16xf32> to vector<16xi32>
        %get3A_1229 = arith.constant 6 : i32
        %get3A_1230 = arith.index_cast %get3A_1229 : i32 to index
        %get3A_1231 = arith.constant 32 : index
        %get3A_1232 = tpu.vector_load %arg7[%get3A_1230, %get3A_1231] {strides = array<i32>} : memref<8x128xf32, #tpu.memory_space<vmem>>, vector<16xf32>,
        %bitcast3A_1233 = vector.bitcast %get3A_1232 : vector<16xf32> to vector<16xi32>
        %get3A_1234 = arith.constant 6 : i32
        %get3A_1235 = arith.index_cast %get3A_1234 : i32 to index
        %get3A_1236 = arith.constant 48 : index
        %get3A_1237 = tpu.vector_load %arg7[%get3A_1235, %get3A_1236] {strides = array<i32>} : memref<8x128xf32, #tpu.memory_space<vmem>>, vector<16xf32>,
        %bitcast3A_1238 = vector.bitcast %get3A_1237 : vector<16xf32> to vector<16xi32>
        %get3A_1239 = arith.constant 6 : i32
        %get3A_1240 = arith.index_cast %get3A_1239 : i32 to index
        %get3A_1241 = arith.constant 64 : index
        %get3A_1242 = tpu.vector_load %arg7[%get3A_1240, %get3A_1241] {strides = array<i32>} : memref<8x128xf32, #tpu.memory_space<vmem>>, vector<16xf32>,
        %bitcast3A_1243 = vector.bitcast %get3A_1242 : vector<16xf32> to vector<16xi32>
        %get3A_1244 = arith.constant 6 : i32
        %get3A_1245 = arith.index_cast %get3A_1244 : i32 to index
        %get3A_1246 = arith.constant 80 : index
        %get3A_1247 = tpu.vector_load %arg7[%get3A_1245, %get3A_1246] {strides = array<i32>} : memref<8x128xf32, #tpu.memory_space<vmem>>, vector<16xf32>,
        %bitcast3A_1248 = vector.bitcast %get3A_1247 : vector<16xf32> to vector<16xi32>
        %get3A_1249 = arith.constant 6 : i32
        %get3A_1250 = arith.index_cast %get3A_1249 : i32 to index
        %get3A_1251 = arith.constant 96 : index
        %get3A_1252 = tpu.vector_load %arg7[%get3A_1250, %get3A_1251] {strides = array<i32>} : memref<8x128xf32, #tpu.memory_space<vmem>>, vector<16xf32>,
        %bitcast3A_1253 = vector.bitcast %get3A_1252 : vector<16xf32> to vector<16xi32>
        %get3A_1254 = arith.constant 6 : i32
        %get3A_1255 = arith.index_cast %get3A_1254 : i32 to index
        %get3A_1256 = arith.constant 112 : index
        %get3A_1257 = tpu.vector_load %arg7[%get3A_1255, %get3A_1256] {strides = array<i32>} : memref<8x128xf32, #tpu.memory_space<vmem>>, vector<16xf32>,
        %bitcast3A_1258 = vector.bitcast %get3A_1257 : vector<16xf32> to vector<16xi32>
        %gather3A_1259 = tpu.vector_load_idx %arg5[%bitcast3A_1223, %add3A_5] : memref<1000x128xf32, #tpu.memory_space<vmem>>[vector<16xi32>, vector<16xi32>], vector<16xf32>,
        %gather3A_1260 = tpu.vector_load_idx %arg5[%bitcast3A_1228, %add3A_9] : memref<1000x128xf32, #tpu.memory_space<vmem>>[vector<16xi32>, vector<16xi32>], vector<16xf32>,
        %gather3A_1261 = tpu.vector_load_idx %arg5[%bitcast3A_1233, %add3A_13] : memref<1000x128xf32, #tpu.memory_space<vmem>>[vector<16xi32>, vector<16xi32>], vector<16xf32>,
        %gather3A_1262 = tpu.vector_load_idx %arg5[%bitcast3A_1238, %add3A_17] : memref<1000x128xf32, #tpu.memory_space<vmem>>[vector<16xi32>, vector<16xi32>], vector<16xf32>,
        %gather3A_1263 = tpu.vector_load_idx %arg5[%bitcast3A_1243, %add3A_21] : memref<1000x128xf32, #tpu.memory_space<vmem>>[vector<16xi32>, vector<16xi32>], vector<16xf32>,
        %gather3A_1264 = tpu.vector_load_idx %arg5[%bitcast3A_1248, %add3A_25] : memref<1000x128xf32, #tpu.memory_space<vmem>>[vector<16xi32>, vector<16xi32>], vector<16xf32>,
        %gather3A_1265 = tpu.vector_load_idx %arg5[%bitcast3A_1253, %add3A_29] : memref<1000x128xf32, #tpu.memory_space<vmem>>[vector<16xi32>, vector<16xi32>], vector<16xf32>,
        %gather3A_1266 = tpu.vector_load_idx %arg5[%bitcast3A_1258, %add3A_33] : memref<1000x128xf32, #tpu.memory_space<vmem>>[vector<16xi32>, vector<16xi32>], vector<16xf32>,
        %swap3A_1267 = arith.constant 6 : i32
        %swap3A_1268 = arith.index_cast %swap3A_1267 : i32 to index
        %swap3A_1269 = arith.constant 0 : index
        %swap3A_1270 = tpu.vector_load %arg7[%swap3A_1268, %swap3A_1269] {strides = array<i32>} : memref<8x128xf32, #tpu.memory_space<vmem>>, vector<16xf32>,
        tpu.vector_store %arg7[%swap3A_1268, %swap3A_1269], %gather3A_1259 {strides = array<i32>} : memref<8x128xf32, #tpu.memory_space<vmem>>, vector<16xf32>,
        %swap3A_1271 = arith.constant 6 : i32
        %swap3A_1272 = arith.index_cast %swap3A_1271 : i32 to index
        %swap3A_1273 = arith.constant 16 : index
        %swap3A_1274 = tpu.vector_load %arg7[%swap3A_1272, %swap3A_1273] {strides = array<i32>} : memref<8x128xf32, #tpu.memory_space<vmem>>, vector<16xf32>,
        tpu.vector_store %arg7[%swap3A_1272, %swap3A_1273], %gather3A_1260 {strides = array<i32>} : memref<8x128xf32, #tpu.memory_space<vmem>>, vector<16xf32>,
        %swap3A_1275 = arith.constant 6 : i32
        %swap3A_1276 = arith.index_cast %swap3A_1275 : i32 to index
        %swap3A_1277 = arith.constant 32 : index
        %swap3A_1278 = tpu.vector_load %arg7[%swap3A_1276, %swap3A_1277] {strides = array<i32>} : memref<8x128xf32, #tpu.memory_space<vmem>>, vector<16xf32>,
        tpu.vector_store %arg7[%swap3A_1276, %swap3A_1277], %gather3A_1261 {strides = array<i32>} : memref<8x128xf32, #tpu.memory_space<vmem>>, vector<16xf32>,
        %swap3A_1279 = arith.constant 6 : i32
        %swap3A_1280 = arith.index_cast %swap3A_1279 : i32 to index
        %swap3A_1281 = arith.constant 48 : index
        %swap3A_1282 = tpu.vector_load %arg7[%swap3A_1280, %swap3A_1281] {strides = array<i32>} : memref<8x128xf32, #tpu.memory_space<vmem>>, vector<16xf32>,
        tpu.vector_store %arg7[%swap3A_1280, %swap3A_1281], %gather3A_1262 {strides = array<i32>} : memref<8x128xf32, #tpu.memory_space<vmem>>, vector<16xf32>,
        %swap3A_1283 = arith.constant 6 : i32
        %swap3A_1284 = arith.index_cast %swap3A_1283 : i32 to index
        %swap3A_1285 = arith.constant 64 : index
        %swap3A_1286 = tpu.vector_load %arg7[%swap3A_1284, %swap3A_1285] {strides = array<i32>} : memref<8x128xf32, #tpu.memory_space<vmem>>, vector<16xf32>,
        tpu.vector_store %arg7[%swap3A_1284, %swap3A_1285], %gather3A_1263 {strides = array<i32>} : memref<8x128xf32, #tpu.memory_space<vmem>>, vector<16xf32>,
        %swap3A_1287 = arith.constant 6 : i32
        %swap3A_1288 = arith.index_cast %swap3A_1287 : i32 to index
        %swap3A_1289 = arith.constant 80 : index
        %swap3A_1290 = tpu.vector_load %arg7[%swap3A_1288, %swap3A_1289] {strides = array<i32>} : memref<8x128xf32, #tpu.memory_space<vmem>>, vector<16xf32>,
        tpu.vector_store %arg7[%swap3A_1288, %swap3A_1289], %gather3A_1264 {strides = array<i32>} : memref<8x128xf32, #tpu.memory_space<vmem>>, vector<16xf32>,
        %swap3A_1291 = arith.constant 6 : i32
        %swap3A_1292 = arith.index_cast %swap3A_1291 : i32 to index
        %swap3A_1293 = arith.constant 96 : index
        %swap3A_1294 = tpu.vector_load %arg7[%swap3A_1292, %swap3A_1293] {strides = array<i32>} : memref<8x128xf32, #tpu.memory_space<vmem>>, vector<16xf32>,
        tpu.vector_store %arg7[%swap3A_1292, %swap3A_1293], %gather3A_1265 {strides = array<i32>} : memref<8x128xf32, #tpu.memory_space<vmem>>, vector<16xf32>,
        %swap3A_1295 = arith.constant 6 : i32
        %swap3A_1296 = arith.index_cast %swap3A_1295 : i32 to index
        %swap3A_1297 = arith.constant 112 : index
        %swap3A_1298 = tpu.vector_load %arg7[%swap3A_1296, %swap3A_1297] {strides = array<i32>} : memref<8x128xf32, #tpu.memory_space<vmem>>, vector<16xf32>,
        tpu.vector_store %arg7[%swap3A_1296, %swap3A_1297], %gather3A_1266 {strides = array<i32>} : memref<8x128xf32, #tpu.memory_space<vmem>>, vector<16xf32>,
        %get3A_1299 = arith.constant 7 : i32
        %get3A_1300 = arith.index_cast %get3A_1299 : i32 to index
        %get3A_1301 = arith.constant 0 : index
        %get3A_1302 = tpu.vector_load %arg7[%get3A_1300, %get3A_1301] {strides = array<i32>} : memref<8x128xf32, #tpu.memory_space<vmem>>, vector<16xf32>,
        %bitcast3A_1303 = vector.bitcast %get3A_1302 : vector<16xf32> to vector<16xi32>
        %get3A_1304 = arith.constant 7 : i32
        %get3A_1305 = arith.index_cast %get3A_1304 : i32 to index
        %get3A_1306 = arith.constant 16 : index
        %get3A_1307 = tpu.vector_load %arg7[%get3A_1305, %get3A_1306] {strides = array<i32>} : memref<8x128xf32, #tpu.memory_space<vmem>>, vector<16xf32>,
        %bitcast3A_1308 = vector.bitcast %get3A_1307 : vector<16xf32> to vector<16xi32>
        %get3A_1309 = arith.constant 7 : i32
        %get3A_1310 = arith.index_cast %get3A_1309 : i32 to index
        %get3A_1311 = arith.constant 32 : index
        %get3A_1312 = tpu.vector_load %arg7[%get3A_1310, %get3A_1311] {strides = array<i32>} : memref<8x128xf32, #tpu.memory_space<vmem>>, vector<16xf32>,
        %bitcast3A_1313 = vector.bitcast %get3A_1312 : vector<16xf32> to vector<16xi32>
        %get3A_1314 = arith.constant 7 : i32
        %get3A_1315 = arith.index_cast %get3A_1314 : i32 to index
        %get3A_1316 = arith.constant 48 : index
        %get3A_1317 = tpu.vector_load %arg7[%get3A_1315, %get3A_1316] {strides = array<i32>} : memref<8x128xf32, #tpu.memory_space<vmem>>, vector<16xf32>,
        %bitcast3A_1318 = vector.bitcast %get3A_1317 : vector<16xf32> to vector<16xi32>
        %get3A_1319 = arith.constant 7 : i32
        %get3A_1320 = arith.index_cast %get3A_1319 : i32 to index
        %get3A_1321 = arith.constant 64 : index
        %get3A_1322 = tpu.vector_load %arg7[%get3A_1320, %get3A_1321] {strides = array<i32>} : memref<8x128xf32, #tpu.memory_space<vmem>>, vector<16xf32>,
        %bitcast3A_1323 = vector.bitcast %get3A_1322 : vector<16xf32> to vector<16xi32>
        %get3A_1324 = arith.constant 7 : i32
        %get3A_1325 = arith.index_cast %get3A_1324 : i32 to index
        %get3A_1326 = arith.constant 80 : index
        %get3A_1327 = tpu.vector_load %arg7[%get3A_1325, %get3A_1326] {strides = array<i32>} : memref<8x128xf32, #tpu.memory_space<vmem>>, vector<16xf32>,
        %bitcast3A_1328 = vector.bitcast %get3A_1327 : vector<16xf32> to vector<16xi32>
        %get3A_1329 = arith.constant 7 : i32
        %get3A_1330 = arith.index_cast %get3A_1329 : i32 to index
        %get3A_1331 = arith.constant 96 : index
        %get3A_1332 = tpu.vector_load %arg7[%get3A_1330, %get3A_1331] {strides = array<i32>} : memref<8x128xf32, #tpu.memory_space<vmem>>, vector<16xf32>,
        %bitcast3A_1333 = vector.bitcast %get3A_1332 : vector<16xf32> to vector<16xi32>
        %get3A_1334 = arith.constant 7 : i32
        %get3A_1335 = arith.index_cast %get3A_1334 : i32 to index
        %get3A_1336 = arith.constant 112 : index
        %get3A_1337 = tpu.vector_load %arg7[%get3A_1335, %get3A_1336] {strides = array<i32>} : memref<8x128xf32, #tpu.memory_space<vmem>>, vector<16xf32>,
        %bitcast3A_1338 = vector.bitcast %get3A_1337 : vector<16xf32> to vector<16xi32>
        %gather3A_1339 = tpu.vector_load_idx %arg5[%bitcast3A_1303, %add3A_5] : memref<1000x128xf32, #tpu.memory_space<vmem>>[vector<16xi32>, vector<16xi32>], vector<16xf32>,
        %gather3A_1340 = tpu.vector_load_idx %arg5[%bitcast3A_1308, %add3A_9] : memref<1000x128xf32, #tpu.memory_space<vmem>>[vector<16xi32>, vector<16xi32>], vector<16xf32>,
        %gather3A_1341 = tpu.vector_load_idx %arg5[%bitcast3A_1313, %add3A_13] : memref<1000x128xf32, #tpu.memory_space<vmem>>[vector<16xi32>, vector<16xi32>], vector<16xf32>,
        %gather3A_1342 = tpu.vector_load_idx %arg5[%bitcast3A_1318, %add3A_17] : memref<1000x128xf32, #tpu.memory_space<vmem>>[vector<16xi32>, vector<16xi32>], vector<16xf32>,
        %gather3A_1343 = tpu.vector_load_idx %arg5[%bitcast3A_1323, %add3A_21] : memref<1000x128xf32, #tpu.memory_space<vmem>>[vector<16xi32>, vector<16xi32>], vector<16xf32>,
        %gather3A_1344 = tpu.vector_load_idx %arg5[%bitcast3A_1328, %add3A_25] : memref<1000x128xf32, #tpu.memory_space<vmem>>[vector<16xi32>, vector<16xi32>], vector<16xf32>,
        %gather3A_1345 = tpu.vector_load_idx %arg5[%bitcast3A_1333, %add3A_29] : memref<1000x128xf32, #tpu.memory_space<vmem>>[vector<16xi32>, vector<16xi32>], vector<16xf32>,
        %gather3A_1346 = tpu.vector_load_idx %arg5[%bitcast3A_1338, %add3A_33] : memref<1000x128xf32, #tpu.memory_space<vmem>>[vector<16xi32>, vector<16xi32>], vector<16xf32>,
        %swap3A_1347 = arith.constant 7 : i32
        %swap3A_1348 = arith.index_cast %swap3A_1347 : i32 to index
        %swap3A_1349 = arith.constant 0 : index
        %swap3A_1350 = tpu.vector_load %arg7[%swap3A_1348, %swap3A_1349] {strides = array<i32>} : memref<8x128xf32, #tpu.memory_space<vmem>>, vector<16xf32>,
        tpu.vector_store %arg7[%swap3A_1348, %swap3A_1349], %gather3A_1339 {strides = array<i32>} : memref<8x128xf32, #tpu.memory_space<vmem>>, vector<16xf32>,
        %swap3A_1351 = arith.constant 7 : i32
        %swap3A_1352 = arith.index_cast %swap3A_1351 : i32 to index
        %swap3A_1353 = arith.constant 16 : index
        %swap3A_1354 = tpu.vector_load %arg7[%swap3A_1352, %swap3A_1353] {strides = array<i32>} : memref<8x128xf32, #tpu.memory_space<vmem>>, vector<16xf32>,
        tpu.vector_store %arg7[%swap3A_1352, %swap3A_1353], %gather3A_1340 {strides = array<i32>} : memref<8x128xf32, #tpu.memory_space<vmem>>, vector<16xf32>,
        %swap3A_1355 = arith.constant 7 : i32
        %swap3A_1356 = arith.index_cast %swap3A_1355 : i32 to index
        %swap3A_1357 = arith.constant 32 : index
        %swap3A_1358 = tpu.vector_load %arg7[%swap3A_1356, %swap3A_1357] {strides = array<i32>} : memref<8x128xf32, #tpu.memory_space<vmem>>, vector<16xf32>,
        tpu.vector_store %arg7[%swap3A_1356, %swap3A_1357], %gather3A_1341 {strides = array<i32>} : memref<8x128xf32, #tpu.memory_space<vmem>>, vector<16xf32>,
        %swap3A_1359 = arith.constant 7 : i32
        %swap3A_1360 = arith.index_cast %swap3A_1359 : i32 to index
        %swap3A_1361 = arith.constant 48 : index
        %swap3A_1362 = tpu.vector_load %arg7[%swap3A_1360, %swap3A_1361] {strides = array<i32>} : memref<8x128xf32, #tpu.memory_space<vmem>>, vector<16xf32>,
        tpu.vector_store %arg7[%swap3A_1360, %swap3A_1361], %gather3A_1342 {strides = array<i32>} : memref<8x128xf32, #tpu.memory_space<vmem>>, vector<16xf32>,
        %swap3A_1363 = arith.constant 7 : i32
        %swap3A_1364 = arith.index_cast %swap3A_1363 : i32 to index
        %swap3A_1365 = arith.constant 64 : index
        %swap3A_1366 = tpu.vector_load %arg7[%swap3A_1364, %swap3A_1365] {strides = array<i32>} : memref<8x128xf32, #tpu.memory_space<vmem>>, vector<16xf32>,
        tpu.vector_store %arg7[%swap3A_1364, %swap3A_1365], %gather3A_1343 {strides = array<i32>} : memref<8x128xf32, #tpu.memory_space<vmem>>, vector<16xf32>,
        %swap3A_1367 = arith.constant 7 : i32
        %swap3A_1368 = arith.index_cast %swap3A_1367 : i32 to index
        %swap3A_1369 = arith.constant 80 : index
        %swap3A_1370 = tpu.vector_load %arg7[%swap3A_1368, %swap3A_1369] {strides = array<i32>} : memref<8x128xf32, #tpu.memory_space<vmem>>, vector<16xf32>,
        tpu.vector_store %arg7[%swap3A_1368, %swap3A_1369], %gather3A_1344 {strides = array<i32>} : memref<8x128xf32, #tpu.memory_space<vmem>>, vector<16xf32>,
        %swap3A_1371 = arith.constant 7 : i32
        %swap3A_1372 = arith.index_cast %swap3A_1371 : i32 to index
        %swap3A_1373 = arith.constant 96 : index
        %swap3A_1374 = tpu.vector_load %arg7[%swap3A_1372, %swap3A_1373] {strides = array<i32>} : memref<8x128xf32, #tpu.memory_space<vmem>>, vector<16xf32>,
        tpu.vector_store %arg7[%swap3A_1372, %swap3A_1373], %gather3A_1345 {strides = array<i32>} : memref<8x128xf32, #tpu.memory_space<vmem>>, vector<16xf32>,
        %swap3A_1375 = arith.constant 7 : i32
        %swap3A_1376 = arith.index_cast %swap3A_1375 : i32 to index
        %swap3A_1377 = arith.constant 112 : index
        %swap3A_1378 = tpu.vector_load %arg7[%swap3A_1376, %swap3A_1377] {strides = array<i32>} : memref<8x128xf32, #tpu.memory_space<vmem>>, vector<16xf32>,
        tpu.vector_store %arg7[%swap3A_1376, %swap3A_1377], %gather3A_1346 {strides = array<i32>} : memref<8x128xf32, #tpu.memory_space<vmem>>, vector<16xf32>,
        %ge3A_1379 = arith.constant 1 : i32
        %ge3A_1380 = arith.cmpi sge, %add3A_731, %ge3A_1379 : i32
        %convert_element_type3A_1381 = arith.extui %ge3A_1380 : i1 to i32
        %cond3A_1382 = arith.constant 0 : i32
        %cond3A_1383 = arith.cmpi ne, %convert_element_type3A_1381, %cond3A_1382 : i32
        scf.if %cond3A_1383 {
          %sub3A = arith.constant 1 : i32
          %sub3A_2068 = arith.subi %add3A_731, %sub3A : i32
          %mul3A_2069 = arith.constant 8 : i32
          %mul3A_2070 = arith.muli %sub3A_2068, %mul3A_2069 : i32
          %dma_wait3A_2071 = arith.constant 0 : i32
          %dma_wait3A_2072 = tpu.memref_slice %arg4[%mul3A_2070, %add3A_52] : memref<200x16384xf32, #tpu.memory_space<hbm>> -> memref<8x128xf32, #tpu.memory_space<hbm>>
          %dma_wait3A_2073 = tpu.memref_slice %arg9[%dma_wait3A_2071] : memref<2x!tpu.dma_semaphore, #tpu.memory_space<semaphore_mem>> -> memref<1x!tpu.dma_semaphore, #tpu.memory_space<semaphore_mem>>
          %dma_wait3A_2074 = tpu.memref_squeeze %dma_wait3A_2073 : memref<1x!tpu.dma_semaphore, #tpu.memory_space<semaphore_mem>> -> memref<!tpu.dma_semaphore, #tpu.memory_space<semaphore_mem>>
          %dma_wait3A_2075 = tpu.memref_slice %arg4[%mul3A_2070, %add3A_52] : memref<200x16384xf32, #tpu.memory_space<hbm>> -> memref<8x128xf32, #tpu.memory_space<hbm>>
          tpu.wait_dma2 semaphore(%dma_wait3A_2074 : memref<!tpu.dma_semaphore, #tpu.memory_space<semaphore_mem>>) src(%arg6 : memref<8x128xf32, #tpu.memory_space<vmem>>) dst(%dma_wait3A_2075 : memref<8x128xf32, #tpu.memory_space<hbm>>)
        } else {
        }
        %add3A_1384 = arith.constant 1 : i32
        %add3A_1385 = arith.addi %add3A_731, %add3A_1384 : i32
        %lt3A = arith.constant 25 : i32
        %lt3A_1386 = arith.cmpi slt, %add3A_1385, %lt3A : i32
        %convert_element_type3A_1387 = arith.extui %lt3A_1386 : i1 to i32
        %cond3A_1388 = arith.constant 0 : i32
        %cond3A_1389 = arith.cmpi ne, %convert_element_type3A_1387, %cond3A_1388 : i32
        scf.if %cond3A_1389 {
          %add3A_2068 = arith.constant 1 : i32
          %add3A_2069 = arith.addi %add3A_731, %add3A_2068 : i32
          %mul3A_2070 = arith.constant 8 : i32
          %mul3A_2071 = arith.muli %add3A_2069, %mul3A_2070 : i32
          %dma_start3A_2072 = arith.constant 0 : i32
          %dma_start3A_2073 = tpu.memref_slice %arg3[%mul3A_2071, %add3A_52] : memref<200x16384xf32, #tpu.memory_space<hbm>> -> memref<8x128xf32, #tpu.memory_space<hbm>>
          %dma_start3A_2074 = tpu.memref_slice %arg8[%dma_start3A_2072] : memref<2x!tpu.dma_semaphore, #tpu.memory_space<semaphore_mem>> -> memref<1x!tpu.dma_semaphore, #tpu.memory_space<semaphore_mem>>
          %dma_start3A_2075 = tpu.memref_squeeze %dma_start3A_2074 : memref<1x!tpu.dma_semaphore, #tpu.memory_space<semaphore_mem>> -> memref<!tpu.dma_semaphore, #tpu.memory_space<semaphore_mem>>
          %dma_start3A_2076 = tpu.memref_slice %arg3[%mul3A_2071, %add3A_52] : memref<200x16384xf32, #tpu.memory_space<hbm>> -> memref<8x128xf32, #tpu.memory_space<hbm>>
          tpu.enqueue_dma source(%dma_start3A_2076 : memref<8x128xf32, #tpu.memory_space<hbm>>) target(%arg6 : memref<8x128xf32, #tpu.memory_space<vmem>>) target_semaphore(%dma_start3A_2075 : memref<!tpu.dma_semaphore, #tpu.memory_space<semaphore_mem>>)
        } else {
        }
        %mul3A_1390 = arith.constant 8 : i32
        %mul3A_1391 = arith.muli %add3A_731, %mul3A_1390 : i32
        %dma_start3A_1392 = arith.constant 1 : i32
        %dma_start3A_1393 = tpu.memref_slice %arg4[%mul3A_1391, %add3A_52] : memref<200x16384xf32, #tpu.memory_space<hbm>> -> memref<8x128xf32, #tpu.memory_space<hbm>>
        %dma_start3A_1394 = tpu.memref_slice %arg9[%dma_start3A_1392] : memref<2x!tpu.dma_semaphore, #tpu.memory_space<semaphore_mem>> -> memref<1x!tpu.dma_semaphore, #tpu.memory_space<semaphore_mem>>
        %dma_start3A_1395 = tpu.memref_squeeze %dma_start3A_1394 : memref<1x!tpu.dma_semaphore, #tpu.memory_space<semaphore_mem>> -> memref<!tpu.dma_semaphore, #tpu.memory_space<semaphore_mem>>
        %dma_start3A_1396 = tpu.memref_slice %arg4[%mul3A_1391, %add3A_52] : memref<200x16384xf32, #tpu.memory_space<hbm>> -> memref<8x128xf32, #tpu.memory_space<hbm>>
        tpu.enqueue_dma source(%arg7 : memref<8x128xf32, #tpu.memory_space<vmem>>) target(%dma_start3A_1396 : memref<8x128xf32, #tpu.memory_space<hbm>>) target_semaphore(%dma_start3A_1395 : memref<!tpu.dma_semaphore, #tpu.memory_space<semaphore_mem>>)
        %mul3A_1397 = arith.constant 2 : i32
        %mul3A_1398 = arith.muli %mul3A_1397, %scan3A_726 : i32
        %add3A_1399 = arith.constant 2 : i32
        %add3A_1400 = arith.addi %mul3A_1398, %add3A_1399 : i32
        %mul3A_1401 = arith.constant 8 : i32
        %mul3A_1402 = arith.muli %add3A_1400, %mul3A_1401 : i32
        %dma_wait3A_1403 = arith.constant 0 : i32
        %dma_wait3A_1404 = tpu.memref_slice %arg3[%mul3A_1402, %add3A_52] : memref<200x16384xf32, #tpu.memory_space<hbm>> -> memref<8x128xf32, #tpu.memory_space<hbm>>
        %dma_wait3A_1405 = tpu.memref_slice %arg8[%dma_wait3A_1403] : memref<2x!tpu.dma_semaphore, #tpu.memory_space<semaphore_mem>> -> memref<1x!tpu.dma_semaphore, #tpu.memory_space<semaphore_mem>>
        %dma_wait3A_1406 = tpu.memref_squeeze %dma_wait3A_1405 : memref<1x!tpu.dma_semaphore, #tpu.memory_space<semaphore_mem>> -> memref<!tpu.dma_semaphore, #tpu.memory_space<semaphore_mem>>
        %dma_wait3A_1407 = tpu.memref_slice %arg3[%mul3A_1402, %add3A_52] : memref<200x16384xf32, #tpu.memory_space<hbm>> -> memref<8x128xf32, #tpu.memory_space<hbm>>
        tpu.wait_dma2 semaphore(%dma_wait3A_1406 : memref<!tpu.dma_semaphore, #tpu.memory_space<semaphore_mem>>) src(%dma_wait3A_1407 : memref<8x128xf32, #tpu.memory_space<hbm>>) dst(%arg6 : memref<8x128xf32, #tpu.memory_space<vmem>>)
        %get3A_1408 = arith.constant 0 : i32
        %get3A_1409 = arith.index_cast %get3A_1408 : i32 to index
        %get3A_1410 = arith.constant 0 : index
        %get3A_1411 = tpu.vector_load %arg6[%get3A_1409, %get3A_1410] {strides = array<i32>} : memref<8x128xf32, #tpu.memory_space<vmem>>, vector<16xf32>,
        %bitcast3A_1412 = vector.bitcast %get3A_1411 : vector<16xf32> to vector<16xi32>
        %get3A_1413 = arith.constant 0 : i32
        %get3A_1414 = arith.index_cast %get3A_1413 : i32 to index
        %get3A_1415 = arith.constant 16 : index
        %get3A_1416 = tpu.vector_load %arg6[%get3A_1414, %get3A_1415] {strides = array<i32>} : memref<8x128xf32, #tpu.memory_space<vmem>>, vector<16xf32>,
        %bitcast3A_1417 = vector.bitcast %get3A_1416 : vector<16xf32> to vector<16xi32>
        %get3A_1418 = arith.constant 0 : i32
        %get3A_1419 = arith.index_cast %get3A_1418 : i32 to index
        %get3A_1420 = arith.constant 32 : index
        %get3A_1421 = tpu.vector_load %arg6[%get3A_1419, %get3A_1420] {strides = array<i32>} : memref<8x128xf32, #tpu.memory_space<vmem>>, vector<16xf32>,
        %bitcast3A_1422 = vector.bitcast %get3A_1421 : vector<16xf32> to vector<16xi32>
        %get3A_1423 = arith.constant 0 : i32
        %get3A_1424 = arith.index_cast %get3A_1423 : i32 to index
        %get3A_1425 = arith.constant 48 : index
        %get3A_1426 = tpu.vector_load %arg6[%get3A_1424, %get3A_1425] {strides = array<i32>} : memref<8x128xf32, #tpu.memory_space<vmem>>, vector<16xf32>,
        %bitcast3A_1427 = vector.bitcast %get3A_1426 : vector<16xf32> to vector<16xi32>
        %get3A_1428 = arith.constant 0 : i32
        %get3A_1429 = arith.index_cast %get3A_1428 : i32 to index
        %get3A_1430 = arith.constant 64 : index
        %get3A_1431 = tpu.vector_load %arg6[%get3A_1429, %get3A_1430] {strides = array<i32>} : memref<8x128xf32, #tpu.memory_space<vmem>>, vector<16xf32>,
        %bitcast3A_1432 = vector.bitcast %get3A_1431 : vector<16xf32> to vector<16xi32>
        %get3A_1433 = arith.constant 0 : i32
        %get3A_1434 = arith.index_cast %get3A_1433 : i32 to index
        %get3A_1435 = arith.constant 80 : index
        %get3A_1436 = tpu.vector_load %arg6[%get3A_1434, %get3A_1435] {strides = array<i32>} : memref<8x128xf32, #tpu.memory_space<vmem>>, vector<16xf32>,
        %bitcast3A_1437 = vector.bitcast %get3A_1436 : vector<16xf32> to vector<16xi32>
        %get3A_1438 = arith.constant 0 : i32
        %get3A_1439 = arith.index_cast %get3A_1438 : i32 to index
        %get3A_1440 = arith.constant 96 : index
        %get3A_1441 = tpu.vector_load %arg6[%get3A_1439, %get3A_1440] {strides = array<i32>} : memref<8x128xf32, #tpu.memory_space<vmem>>, vector<16xf32>,
        %bitcast3A_1442 = vector.bitcast %get3A_1441 : vector<16xf32> to vector<16xi32>
        %get3A_1443 = arith.constant 0 : i32
        %get3A_1444 = arith.index_cast %get3A_1443 : i32 to index
        %get3A_1445 = arith.constant 112 : index
        %get3A_1446 = tpu.vector_load %arg6[%get3A_1444, %get3A_1445] {strides = array<i32>} : memref<8x128xf32, #tpu.memory_space<vmem>>, vector<16xf32>,
        %bitcast3A_1447 = vector.bitcast %get3A_1446 : vector<16xf32> to vector<16xi32>
        %gather3A_1448 = tpu.vector_load_idx %arg5[%bitcast3A_1412, %add3A_5] : memref<1000x128xf32, #tpu.memory_space<vmem>>[vector<16xi32>, vector<16xi32>], vector<16xf32>,
        %gather3A_1449 = tpu.vector_load_idx %arg5[%bitcast3A_1417, %add3A_9] : memref<1000x128xf32, #tpu.memory_space<vmem>>[vector<16xi32>, vector<16xi32>], vector<16xf32>,
        %gather3A_1450 = tpu.vector_load_idx %arg5[%bitcast3A_1422, %add3A_13] : memref<1000x128xf32, #tpu.memory_space<vmem>>[vector<16xi32>, vector<16xi32>], vector<16xf32>,
        %gather3A_1451 = tpu.vector_load_idx %arg5[%bitcast3A_1427, %add3A_17] : memref<1000x128xf32, #tpu.memory_space<vmem>>[vector<16xi32>, vector<16xi32>], vector<16xf32>,
        %gather3A_1452 = tpu.vector_load_idx %arg5[%bitcast3A_1432, %add3A_21] : memref<1000x128xf32, #tpu.memory_space<vmem>>[vector<16xi32>, vector<16xi32>], vector<16xf32>,
        %gather3A_1453 = tpu.vector_load_idx %arg5[%bitcast3A_1437, %add3A_25] : memref<1000x128xf32, #tpu.memory_space<vmem>>[vector<16xi32>, vector<16xi32>], vector<16xf32>,
        %gather3A_1454 = tpu.vector_load_idx %arg5[%bitcast3A_1442, %add3A_29] : memref<1000x128xf32, #tpu.memory_space<vmem>>[vector<16xi32>, vector<16xi32>], vector<16xf32>,
        %gather3A_1455 = tpu.vector_load_idx %arg5[%bitcast3A_1447, %add3A_33] : memref<1000x128xf32, #tpu.memory_space<vmem>>[vector<16xi32>, vector<16xi32>], vector<16xf32>,
        %swap3A_1456 = arith.constant 0 : i32
        %swap3A_1457 = arith.index_cast %swap3A_1456 : i32 to index
        %swap3A_1458 = arith.constant 0 : index
        %swap3A_1459 = tpu.vector_load %arg6[%swap3A_1457, %swap3A_1458] {strides = array<i32>} : memref<8x128xf32, #tpu.memory_space<vmem>>, vector<16xf32>,
        tpu.vector_store %arg6[%swap3A_1457, %swap3A_1458], %gather3A_1448 {strides = array<i32>} : memref<8x128xf32, #tpu.memory_space<vmem>>, vector<16xf32>,
        %swap3A_1460 = arith.constant 0 : i32
        %swap3A_1461 = arith.index_cast %swap3A_1460 : i32 to index
        %swap3A_1462 = arith.constant 16 : index
        %swap3A_1463 = tpu.vector_load %arg6[%swap3A_1461, %swap3A_1462] {strides = array<i32>} : memref<8x128xf32, #tpu.memory_space<vmem>>, vector<16xf32>,
        tpu.vector_store %arg6[%swap3A_1461, %swap3A_1462], %gather3A_1449 {strides = array<i32>} : memref<8x128xf32, #tpu.memory_space<vmem>>, vector<16xf32>,
        %swap3A_1464 = arith.constant 0 : i32
        %swap3A_1465 = arith.index_cast %swap3A_1464 : i32 to index
        %swap3A_1466 = arith.constant 32 : index
        %swap3A_1467 = tpu.vector_load %arg6[%swap3A_1465, %swap3A_1466] {strides = array<i32>} : memref<8x128xf32, #tpu.memory_space<vmem>>, vector<16xf32>,
        tpu.vector_store %arg6[%swap3A_1465, %swap3A_1466], %gather3A_1450 {strides = array<i32>} : memref<8x128xf32, #tpu.memory_space<vmem>>, vector<16xf32>,
        %swap3A_1468 = arith.constant 0 : i32
        %swap3A_1469 = arith.index_cast %swap3A_1468 : i32 to index
        %swap3A_1470 = arith.constant 48 : index
        %swap3A_1471 = tpu.vector_load %arg6[%swap3A_1469, %swap3A_1470] {strides = array<i32>} : memref<8x128xf32, #tpu.memory_space<vmem>>, vector<16xf32>,
        tpu.vector_store %arg6[%swap3A_1469, %swap3A_1470], %gather3A_1451 {strides = array<i32>} : memref<8x128xf32, #tpu.memory_space<vmem>>, vector<16xf32>,
        %swap3A_1472 = arith.constant 0 : i32
        %swap3A_1473 = arith.index_cast %swap3A_1472 : i32 to index
        %swap3A_1474 = arith.constant 64 : index
        %swap3A_1475 = tpu.vector_load %arg6[%swap3A_1473, %swap3A_1474] {strides = array<i32>} : memref<8x128xf32, #tpu.memory_space<vmem>>, vector<16xf32>,
        tpu.vector_store %arg6[%swap3A_1473, %swap3A_1474], %gather3A_1452 {strides = array<i32>} : memref<8x128xf32, #tpu.memory_space<vmem>>, vector<16xf32>,
        %swap3A_1476 = arith.constant 0 : i32
        %swap3A_1477 = arith.index_cast %swap3A_1476 : i32 to index
        %swap3A_1478 = arith.constant 80 : index
        %swap3A_1479 = tpu.vector_load %arg6[%swap3A_1477, %swap3A_1478] {strides = array<i32>} : memref<8x128xf32, #tpu.memory_space<vmem>>, vector<16xf32>,
        tpu.vector_store %arg6[%swap3A_1477, %swap3A_1478], %gather3A_1453 {strides = array<i32>} : memref<8x128xf32, #tpu.memory_space<vmem>>, vector<16xf32>,
        %swap3A_1480 = arith.constant 0 : i32
        %swap3A_1481 = arith.index_cast %swap3A_1480 : i32 to index
        %swap3A_1482 = arith.constant 96 : index
        %swap3A_1483 = tpu.vector_load %arg6[%swap3A_1481, %swap3A_1482] {strides = array<i32>} : memref<8x128xf32, #tpu.memory_space<vmem>>, vector<16xf32>,
        tpu.vector_store %arg6[%swap3A_1481, %swap3A_1482], %gather3A_1454 {strides = array<i32>} : memref<8x128xf32, #tpu.memory_space<vmem>>, vector<16xf32>,
        %swap3A_1484 = arith.constant 0 : i32
        %swap3A_1485 = arith.index_cast %swap3A_1484 : i32 to index
        %swap3A_1486 = arith.constant 112 : index
        %swap3A_1487 = tpu.vector_load %arg6[%swap3A_1485, %swap3A_1486] {strides = array<i32>} : memref<8x128xf32, #tpu.memory_space<vmem>>, vector<16xf32>,
        tpu.vector_store %arg6[%swap3A_1485, %swap3A_1486], %gather3A_1455 {strides = array<i32>} : memref<8x128xf32, #tpu.memory_space<vmem>>, vector<16xf32>,
        %get3A_1488 = arith.constant 1 : i32
        %get3A_1489 = arith.index_cast %get3A_1488 : i32 to index
        %get3A_1490 = arith.constant 0 : index
        %get3A_1491 = tpu.vector_load %arg6[%get3A_1489, %get3A_1490] {strides = array<i32>} : memref<8x128xf32, #tpu.memory_space<vmem>>, vector<16xf32>,
        %bitcast3A_1492 = vector.bitcast %get3A_1491 : vector<16xf32> to vector<16xi32>
        %get3A_1493 = arith.constant 1 : i32
        %get3A_1494 = arith.index_cast %get3A_1493 : i32 to index
        %get3A_1495 = arith.constant 16 : index
        %get3A_1496 = tpu.vector_load %arg6[%get3A_1494, %get3A_1495] {strides = array<i32>} : memref<8x128xf32, #tpu.memory_space<vmem>>, vector<16xf32>,
        %bitcast3A_1497 = vector.bitcast %get3A_1496 : vector<16xf32> to vector<16xi32>
        %get3A_1498 = arith.constant 1 : i32
        %get3A_1499 = arith.index_cast %get3A_1498 : i32 to index
        %get3A_1500 = arith.constant 32 : index
        %get3A_1501 = tpu.vector_load %arg6[%get3A_1499, %get3A_1500] {strides = array<i32>} : memref<8x128xf32, #tpu.memory_space<vmem>>, vector<16xf32>,
        %bitcast3A_1502 = vector.bitcast %get3A_1501 : vector<16xf32> to vector<16xi32>
        %get3A_1503 = arith.constant 1 : i32
        %get3A_1504 = arith.index_cast %get3A_1503 : i32 to index
        %get3A_1505 = arith.constant 48 : index
        %get3A_1506 = tpu.vector_load %arg6[%get3A_1504, %get3A_1505] {strides = array<i32>} : memref<8x128xf32, #tpu.memory_space<vmem>>, vector<16xf32>,
        %bitcast3A_1507 = vector.bitcast %get3A_1506 : vector<16xf32> to vector<16xi32>
        %get3A_1508 = arith.constant 1 : i32
        %get3A_1509 = arith.index_cast %get3A_1508 : i32 to index
        %get3A_1510 = arith.constant 64 : index
        %get3A_1511 = tpu.vector_load %arg6[%get3A_1509, %get3A_1510] {strides = array<i32>} : memref<8x128xf32, #tpu.memory_space<vmem>>, vector<16xf32>,
        %bitcast3A_1512 = vector.bitcast %get3A_1511 : vector<16xf32> to vector<16xi32>
        %get3A_1513 = arith.constant 1 : i32
        %get3A_1514 = arith.index_cast %get3A_1513 : i32 to index
        %get3A_1515 = arith.constant 80 : index
        %get3A_1516 = tpu.vector_load %arg6[%get3A_1514, %get3A_1515] {strides = array<i32>} : memref<8x128xf32, #tpu.memory_space<vmem>>, vector<16xf32>,
        %bitcast3A_1517 = vector.bitcast %get3A_1516 : vector<16xf32> to vector<16xi32>
        %get3A_1518 = arith.constant 1 : i32
        %get3A_1519 = arith.index_cast %get3A_1518 : i32 to index
        %get3A_1520 = arith.constant 96 : index
        %get3A_1521 = tpu.vector_load %arg6[%get3A_1519, %get3A_1520] {strides = array<i32>} : memref<8x128xf32, #tpu.memory_space<vmem>>, vector<16xf32>,
        %bitcast3A_1522 = vector.bitcast %get3A_1521 : vector<16xf32> to vector<16xi32>
        %get3A_1523 = arith.constant 1 : i32
        %get3A_1524 = arith.index_cast %get3A_1523 : i32 to index
        %get3A_1525 = arith.constant 112 : index
        %get3A_1526 = tpu.vector_load %arg6[%get3A_1524, %get3A_1525] {strides = array<i32>} : memref<8x128xf32, #tpu.memory_space<vmem>>, vector<16xf32>,
        %bitcast3A_1527 = vector.bitcast %get3A_1526 : vector<16xf32> to vector<16xi32>
        %gather3A_1528 = tpu.vector_load_idx %arg5[%bitcast3A_1492, %add3A_5] : memref<1000x128xf32, #tpu.memory_space<vmem>>[vector<16xi32>, vector<16xi32>], vector<16xf32>,
        %gather3A_1529 = tpu.vector_load_idx %arg5[%bitcast3A_1497, %add3A_9] : memref<1000x128xf32, #tpu.memory_space<vmem>>[vector<16xi32>, vector<16xi32>], vector<16xf32>,
        %gather3A_1530 = tpu.vector_load_idx %arg5[%bitcast3A_1502, %add3A_13] : memref<1000x128xf32, #tpu.memory_space<vmem>>[vector<16xi32>, vector<16xi32>], vector<16xf32>,
        %gather3A_1531 = tpu.vector_load_idx %arg5[%bitcast3A_1507, %add3A_17] : memref<1000x128xf32, #tpu.memory_space<vmem>>[vector<16xi32>, vector<16xi32>], vector<16xf32>,
        %gather3A_1532 = tpu.vector_load_idx %arg5[%bitcast3A_1512, %add3A_21] : memref<1000x128xf32, #tpu.memory_space<vmem>>[vector<16xi32>, vector<16xi32>], vector<16xf32>,
        %gather3A_1533 = tpu.vector_load_idx %arg5[%bitcast3A_1517, %add3A_25] : memref<1000x128xf32, #tpu.memory_space<vmem>>[vector<16xi32>, vector<16xi32>], vector<16xf32>,
        %gather3A_1534 = tpu.vector_load_idx %arg5[%bitcast3A_1522, %add3A_29] : memref<1000x128xf32, #tpu.memory_space<vmem>>[vector<16xi32>, vector<16xi32>], vector<16xf32>,
        %gather3A_1535 = tpu.vector_load_idx %arg5[%bitcast3A_1527, %add3A_33] : memref<1000x128xf32, #tpu.memory_space<vmem>>[vector<16xi32>, vector<16xi32>], vector<16xf32>,
        %swap3A_1536 = arith.constant 1 : i32
        %swap3A_1537 = arith.index_cast %swap3A_1536 : i32 to index
        %swap3A_1538 = arith.constant 0 : index
        %swap3A_1539 = tpu.vector_load %arg6[%swap3A_1537, %swap3A_1538] {strides = array<i32>} : memref<8x128xf32, #tpu.memory_space<vmem>>, vector<16xf32>,
        tpu.vector_store %arg6[%swap3A_1537, %swap3A_1538], %gather3A_1528 {strides = array<i32>} : memref<8x128xf32, #tpu.memory_space<vmem>>, vector<16xf32>,
        %swap3A_1540 = arith.constant 1 : i32
        %swap3A_1541 = arith.index_cast %swap3A_1540 : i32 to index
        %swap3A_1542 = arith.constant 16 : index
        %swap3A_1543 = tpu.vector_load %arg6[%swap3A_1541, %swap3A_1542] {strides = array<i32>} : memref<8x128xf32, #tpu.memory_space<vmem>>, vector<16xf32>,
        tpu.vector_store %arg6[%swap3A_1541, %swap3A_1542], %gather3A_1529 {strides = array<i32>} : memref<8x128xf32, #tpu.memory_space<vmem>>, vector<16xf32>,
        %swap3A_1544 = arith.constant 1 : i32
        %swap3A_1545 = arith.index_cast %swap3A_1544 : i32 to index
        %swap3A_1546 = arith.constant 32 : index
        %swap3A_1547 = tpu.vector_load %arg6[%swap3A_1545, %swap3A_1546] {strides = array<i32>} : memref<8x128xf32, #tpu.memory_space<vmem>>, vector<16xf32>,
        tpu.vector_store %arg6[%swap3A_1545, %swap3A_1546], %gather3A_1530 {strides = array<i32>} : memref<8x128xf32, #tpu.memory_space<vmem>>, vector<16xf32>,
        %swap3A_1548 = arith.constant 1 : i32
        %swap3A_1549 = arith.index_cast %swap3A_1548 : i32 to index
        %swap3A_1550 = arith.constant 48 : index
        %swap3A_1551 = tpu.vector_load %arg6[%swap3A_1549, %swap3A_1550] {strides = array<i32>} : memref<8x128xf32, #tpu.memory_space<vmem>>, vector<16xf32>,
        tpu.vector_store %arg6[%swap3A_1549, %swap3A_1550], %gather3A_1531 {strides = array<i32>} : memref<8x128xf32, #tpu.memory_space<vmem>>, vector<16xf32>,
        %swap3A_1552 = arith.constant 1 : i32
        %swap3A_1553 = arith.index_cast %swap3A_1552 : i32 to index
        %swap3A_1554 = arith.constant 64 : index
        %swap3A_1555 = tpu.vector_load %arg6[%swap3A_1553, %swap3A_1554] {strides = array<i32>} : memref<8x128xf32, #tpu.memory_space<vmem>>, vector<16xf32>,
        tpu.vector_store %arg6[%swap3A_1553, %swap3A_1554], %gather3A_1532 {strides = array<i32>} : memref<8x128xf32, #tpu.memory_space<vmem>>, vector<16xf32>,
        %swap3A_1556 = arith.constant 1 : i32
        %swap3A_1557 = arith.index_cast %swap3A_1556 : i32 to index
        %swap3A_1558 = arith.constant 80 : index
        %swap3A_1559 = tpu.vector_load %arg6[%swap3A_1557, %swap3A_1558] {strides = array<i32>} : memref<8x128xf32, #tpu.memory_space<vmem>>, vector<16xf32>,
        tpu.vector_store %arg6[%swap3A_1557, %swap3A_1558], %gather3A_1533 {strides = array<i32>} : memref<8x128xf32, #tpu.memory_space<vmem>>, vector<16xf32>,
        %swap3A_1560 = arith.constant 1 : i32
        %swap3A_1561 = arith.index_cast %swap3A_1560 : i32 to index
        %swap3A_1562 = arith.constant 96 : index
        %swap3A_1563 = tpu.vector_load %arg6[%swap3A_1561, %swap3A_1562] {strides = array<i32>} : memref<8x128xf32, #tpu.memory_space<vmem>>, vector<16xf32>,
        tpu.vector_store %arg6[%swap3A_1561, %swap3A_1562], %gather3A_1534 {strides = array<i32>} : memref<8x128xf32, #tpu.memory_space<vmem>>, vector<16xf32>,
        %swap3A_1564 = arith.constant 1 : i32
        %swap3A_1565 = arith.index_cast %swap3A_1564 : i32 to index
        %swap3A_1566 = arith.constant 112 : index
        %swap3A_1567 = tpu.vector_load %arg6[%swap3A_1565, %swap3A_1566] {strides = array<i32>} : memref<8x128xf32, #tpu.memory_space<vmem>>, vector<16xf32>,
        tpu.vector_store %arg6[%swap3A_1565, %swap3A_1566], %gather3A_1535 {strides = array<i32>} : memref<8x128xf32, #tpu.memory_space<vmem>>, vector<16xf32>,
        %get3A_1568 = arith.constant 2 : i32
        %get3A_1569 = arith.index_cast %get3A_1568 : i32 to index
        %get3A_1570 = arith.constant 0 : index
        %get3A_1571 = tpu.vector_load %arg6[%get3A_1569, %get3A_1570] {strides = array<i32>} : memref<8x128xf32, #tpu.memory_space<vmem>>, vector<16xf32>,
        %bitcast3A_1572 = vector.bitcast %get3A_1571 : vector<16xf32> to vector<16xi32>
        %get3A_1573 = arith.constant 2 : i32
        %get3A_1574 = arith.index_cast %get3A_1573 : i32 to index
        %get3A_1575 = arith.constant 16 : index
        %get3A_1576 = tpu.vector_load %arg6[%get3A_1574, %get3A_1575] {strides = array<i32>} : memref<8x128xf32, #tpu.memory_space<vmem>>, vector<16xf32>,
        %bitcast3A_1577 = vector.bitcast %get3A_1576 : vector<16xf32> to vector<16xi32>
        %get3A_1578 = arith.constant 2 : i32
        %get3A_1579 = arith.index_cast %get3A_1578 : i32 to index
        %get3A_1580 = arith.constant 32 : index
        %get3A_1581 = tpu.vector_load %arg6[%get3A_1579, %get3A_1580] {strides = array<i32>} : memref<8x128xf32, #tpu.memory_space<vmem>>, vector<16xf32>,
        %bitcast3A_1582 = vector.bitcast %get3A_1581 : vector<16xf32> to vector<16xi32>
        %get3A_1583 = arith.constant 2 : i32
        %get3A_1584 = arith.index_cast %get3A_1583 : i32 to index
        %get3A_1585 = arith.constant 48 : index
        %get3A_1586 = tpu.vector_load %arg6[%get3A_1584, %get3A_1585] {strides = array<i32>} : memref<8x128xf32, #tpu.memory_space<vmem>>, vector<16xf32>,
        %bitcast3A_1587 = vector.bitcast %get3A_1586 : vector<16xf32> to vector<16xi32>
        %get3A_1588 = arith.constant 2 : i32
        %get3A_1589 = arith.index_cast %get3A_1588 : i32 to index
        %get3A_1590 = arith.constant 64 : index
        %get3A_1591 = tpu.vector_load %arg6[%get3A_1589, %get3A_1590] {strides = array<i32>} : memref<8x128xf32, #tpu.memory_space<vmem>>, vector<16xf32>,
        %bitcast3A_1592 = vector.bitcast %get3A_1591 : vector<16xf32> to vector<16xi32>
        %get3A_1593 = arith.constant 2 : i32
        %get3A_1594 = arith.index_cast %get3A_1593 : i32 to index
        %get3A_1595 = arith.constant 80 : index
        %get3A_1596 = tpu.vector_load %arg6[%get3A_1594, %get3A_1595] {strides = array<i32>} : memref<8x128xf32, #tpu.memory_space<vmem>>, vector<16xf32>,
        %bitcast3A_1597 = vector.bitcast %get3A_1596 : vector<16xf32> to vector<16xi32>
        %get3A_1598 = arith.constant 2 : i32
        %get3A_1599 = arith.index_cast %get3A_1598 : i32 to index
        %get3A_1600 = arith.constant 96 : index
        %get3A_1601 = tpu.vector_load %arg6[%get3A_1599, %get3A_1600] {strides = array<i32>} : memref<8x128xf32, #tpu.memory_space<vmem>>, vector<16xf32>,
        %bitcast3A_1602 = vector.bitcast %get3A_1601 : vector<16xf32> to vector<16xi32>
        %get3A_1603 = arith.constant 2 : i32
        %get3A_1604 = arith.index_cast %get3A_1603 : i32 to index
        %get3A_1605 = arith.constant 112 : index
        %get3A_1606 = tpu.vector_load %arg6[%get3A_1604, %get3A_1605] {strides = array<i32>} : memref<8x128xf32, #tpu.memory_space<vmem>>, vector<16xf32>,
        %bitcast3A_1607 = vector.bitcast %get3A_1606 : vector<16xf32> to vector<16xi32>
        %gather3A_1608 = tpu.vector_load_idx %arg5[%bitcast3A_1572, %add3A_5] : memref<1000x128xf32, #tpu.memory_space<vmem>>[vector<16xi32>, vector<16xi32>], vector<16xf32>,
        %gather3A_1609 = tpu.vector_load_idx %arg5[%bitcast3A_1577, %add3A_9] : memref<1000x128xf32, #tpu.memory_space<vmem>>[vector<16xi32>, vector<16xi32>], vector<16xf32>,
        %gather3A_1610 = tpu.vector_load_idx %arg5[%bitcast3A_1582, %add3A_13] : memref<1000x128xf32, #tpu.memory_space<vmem>>[vector<16xi32>, vector<16xi32>], vector<16xf32>,
        %gather3A_1611 = tpu.vector_load_idx %arg5[%bitcast3A_1587, %add3A_17] : memref<1000x128xf32, #tpu.memory_space<vmem>>[vector<16xi32>, vector<16xi32>], vector<16xf32>,
        %gather3A_1612 = tpu.vector_load_idx %arg5[%bitcast3A_1592, %add3A_21] : memref<1000x128xf32, #tpu.memory_space<vmem>>[vector<16xi32>, vector<16xi32>], vector<16xf32>,
        %gather3A_1613 = tpu.vector_load_idx %arg5[%bitcast3A_1597, %add3A_25] : memref<1000x128xf32, #tpu.memory_space<vmem>>[vector<16xi32>, vector<16xi32>], vector<16xf32>,
        %gather3A_1614 = tpu.vector_load_idx %arg5[%bitcast3A_1602, %add3A_29] : memref<1000x128xf32, #tpu.memory_space<vmem>>[vector<16xi32>, vector<16xi32>], vector<16xf32>,
        %gather3A_1615 = tpu.vector_load_idx %arg5[%bitcast3A_1607, %add3A_33] : memref<1000x128xf32, #tpu.memory_space<vmem>>[vector<16xi32>, vector<16xi32>], vector<16xf32>,
        %swap3A_1616 = arith.constant 2 : i32
        %swap3A_1617 = arith.index_cast %swap3A_1616 : i32 to index
        %swap3A_1618 = arith.constant 0 : index
        %swap3A_1619 = tpu.vector_load %arg6[%swap3A_1617, %swap3A_1618] {strides = array<i32>} : memref<8x128xf32, #tpu.memory_space<vmem>>, vector<16xf32>,
        tpu.vector_store %arg6[%swap3A_1617, %swap3A_1618], %gather3A_1608 {strides = array<i32>} : memref<8x128xf32, #tpu.memory_space<vmem>>, vector<16xf32>,
        %swap3A_1620 = arith.constant 2 : i32
        %swap3A_1621 = arith.index_cast %swap3A_1620 : i32 to index
        %swap3A_1622 = arith.constant 16 : index
        %swap3A_1623 = tpu.vector_load %arg6[%swap3A_1621, %swap3A_1622] {strides = array<i32>} : memref<8x128xf32, #tpu.memory_space<vmem>>, vector<16xf32>,
        tpu.vector_store %arg6[%swap3A_1621, %swap3A_1622], %gather3A_1609 {strides = array<i32>} : memref<8x128xf32, #tpu.memory_space<vmem>>, vector<16xf32>,
        %swap3A_1624 = arith.constant 2 : i32
        %swap3A_1625 = arith.index_cast %swap3A_1624 : i32 to index
        %swap3A_1626 = arith.constant 32 : index
        %swap3A_1627 = tpu.vector_load %arg6[%swap3A_1625, %swap3A_1626] {strides = array<i32>} : memref<8x128xf32, #tpu.memory_space<vmem>>, vector<16xf32>,
        tpu.vector_store %arg6[%swap3A_1625, %swap3A_1626], %gather3A_1610 {strides = array<i32>} : memref<8x128xf32, #tpu.memory_space<vmem>>, vector<16xf32>,
        %swap3A_1628 = arith.constant 2 : i32
        %swap3A_1629 = arith.index_cast %swap3A_1628 : i32 to index
        %swap3A_1630 = arith.constant 48 : index
        %swap3A_1631 = tpu.vector_load %arg6[%swap3A_1629, %swap3A_1630] {strides = array<i32>} : memref<8x128xf32, #tpu.memory_space<vmem>>, vector<16xf32>,
        tpu.vector_store %arg6[%swap3A_1629, %swap3A_1630], %gather3A_1611 {strides = array<i32>} : memref<8x128xf32, #tpu.memory_space<vmem>>, vector<16xf32>,
        %swap3A_1632 = arith.constant 2 : i32
        %swap3A_1633 = arith.index_cast %swap3A_1632 : i32 to index
        %swap3A_1634 = arith.constant 64 : index
        %swap3A_1635 = tpu.vector_load %arg6[%swap3A_1633, %swap3A_1634] {strides = array<i32>} : memref<8x128xf32, #tpu.memory_space<vmem>>, vector<16xf32>,
        tpu.vector_store %arg6[%swap3A_1633, %swap3A_1634], %gather3A_1612 {strides = array<i32>} : memref<8x128xf32, #tpu.memory_space<vmem>>, vector<16xf32>,
        %swap3A_1636 = arith.constant 2 : i32
        %swap3A_1637 = arith.index_cast %swap3A_1636 : i32 to index
        %swap3A_1638 = arith.constant 80 : index
        %swap3A_1639 = tpu.vector_load %arg6[%swap3A_1637, %swap3A_1638] {strides = array<i32>} : memref<8x128xf32, #tpu.memory_space<vmem>>, vector<16xf32>,
        tpu.vector_store %arg6[%swap3A_1637, %swap3A_1638], %gather3A_1613 {strides = array<i32>} : memref<8x128xf32, #tpu.memory_space<vmem>>, vector<16xf32>,
        %swap3A_1640 = arith.constant 2 : i32
        %swap3A_1641 = arith.index_cast %swap3A_1640 : i32 to index
        %swap3A_1642 = arith.constant 96 : index
        %swap3A_1643 = tpu.vector_load %arg6[%swap3A_1641, %swap3A_1642] {strides = array<i32>} : memref<8x128xf32, #tpu.memory_space<vmem>>, vector<16xf32>,
        tpu.vector_store %arg6[%swap3A_1641, %swap3A_1642], %gather3A_1614 {strides = array<i32>} : memref<8x128xf32, #tpu.memory_space<vmem>>, vector<16xf32>,
        %swap3A_1644 = arith.constant 2 : i32
        %swap3A_1645 = arith.index_cast %swap3A_1644 : i32 to index
        %swap3A_1646 = arith.constant 112 : index
        %swap3A_1647 = tpu.vector_load %arg6[%swap3A_1645, %swap3A_1646] {strides = array<i32>} : memref<8x128xf32, #tpu.memory_space<vmem>>, vector<16xf32>,
        tpu.vector_store %arg6[%swap3A_1645, %swap3A_1646], %gather3A_1615 {strides = array<i32>} : memref<8x128xf32, #tpu.memory_space<vmem>>, vector<16xf32>,
        %get3A_1648 = arith.constant 3 : i32
        %get3A_1649 = arith.index_cast %get3A_1648 : i32 to index
        %get3A_1650 = arith.constant 0 : index
        %get3A_1651 = tpu.vector_load %arg6[%get3A_1649, %get3A_1650] {strides = array<i32>} : memref<8x128xf32, #tpu.memory_space<vmem>>, vector<16xf32>,
        %bitcast3A_1652 = vector.bitcast %get3A_1651 : vector<16xf32> to vector<16xi32>
        %get3A_1653 = arith.constant 3 : i32
        %get3A_1654 = arith.index_cast %get3A_1653 : i32 to index
        %get3A_1655 = arith.constant 16 : index
        %get3A_1656 = tpu.vector_load %arg6[%get3A_1654, %get3A_1655] {strides = array<i32>} : memref<8x128xf32, #tpu.memory_space<vmem>>, vector<16xf32>,
        %bitcast3A_1657 = vector.bitcast %get3A_1656 : vector<16xf32> to vector<16xi32>
        %get3A_1658 = arith.constant 3 : i32
        %get3A_1659 = arith.index_cast %get3A_1658 : i32 to index
        %get3A_1660 = arith.constant 32 : index
        %get3A_1661 = tpu.vector_load %arg6[%get3A_1659, %get3A_1660] {strides = array<i32>} : memref<8x128xf32, #tpu.memory_space<vmem>>, vector<16xf32>,
        %bitcast3A_1662 = vector.bitcast %get3A_1661 : vector<16xf32> to vector<16xi32>
        %get3A_1663 = arith.constant 3 : i32
        %get3A_1664 = arith.index_cast %get3A_1663 : i32 to index
        %get3A_1665 = arith.constant 48 : index
        %get3A_1666 = tpu.vector_load %arg6[%get3A_1664, %get3A_1665] {strides = array<i32>} : memref<8x128xf32, #tpu.memory_space<vmem>>, vector<16xf32>,
        %bitcast3A_1667 = vector.bitcast %get3A_1666 : vector<16xf32> to vector<16xi32>
        %get3A_1668 = arith.constant 3 : i32
        %get3A_1669 = arith.index_cast %get3A_1668 : i32 to index
        %get3A_1670 = arith.constant 64 : index
        %get3A_1671 = tpu.vector_load %arg6[%get3A_1669, %get3A_1670] {strides = array<i32>} : memref<8x128xf32, #tpu.memory_space<vmem>>, vector<16xf32>,
        %bitcast3A_1672 = vector.bitcast %get3A_1671 : vector<16xf32> to vector<16xi32>
        %get3A_1673 = arith.constant 3 : i32
        %get3A_1674 = arith.index_cast %get3A_1673 : i32 to index
        %get3A_1675 = arith.constant 80 : index
        %get3A_1676 = tpu.vector_load %arg6[%get3A_1674, %get3A_1675] {strides = array<i32>} : memref<8x128xf32, #tpu.memory_space<vmem>>, vector<16xf32>,
        %bitcast3A_1677 = vector.bitcast %get3A_1676 : vector<16xf32> to vector<16xi32>
        %get3A_1678 = arith.constant 3 : i32
        %get3A_1679 = arith.index_cast %get3A_1678 : i32 to index
        %get3A_1680 = arith.constant 96 : index
        %get3A_1681 = tpu.vector_load %arg6[%get3A_1679, %get3A_1680] {strides = array<i32>} : memref<8x128xf32, #tpu.memory_space<vmem>>, vector<16xf32>,
        %bitcast3A_1682 = vector.bitcast %get3A_1681 : vector<16xf32> to vector<16xi32>
        %get3A_1683 = arith.constant 3 : i32
        %get3A_1684 = arith.index_cast %get3A_1683 : i32 to index
        %get3A_1685 = arith.constant 112 : index
        %get3A_1686 = tpu.vector_load %arg6[%get3A_1684, %get3A_1685] {strides = array<i32>} : memref<8x128xf32, #tpu.memory_space<vmem>>, vector<16xf32>,
        %bitcast3A_1687 = vector.bitcast %get3A_1686 : vector<16xf32> to vector<16xi32>
        %gather3A_1688 = tpu.vector_load_idx %arg5[%bitcast3A_1652, %add3A_5] : memref<1000x128xf32, #tpu.memory_space<vmem>>[vector<16xi32>, vector<16xi32>], vector<16xf32>,
        %gather3A_1689 = tpu.vector_load_idx %arg5[%bitcast3A_1657, %add3A_9] : memref<1000x128xf32, #tpu.memory_space<vmem>>[vector<16xi32>, vector<16xi32>], vector<16xf32>,
        %gather3A_1690 = tpu.vector_load_idx %arg5[%bitcast3A_1662, %add3A_13] : memref<1000x128xf32, #tpu.memory_space<vmem>>[vector<16xi32>, vector<16xi32>], vector<16xf32>,
        %gather3A_1691 = tpu.vector_load_idx %arg5[%bitcast3A_1667, %add3A_17] : memref<1000x128xf32, #tpu.memory_space<vmem>>[vector<16xi32>, vector<16xi32>], vector<16xf32>,
        %gather3A_1692 = tpu.vector_load_idx %arg5[%bitcast3A_1672, %add3A_21] : memref<1000x128xf32, #tpu.memory_space<vmem>>[vector<16xi32>, vector<16xi32>], vector<16xf32>,
        %gather3A_1693 = tpu.vector_load_idx %arg5[%bitcast3A_1677, %add3A_25] : memref<1000x128xf32, #tpu.memory_space<vmem>>[vector<16xi32>, vector<16xi32>], vector<16xf32>,
        %gather3A_1694 = tpu.vector_load_idx %arg5[%bitcast3A_1682, %add3A_29] : memref<1000x128xf32, #tpu.memory_space<vmem>>[vector<16xi32>, vector<16xi32>], vector<16xf32>,
        %gather3A_1695 = tpu.vector_load_idx %arg5[%bitcast3A_1687, %add3A_33] : memref<1000x128xf32, #tpu.memory_space<vmem>>[vector<16xi32>, vector<16xi32>], vector<16xf32>,
        %swap3A_1696 = arith.constant 3 : i32
        %swap3A_1697 = arith.index_cast %swap3A_1696 : i32 to index
        %swap3A_1698 = arith.constant 0 : index
        %swap3A_1699 = tpu.vector_load %arg6[%swap3A_1697, %swap3A_1698] {strides = array<i32>} : memref<8x128xf32, #tpu.memory_space<vmem>>, vector<16xf32>,
        tpu.vector_store %arg6[%swap3A_1697, %swap3A_1698], %gather3A_1688 {strides = array<i32>} : memref<8x128xf32, #tpu.memory_space<vmem>>, vector<16xf32>,
        %swap3A_1700 = arith.constant 3 : i32
        %swap3A_1701 = arith.index_cast %swap3A_1700 : i32 to index
        %swap3A_1702 = arith.constant 16 : index
        %swap3A_1703 = tpu.vector_load %arg6[%swap3A_1701, %swap3A_1702] {strides = array<i32>} : memref<8x128xf32, #tpu.memory_space<vmem>>, vector<16xf32>,
        tpu.vector_store %arg6[%swap3A_1701, %swap3A_1702], %gather3A_1689 {strides = array<i32>} : memref<8x128xf32, #tpu.memory_space<vmem>>, vector<16xf32>,
        %swap3A_1704 = arith.constant 3 : i32
        %swap3A_1705 = arith.index_cast %swap3A_1704 : i32 to index
        %swap3A_1706 = arith.constant 32 : index
        %swap3A_1707 = tpu.vector_load %arg6[%swap3A_1705, %swap3A_1706] {strides = array<i32>} : memref<8x128xf32, #tpu.memory_space<vmem>>, vector<16xf32>,
        tpu.vector_store %arg6[%swap3A_1705, %swap3A_1706], %gather3A_1690 {strides = array<i32>} : memref<8x128xf32, #tpu.memory_space<vmem>>, vector<16xf32>,
        %swap3A_1708 = arith.constant 3 : i32
        %swap3A_1709 = arith.index_cast %swap3A_1708 : i32 to index
        %swap3A_1710 = arith.constant 48 : index
        %swap3A_1711 = tpu.vector_load %arg6[%swap3A_1709, %swap3A_1710] {strides = array<i32>} : memref<8x128xf32, #tpu.memory_space<vmem>>, vector<16xf32>,
        tpu.vector_store %arg6[%swap3A_1709, %swap3A_1710], %gather3A_1691 {strides = array<i32>} : memref<8x128xf32, #tpu.memory_space<vmem>>, vector<16xf32>,
        %swap3A_1712 = arith.constant 3 : i32
        %swap3A_1713 = arith.index_cast %swap3A_1712 : i32 to index
        %swap3A_1714 = arith.constant 64 : index
        %swap3A_1715 = tpu.vector_load %arg6[%swap3A_1713, %swap3A_1714] {strides = array<i32>} : memref<8x128xf32, #tpu.memory_space<vmem>>, vector<16xf32>,
        tpu.vector_store %arg6[%swap3A_1713, %swap3A_1714], %gather3A_1692 {strides = array<i32>} : memref<8x128xf32, #tpu.memory_space<vmem>>, vector<16xf32>,
        %swap3A_1716 = arith.constant 3 : i32
        %swap3A_1717 = arith.index_cast %swap3A_1716 : i32 to index
        %swap3A_1718 = arith.constant 80 : index
        %swap3A_1719 = tpu.vector_load %arg6[%swap3A_1717, %swap3A_1718] {strides = array<i32>} : memref<8x128xf32, #tpu.memory_space<vmem>>, vector<16xf32>,
        tpu.vector_store %arg6[%swap3A_1717, %swap3A_1718], %gather3A_1693 {strides = array<i32>} : memref<8x128xf32, #tpu.memory_space<vmem>>, vector<16xf32>,
        %swap3A_1720 = arith.constant 3 : i32
        %swap3A_1721 = arith.index_cast %swap3A_1720 : i32 to index
        %swap3A_1722 = arith.constant 96 : index
        %swap3A_1723 = tpu.vector_load %arg6[%swap3A_1721, %swap3A_1722] {strides = array<i32>} : memref<8x128xf32, #tpu.memory_space<vmem>>, vector<16xf32>,
        tpu.vector_store %arg6[%swap3A_1721, %swap3A_1722], %gather3A_1694 {strides = array<i32>} : memref<8x128xf32, #tpu.memory_space<vmem>>, vector<16xf32>,
        %swap3A_1724 = arith.constant 3 : i32
        %swap3A_1725 = arith.index_cast %swap3A_1724 : i32 to index
        %swap3A_1726 = arith.constant 112 : index
        %swap3A_1727 = tpu.vector_load %arg6[%swap3A_1725, %swap3A_1726] {strides = array<i32>} : memref<8x128xf32, #tpu.memory_space<vmem>>, vector<16xf32>,
        tpu.vector_store %arg6[%swap3A_1725, %swap3A_1726], %gather3A_1695 {strides = array<i32>} : memref<8x128xf32, #tpu.memory_space<vmem>>, vector<16xf32>,
        %get3A_1728 = arith.constant 4 : i32
        %get3A_1729 = arith.index_cast %get3A_1728 : i32 to index
        %get3A_1730 = arith.constant 0 : index
        %get3A_1731 = tpu.vector_load %arg6[%get3A_1729, %get3A_1730] {strides = array<i32>} : memref<8x128xf32, #tpu.memory_space<vmem>>, vector<16xf32>,
        %bitcast3A_1732 = vector.bitcast %get3A_1731 : vector<16xf32> to vector<16xi32>
        %get3A_1733 = arith.constant 4 : i32
        %get3A_1734 = arith.index_cast %get3A_1733 : i32 to index
        %get3A_1735 = arith.constant 16 : index
        %get3A_1736 = tpu.vector_load %arg6[%get3A_1734, %get3A_1735] {strides = array<i32>} : memref<8x128xf32, #tpu.memory_space<vmem>>, vector<16xf32>,
        %bitcast3A_1737 = vector.bitcast %get3A_1736 : vector<16xf32> to vector<16xi32>
        %get3A_1738 = arith.constant 4 : i32
        %get3A_1739 = arith.index_cast %get3A_1738 : i32 to index
        %get3A_1740 = arith.constant 32 : index
        %get3A_1741 = tpu.vector_load %arg6[%get3A_1739, %get3A_1740] {strides = array<i32>} : memref<8x128xf32, #tpu.memory_space<vmem>>, vector<16xf32>,
        %bitcast3A_1742 = vector.bitcast %get3A_1741 : vector<16xf32> to vector<16xi32>
        %get3A_1743 = arith.constant 4 : i32
        %get3A_1744 = arith.index_cast %get3A_1743 : i32 to index
        %get3A_1745 = arith.constant 48 : index
        %get3A_1746 = tpu.vector_load %arg6[%get3A_1744, %get3A_1745] {strides = array<i32>} : memref<8x128xf32, #tpu.memory_space<vmem>>, vector<16xf32>,
        %bitcast3A_1747 = vector.bitcast %get3A_1746 : vector<16xf32> to vector<16xi32>
        %get3A_1748 = arith.constant 4 : i32
        %get3A_1749 = arith.index_cast %get3A_1748 : i32 to index
        %get3A_1750 = arith.constant 64 : index
        %get3A_1751 = tpu.vector_load %arg6[%get3A_1749, %get3A_1750] {strides = array<i32>} : memref<8x128xf32, #tpu.memory_space<vmem>>, vector<16xf32>,
        %bitcast3A_1752 = vector.bitcast %get3A_1751 : vector<16xf32> to vector<16xi32>
        %get3A_1753 = arith.constant 4 : i32
        %get3A_1754 = arith.index_cast %get3A_1753 : i32 to index
        %get3A_1755 = arith.constant 80 : index
        %get3A_1756 = tpu.vector_load %arg6[%get3A_1754, %get3A_1755] {strides = array<i32>} : memref<8x128xf32, #tpu.memory_space<vmem>>, vector<16xf32>,
        %bitcast3A_1757 = vector.bitcast %get3A_1756 : vector<16xf32> to vector<16xi32>
        %get3A_1758 = arith.constant 4 : i32
        %get3A_1759 = arith.index_cast %get3A_1758 : i32 to index
        %get3A_1760 = arith.constant 96 : index
        %get3A_1761 = tpu.vector_load %arg6[%get3A_1759, %get3A_1760] {strides = array<i32>} : memref<8x128xf32, #tpu.memory_space<vmem>>, vector<16xf32>,
        %bitcast3A_1762 = vector.bitcast %get3A_1761 : vector<16xf32> to vector<16xi32>
        %get3A_1763 = arith.constant 4 : i32
        %get3A_1764 = arith.index_cast %get3A_1763 : i32 to index
        %get3A_1765 = arith.constant 112 : index
        %get3A_1766 = tpu.vector_load %arg6[%get3A_1764, %get3A_1765] {strides = array<i32>} : memref<8x128xf32, #tpu.memory_space<vmem>>, vector<16xf32>,
        %bitcast3A_1767 = vector.bitcast %get3A_1766 : vector<16xf32> to vector<16xi32>
        %gather3A_1768 = tpu.vector_load_idx %arg5[%bitcast3A_1732, %add3A_5] : memref<1000x128xf32, #tpu.memory_space<vmem>>[vector<16xi32>, vector<16xi32>], vector<16xf32>,
        %gather3A_1769 = tpu.vector_load_idx %arg5[%bitcast3A_1737, %add3A_9] : memref<1000x128xf32, #tpu.memory_space<vmem>>[vector<16xi32>, vector<16xi32>], vector<16xf32>,
        %gather3A_1770 = tpu.vector_load_idx %arg5[%bitcast3A_1742, %add3A_13] : memref<1000x128xf32, #tpu.memory_space<vmem>>[vector<16xi32>, vector<16xi32>], vector<16xf32>,
        %gather3A_1771 = tpu.vector_load_idx %arg5[%bitcast3A_1747, %add3A_17] : memref<1000x128xf32, #tpu.memory_space<vmem>>[vector<16xi32>, vector<16xi32>], vector<16xf32>,
        %gather3A_1772 = tpu.vector_load_idx %arg5[%bitcast3A_1752, %add3A_21] : memref<1000x128xf32, #tpu.memory_space<vmem>>[vector<16xi32>, vector<16xi32>], vector<16xf32>,
        %gather3A_1773 = tpu.vector_load_idx %arg5[%bitcast3A_1757, %add3A_25] : memref<1000x128xf32, #tpu.memory_space<vmem>>[vector<16xi32>, vector<16xi32>], vector<16xf32>,
        %gather3A_1774 = tpu.vector_load_idx %arg5[%bitcast3A_1762, %add3A_29] : memref<1000x128xf32, #tpu.memory_space<vmem>>[vector<16xi32>, vector<16xi32>], vector<16xf32>,
        %gather3A_1775 = tpu.vector_load_idx %arg5[%bitcast3A_1767, %add3A_33] : memref<1000x128xf32, #tpu.memory_space<vmem>>[vector<16xi32>, vector<16xi32>], vector<16xf32>,
        %swap3A_1776 = arith.constant 4 : i32
        %swap3A_1777 = arith.index_cast %swap3A_1776 : i32 to index
        %swap3A_1778 = arith.constant 0 : index
        %swap3A_1779 = tpu.vector_load %arg6[%swap3A_1777, %swap3A_1778] {strides = array<i32>} : memref<8x128xf32, #tpu.memory_space<vmem>>, vector<16xf32>,
        tpu.vector_store %arg6[%swap3A_1777, %swap3A_1778], %gather3A_1768 {strides = array<i32>} : memref<8x128xf32, #tpu.memory_space<vmem>>, vector<16xf32>,
        %swap3A_1780 = arith.constant 4 : i32
        %swap3A_1781 = arith.index_cast %swap3A_1780 : i32 to index
        %swap3A_1782 = arith.constant 16 : index
        %swap3A_1783 = tpu.vector_load %arg6[%swap3A_1781, %swap3A_1782] {strides = array<i32>} : memref<8x128xf32, #tpu.memory_space<vmem>>, vector<16xf32>,
        tpu.vector_store %arg6[%swap3A_1781, %swap3A_1782], %gather3A_1769 {strides = array<i32>} : memref<8x128xf32, #tpu.memory_space<vmem>>, vector<16xf32>,
        %swap3A_1784 = arith.constant 4 : i32
        %swap3A_1785 = arith.index_cast %swap3A_1784 : i32 to index
        %swap3A_1786 = arith.constant 32 : index
        %swap3A_1787 = tpu.vector_load %arg6[%swap3A_1785, %swap3A_1786] {strides = array<i32>} : memref<8x128xf32, #tpu.memory_space<vmem>>, vector<16xf32>,
        tpu.vector_store %arg6[%swap3A_1785, %swap3A_1786], %gather3A_1770 {strides = array<i32>} : memref<8x128xf32, #tpu.memory_space<vmem>>, vector<16xf32>,
        %swap3A_1788 = arith.constant 4 : i32
        %swap3A_1789 = arith.index_cast %swap3A_1788 : i32 to index
        %swap3A_1790 = arith.constant 48 : index
        %swap3A_1791 = tpu.vector_load %arg6[%swap3A_1789, %swap3A_1790] {strides = array<i32>} : memref<8x128xf32, #tpu.memory_space<vmem>>, vector<16xf32>,
        tpu.vector_store %arg6[%swap3A_1789, %swap3A_1790], %gather3A_1771 {strides = array<i32>} : memref<8x128xf32, #tpu.memory_space<vmem>>, vector<16xf32>,
        %swap3A_1792 = arith.constant 4 : i32
        %swap3A_1793 = arith.index_cast %swap3A_1792 : i32 to index
        %swap3A_1794 = arith.constant 64 : index
        %swap3A_1795 = tpu.vector_load %arg6[%swap3A_1793, %swap3A_1794] {strides = array<i32>} : memref<8x128xf32, #tpu.memory_space<vmem>>, vector<16xf32>,
        tpu.vector_store %arg6[%swap3A_1793, %swap3A_1794], %gather3A_1772 {strides = array<i32>} : memref<8x128xf32, #tpu.memory_space<vmem>>, vector<16xf32>,
        %swap3A_1796 = arith.constant 4 : i32
        %swap3A_1797 = arith.index_cast %swap3A_1796 : i32 to index
        %swap3A_1798 = arith.constant 80 : index
        %swap3A_1799 = tpu.vector_load %arg6[%swap3A_1797, %swap3A_1798] {strides = array<i32>} : memref<8x128xf32, #tpu.memory_space<vmem>>, vector<16xf32>,
        tpu.vector_store %arg6[%swap3A_1797, %swap3A_1798], %gather3A_1773 {strides = array<i32>} : memref<8x128xf32, #tpu.memory_space<vmem>>, vector<16xf32>,
        %swap3A_1800 = arith.constant 4 : i32
        %swap3A_1801 = arith.index_cast %swap3A_1800 : i32 to index
        %swap3A_1802 = arith.constant 96 : index
        %swap3A_1803 = tpu.vector_load %arg6[%swap3A_1801, %swap3A_1802] {strides = array<i32>} : memref<8x128xf32, #tpu.memory_space<vmem>>, vector<16xf32>,
        tpu.vector_store %arg6[%swap3A_1801, %swap3A_1802], %gather3A_1774 {strides = array<i32>} : memref<8x128xf32, #tpu.memory_space<vmem>>, vector<16xf32>,
        %swap3A_1804 = arith.constant 4 : i32
        %swap3A_1805 = arith.index_cast %swap3A_1804 : i32 to index
        %swap3A_1806 = arith.constant 112 : index
        %swap3A_1807 = tpu.vector_load %arg6[%swap3A_1805, %swap3A_1806] {strides = array<i32>} : memref<8x128xf32, #tpu.memory_space<vmem>>, vector<16xf32>,
        tpu.vector_store %arg6[%swap3A_1805, %swap3A_1806], %gather3A_1775 {strides = array<i32>} : memref<8x128xf32, #tpu.memory_space<vmem>>, vector<16xf32>,
        %get3A_1808 = arith.constant 5 : i32
        %get3A_1809 = arith.index_cast %get3A_1808 : i32 to index
        %get3A_1810 = arith.constant 0 : index
        %get3A_1811 = tpu.vector_load %arg6[%get3A_1809, %get3A_1810] {strides = array<i32>} : memref<8x128xf32, #tpu.memory_space<vmem>>, vector<16xf32>,
        %bitcast3A_1812 = vector.bitcast %get3A_1811 : vector<16xf32> to vector<16xi32>
        %get3A_1813 = arith.constant 5 : i32
        %get3A_1814 = arith.index_cast %get3A_1813 : i32 to index
        %get3A_1815 = arith.constant 16 : index
        %get3A_1816 = tpu.vector_load %arg6[%get3A_1814, %get3A_1815] {strides = array<i32>} : memref<8x128xf32, #tpu.memory_space<vmem>>, vector<16xf32>,
        %bitcast3A_1817 = vector.bitcast %get3A_1816 : vector<16xf32> to vector<16xi32>
        %get3A_1818 = arith.constant 5 : i32
        %get3A_1819 = arith.index_cast %get3A_1818 : i32 to index
        %get3A_1820 = arith.constant 32 : index
        %get3A_1821 = tpu.vector_load %arg6[%get3A_1819, %get3A_1820] {strides = array<i32>} : memref<8x128xf32, #tpu.memory_space<vmem>>, vector<16xf32>,
        %bitcast3A_1822 = vector.bitcast %get3A_1821 : vector<16xf32> to vector<16xi32>
        %get3A_1823 = arith.constant 5 : i32
        %get3A_1824 = arith.index_cast %get3A_1823 : i32 to index
        %get3A_1825 = arith.constant 48 : index
        %get3A_1826 = tpu.vector_load %arg6[%get3A_1824, %get3A_1825] {strides = array<i32>} : memref<8x128xf32, #tpu.memory_space<vmem>>, vector<16xf32>,
        %bitcast3A_1827 = vector.bitcast %get3A_1826 : vector<16xf32> to vector<16xi32>
        %get3A_1828 = arith.constant 5 : i32
        %get3A_1829 = arith.index_cast %get3A_1828 : i32 to index
        %get3A_1830 = arith.constant 64 : index
        %get3A_1831 = tpu.vector_load %arg6[%get3A_1829, %get3A_1830] {strides = array<i32>} : memref<8x128xf32, #tpu.memory_space<vmem>>, vector<16xf32>,
        %bitcast3A_1832 = vector.bitcast %get3A_1831 : vector<16xf32> to vector<16xi32>
        %get3A_1833 = arith.constant 5 : i32
        %get3A_1834 = arith.index_cast %get3A_1833 : i32 to index
        %get3A_1835 = arith.constant 80 : index
        %get3A_1836 = tpu.vector_load %arg6[%get3A_1834, %get3A_1835] {strides = array<i32>} : memref<8x128xf32, #tpu.memory_space<vmem>>, vector<16xf32>,
        %bitcast3A_1837 = vector.bitcast %get3A_1836 : vector<16xf32> to vector<16xi32>
        %get3A_1838 = arith.constant 5 : i32
        %get3A_1839 = arith.index_cast %get3A_1838 : i32 to index
        %get3A_1840 = arith.constant 96 : index
        %get3A_1841 = tpu.vector_load %arg6[%get3A_1839, %get3A_1840] {strides = array<i32>} : memref<8x128xf32, #tpu.memory_space<vmem>>, vector<16xf32>,
        %bitcast3A_1842 = vector.bitcast %get3A_1841 : vector<16xf32> to vector<16xi32>
        %get3A_1843 = arith.constant 5 : i32
        %get3A_1844 = arith.index_cast %get3A_1843 : i32 to index
        %get3A_1845 = arith.constant 112 : index
        %get3A_1846 = tpu.vector_load %arg6[%get3A_1844, %get3A_1845] {strides = array<i32>} : memref<8x128xf32, #tpu.memory_space<vmem>>, vector<16xf32>,
        %bitcast3A_1847 = vector.bitcast %get3A_1846 : vector<16xf32> to vector<16xi32>
        %gather3A_1848 = tpu.vector_load_idx %arg5[%bitcast3A_1812, %add3A_5] : memref<1000x128xf32, #tpu.memory_space<vmem>>[vector<16xi32>, vector<16xi32>], vector<16xf32>,
        %gather3A_1849 = tpu.vector_load_idx %arg5[%bitcast3A_1817, %add3A_9] : memref<1000x128xf32, #tpu.memory_space<vmem>>[vector<16xi32>, vector<16xi32>], vector<16xf32>,
        %gather3A_1850 = tpu.vector_load_idx %arg5[%bitcast3A_1822, %add3A_13] : memref<1000x128xf32, #tpu.memory_space<vmem>>[vector<16xi32>, vector<16xi32>], vector<16xf32>,
        %gather3A_1851 = tpu.vector_load_idx %arg5[%bitcast3A_1827, %add3A_17] : memref<1000x128xf32, #tpu.memory_space<vmem>>[vector<16xi32>, vector<16xi32>], vector<16xf32>,
        %gather3A_1852 = tpu.vector_load_idx %arg5[%bitcast3A_1832, %add3A_21] : memref<1000x128xf32, #tpu.memory_space<vmem>>[vector<16xi32>, vector<16xi32>], vector<16xf32>,
        %gather3A_1853 = tpu.vector_load_idx %arg5[%bitcast3A_1837, %add3A_25] : memref<1000x128xf32, #tpu.memory_space<vmem>>[vector<16xi32>, vector<16xi32>], vector<16xf32>,
        %gather3A_1854 = tpu.vector_load_idx %arg5[%bitcast3A_1842, %add3A_29] : memref<1000x128xf32, #tpu.memory_space<vmem>>[vector<16xi32>, vector<16xi32>], vector<16xf32>,
        %gather3A_1855 = tpu.vector_load_idx %arg5[%bitcast3A_1847, %add3A_33] : memref<1000x128xf32, #tpu.memory_space<vmem>>[vector<16xi32>, vector<16xi32>], vector<16xf32>,
        %swap3A_1856 = arith.constant 5 : i32
        %swap3A_1857 = arith.index_cast %swap3A_1856 : i32 to index
        %swap3A_1858 = arith.constant 0 : index
        %swap3A_1859 = tpu.vector_load %arg6[%swap3A_1857, %swap3A_1858] {strides = array<i32>} : memref<8x128xf32, #tpu.memory_space<vmem>>, vector<16xf32>,
        tpu.vector_store %arg6[%swap3A_1857, %swap3A_1858], %gather3A_1848 {strides = array<i32>} : memref<8x128xf32, #tpu.memory_space<vmem>>, vector<16xf32>,
        %swap3A_1860 = arith.constant 5 : i32
        %swap3A_1861 = arith.index_cast %swap3A_1860 : i32 to index
        %swap3A_1862 = arith.constant 16 : index
        %swap3A_1863 = tpu.vector_load %arg6[%swap3A_1861, %swap3A_1862] {strides = array<i32>} : memref<8x128xf32, #tpu.memory_space<vmem>>, vector<16xf32>,
        tpu.vector_store %arg6[%swap3A_1861, %swap3A_1862], %gather3A_1849 {strides = array<i32>} : memref<8x128xf32, #tpu.memory_space<vmem>>, vector<16xf32>,
        %swap3A_1864 = arith.constant 5 : i32
        %swap3A_1865 = arith.index_cast %swap3A_1864 : i32 to index
        %swap3A_1866 = arith.constant 32 : index
        %swap3A_1867 = tpu.vector_load %arg6[%swap3A_1865, %swap3A_1866] {strides = array<i32>} : memref<8x128xf32, #tpu.memory_space<vmem>>, vector<16xf32>,
        tpu.vector_store %arg6[%swap3A_1865, %swap3A_1866], %gather3A_1850 {strides = array<i32>} : memref<8x128xf32, #tpu.memory_space<vmem>>, vector<16xf32>,
        %swap3A_1868 = arith.constant 5 : i32
        %swap3A_1869 = arith.index_cast %swap3A_1868 : i32 to index
        %swap3A_1870 = arith.constant 48 : index
        %swap3A_1871 = tpu.vector_load %arg6[%swap3A_1869, %swap3A_1870] {strides = array<i32>} : memref<8x128xf32, #tpu.memory_space<vmem>>, vector<16xf32>,
        tpu.vector_store %arg6[%swap3A_1869, %swap3A_1870], %gather3A_1851 {strides = array<i32>} : memref<8x128xf32, #tpu.memory_space<vmem>>, vector<16xf32>,
        %swap3A_1872 = arith.constant 5 : i32
        %swap3A_1873 = arith.index_cast %swap3A_1872 : i32 to index
        %swap3A_1874 = arith.constant 64 : index
        %swap3A_1875 = tpu.vector_load %arg6[%swap3A_1873, %swap3A_1874] {strides = array<i32>} : memref<8x128xf32, #tpu.memory_space<vmem>>, vector<16xf32>,
        tpu.vector_store %arg6[%swap3A_1873, %swap3A_1874], %gather3A_1852 {strides = array<i32>} : memref<8x128xf32, #tpu.memory_space<vmem>>, vector<16xf32>,
        %swap3A_1876 = arith.constant 5 : i32
        %swap3A_1877 = arith.index_cast %swap3A_1876 : i32 to index
        %swap3A_1878 = arith.constant 80 : index
        %swap3A_1879 = tpu.vector_load %arg6[%swap3A_1877, %swap3A_1878] {strides = array<i32>} : memref<8x128xf32, #tpu.memory_space<vmem>>, vector<16xf32>,
        tpu.vector_store %arg6[%swap3A_1877, %swap3A_1878], %gather3A_1853 {strides = array<i32>} : memref<8x128xf32, #tpu.memory_space<vmem>>, vector<16xf32>,
        %swap3A_1880 = arith.constant 5 : i32
        %swap3A_1881 = arith.index_cast %swap3A_1880 : i32 to index
        %swap3A_1882 = arith.constant 96 : index
        %swap3A_1883 = tpu.vector_load %arg6[%swap3A_1881, %swap3A_1882] {strides = array<i32>} : memref<8x128xf32, #tpu.memory_space<vmem>>, vector<16xf32>,
        tpu.vector_store %arg6[%swap3A_1881, %swap3A_1882], %gather3A_1854 {strides = array<i32>} : memref<8x128xf32, #tpu.memory_space<vmem>>, vector<16xf32>,
        %swap3A_1884 = arith.constant 5 : i32
        %swap3A_1885 = arith.index_cast %swap3A_1884 : i32 to index
        %swap3A_1886 = arith.constant 112 : index
        %swap3A_1887 = tpu.vector_load %arg6[%swap3A_1885, %swap3A_1886] {strides = array<i32>} : memref<8x128xf32, #tpu.memory_space<vmem>>, vector<16xf32>,
        tpu.vector_store %arg6[%swap3A_1885, %swap3A_1886], %gather3A_1855 {strides = array<i32>} : memref<8x128xf32, #tpu.memory_space<vmem>>, vector<16xf32>,
        %get3A_1888 = arith.constant 6 : i32
        %get3A_1889 = arith.index_cast %get3A_1888 : i32 to index
        %get3A_1890 = arith.constant 0 : index
        %get3A_1891 = tpu.vector_load %arg6[%get3A_1889, %get3A_1890] {strides = array<i32>} : memref<8x128xf32, #tpu.memory_space<vmem>>, vector<16xf32>,
        %bitcast3A_1892 = vector.bitcast %get3A_1891 : vector<16xf32> to vector<16xi32>
        %get3A_1893 = arith.constant 6 : i32
        %get3A_1894 = arith.index_cast %get3A_1893 : i32 to index
        %get3A_1895 = arith.constant 16 : index
        %get3A_1896 = tpu.vector_load %arg6[%get3A_1894, %get3A_1895] {strides = array<i32>} : memref<8x128xf32, #tpu.memory_space<vmem>>, vector<16xf32>,
        %bitcast3A_1897 = vector.bitcast %get3A_1896 : vector<16xf32> to vector<16xi32>
        %get3A_1898 = arith.constant 6 : i32
        %get3A_1899 = arith.index_cast %get3A_1898 : i32 to index
        %get3A_1900 = arith.constant 32 : index
        %get3A_1901 = tpu.vector_load %arg6[%get3A_1899, %get3A_1900] {strides = array<i32>} : memref<8x128xf32, #tpu.memory_space<vmem>>, vector<16xf32>,
        %bitcast3A_1902 = vector.bitcast %get3A_1901 : vector<16xf32> to vector<16xi32>
        %get3A_1903 = arith.constant 6 : i32
        %get3A_1904 = arith.index_cast %get3A_1903 : i32 to index
        %get3A_1905 = arith.constant 48 : index
        %get3A_1906 = tpu.vector_load %arg6[%get3A_1904, %get3A_1905] {strides = array<i32>} : memref<8x128xf32, #tpu.memory_space<vmem>>, vector<16xf32>,
        %bitcast3A_1907 = vector.bitcast %get3A_1906 : vector<16xf32> to vector<16xi32>
        %get3A_1908 = arith.constant 6 : i32
        %get3A_1909 = arith.index_cast %get3A_1908 : i32 to index
        %get3A_1910 = arith.constant 64 : index
        %get3A_1911 = tpu.vector_load %arg6[%get3A_1909, %get3A_1910] {strides = array<i32>} : memref<8x128xf32, #tpu.memory_space<vmem>>, vector<16xf32>,
        %bitcast3A_1912 = vector.bitcast %get3A_1911 : vector<16xf32> to vector<16xi32>
        %get3A_1913 = arith.constant 6 : i32
        %get3A_1914 = arith.index_cast %get3A_1913 : i32 to index
        %get3A_1915 = arith.constant 80 : index
        %get3A_1916 = tpu.vector_load %arg6[%get3A_1914, %get3A_1915] {strides = array<i32>} : memref<8x128xf32, #tpu.memory_space<vmem>>, vector<16xf32>,
        %bitcast3A_1917 = vector.bitcast %get3A_1916 : vector<16xf32> to vector<16xi32>
        %get3A_1918 = arith.constant 6 : i32
        %get3A_1919 = arith.index_cast %get3A_1918 : i32 to index
        %get3A_1920 = arith.constant 96 : index
        %get3A_1921 = tpu.vector_load %arg6[%get3A_1919, %get3A_1920] {strides = array<i32>} : memref<8x128xf32, #tpu.memory_space<vmem>>, vector<16xf32>,
        %bitcast3A_1922 = vector.bitcast %get3A_1921 : vector<16xf32> to vector<16xi32>
        %get3A_1923 = arith.constant 6 : i32
        %get3A_1924 = arith.index_cast %get3A_1923 : i32 to index
        %get3A_1925 = arith.constant 112 : index
        %get3A_1926 = tpu.vector_load %arg6[%get3A_1924, %get3A_1925] {strides = array<i32>} : memref<8x128xf32, #tpu.memory_space<vmem>>, vector<16xf32>,
        %bitcast3A_1927 = vector.bitcast %get3A_1926 : vector<16xf32> to vector<16xi32>
        %gather3A_1928 = tpu.vector_load_idx %arg5[%bitcast3A_1892, %add3A_5] : memref<1000x128xf32, #tpu.memory_space<vmem>>[vector<16xi32>, vector<16xi32>], vector<16xf32>,
        %gather3A_1929 = tpu.vector_load_idx %arg5[%bitcast3A_1897, %add3A_9] : memref<1000x128xf32, #tpu.memory_space<vmem>>[vector<16xi32>, vector<16xi32>], vector<16xf32>,
        %gather3A_1930 = tpu.vector_load_idx %arg5[%bitcast3A_1902, %add3A_13] : memref<1000x128xf32, #tpu.memory_space<vmem>>[vector<16xi32>, vector<16xi32>], vector<16xf32>,
        %gather3A_1931 = tpu.vector_load_idx %arg5[%bitcast3A_1907, %add3A_17] : memref<1000x128xf32, #tpu.memory_space<vmem>>[vector<16xi32>, vector<16xi32>], vector<16xf32>,
        %gather3A_1932 = tpu.vector_load_idx %arg5[%bitcast3A_1912, %add3A_21] : memref<1000x128xf32, #tpu.memory_space<vmem>>[vector<16xi32>, vector<16xi32>], vector<16xf32>,
        %gather3A_1933 = tpu.vector_load_idx %arg5[%bitcast3A_1917, %add3A_25] : memref<1000x128xf32, #tpu.memory_space<vmem>>[vector<16xi32>, vector<16xi32>], vector<16xf32>,
        %gather3A_1934 = tpu.vector_load_idx %arg5[%bitcast3A_1922, %add3A_29] : memref<1000x128xf32, #tpu.memory_space<vmem>>[vector<16xi32>, vector<16xi32>], vector<16xf32>,
        %gather3A_1935 = tpu.vector_load_idx %arg5[%bitcast3A_1927, %add3A_33] : memref<1000x128xf32, #tpu.memory_space<vmem>>[vector<16xi32>, vector<16xi32>], vector<16xf32>,
        %swap3A_1936 = arith.constant 6 : i32
        %swap3A_1937 = arith.index_cast %swap3A_1936 : i32 to index
        %swap3A_1938 = arith.constant 0 : index
        %swap3A_1939 = tpu.vector_load %arg6[%swap3A_1937, %swap3A_1938] {strides = array<i32>} : memref<8x128xf32, #tpu.memory_space<vmem>>, vector<16xf32>,
        tpu.vector_store %arg6[%swap3A_1937, %swap3A_1938], %gather3A_1928 {strides = array<i32>} : memref<8x128xf32, #tpu.memory_space<vmem>>, vector<16xf32>,
        %swap3A_1940 = arith.constant 6 : i32
        %swap3A_1941 = arith.index_cast %swap3A_1940 : i32 to index
        %swap3A_1942 = arith.constant 16 : index
        %swap3A_1943 = tpu.vector_load %arg6[%swap3A_1941, %swap3A_1942] {strides = array<i32>} : memref<8x128xf32, #tpu.memory_space<vmem>>, vector<16xf32>,
        tpu.vector_store %arg6[%swap3A_1941, %swap3A_1942], %gather3A_1929 {strides = array<i32>} : memref<8x128xf32, #tpu.memory_space<vmem>>, vector<16xf32>,
        %swap3A_1944 = arith.constant 6 : i32
        %swap3A_1945 = arith.index_cast %swap3A_1944 : i32 to index
        %swap3A_1946 = arith.constant 32 : index
        %swap3A_1947 = tpu.vector_load %arg6[%swap3A_1945, %swap3A_1946] {strides = array<i32>} : memref<8x128xf32, #tpu.memory_space<vmem>>, vector<16xf32>,
        tpu.vector_store %arg6[%swap3A_1945, %swap3A_1946], %gather3A_1930 {strides = array<i32>} : memref<8x128xf32, #tpu.memory_space<vmem>>, vector<16xf32>,
        %swap3A_1948 = arith.constant 6 : i32
        %swap3A_1949 = arith.index_cast %swap3A_1948 : i32 to index
        %swap3A_1950 = arith.constant 48 : index
        %swap3A_1951 = tpu.vector_load %arg6[%swap3A_1949, %swap3A_1950] {strides = array<i32>} : memref<8x128xf32, #tpu.memory_space<vmem>>, vector<16xf32>,
        tpu.vector_store %arg6[%swap3A_1949, %swap3A_1950], %gather3A_1931 {strides = array<i32>} : memref<8x128xf32, #tpu.memory_space<vmem>>, vector<16xf32>,
        %swap3A_1952 = arith.constant 6 : i32
        %swap3A_1953 = arith.index_cast %swap3A_1952 : i32 to index
        %swap3A_1954 = arith.constant 64 : index
        %swap3A_1955 = tpu.vector_load %arg6[%swap3A_1953, %swap3A_1954] {strides = array<i32>} : memref<8x128xf32, #tpu.memory_space<vmem>>, vector<16xf32>,
        tpu.vector_store %arg6[%swap3A_1953, %swap3A_1954], %gather3A_1932 {strides = array<i32>} : memref<8x128xf32, #tpu.memory_space<vmem>>, vector<16xf32>,
        %swap3A_1956 = arith.constant 6 : i32
        %swap3A_1957 = arith.index_cast %swap3A_1956 : i32 to index
        %swap3A_1958 = arith.constant 80 : index
        %swap3A_1959 = tpu.vector_load %arg6[%swap3A_1957, %swap3A_1958] {strides = array<i32>} : memref<8x128xf32, #tpu.memory_space<vmem>>, vector<16xf32>,
        tpu.vector_store %arg6[%swap3A_1957, %swap3A_1958], %gather3A_1933 {strides = array<i32>} : memref<8x128xf32, #tpu.memory_space<vmem>>, vector<16xf32>,
        %swap3A_1960 = arith.constant 6 : i32
        %swap3A_1961 = arith.index_cast %swap3A_1960 : i32 to index
        %swap3A_1962 = arith.constant 96 : index
        %swap3A_1963 = tpu.vector_load %arg6[%swap3A_1961, %swap3A_1962] {strides = array<i32>} : memref<8x128xf32, #tpu.memory_space<vmem>>, vector<16xf32>,
        tpu.vector_store %arg6[%swap3A_1961, %swap3A_1962], %gather3A_1934 {strides = array<i32>} : memref<8x128xf32, #tpu.memory_space<vmem>>, vector<16xf32>,
        %swap3A_1964 = arith.constant 6 : i32
        %swap3A_1965 = arith.index_cast %swap3A_1964 : i32 to index
        %swap3A_1966 = arith.constant 112 : index
        %swap3A_1967 = tpu.vector_load %arg6[%swap3A_1965, %swap3A_1966] {strides = array<i32>} : memref<8x128xf32, #tpu.memory_space<vmem>>, vector<16xf32>,
        tpu.vector_store %arg6[%swap3A_1965, %swap3A_1966], %gather3A_1935 {strides = array<i32>} : memref<8x128xf32, #tpu.memory_space<vmem>>, vector<16xf32>,
        %get3A_1968 = arith.constant 7 : i32
        %get3A_1969 = arith.index_cast %get3A_1968 : i32 to index
        %get3A_1970 = arith.constant 0 : index
        %get3A_1971 = tpu.vector_load %arg6[%get3A_1969, %get3A_1970] {strides = array<i32>} : memref<8x128xf32, #tpu.memory_space<vmem>>, vector<16xf32>,
        %bitcast3A_1972 = vector.bitcast %get3A_1971 : vector<16xf32> to vector<16xi32>
        %get3A_1973 = arith.constant 7 : i32
        %get3A_1974 = arith.index_cast %get3A_1973 : i32 to index
        %get3A_1975 = arith.constant 16 : index
        %get3A_1976 = tpu.vector_load %arg6[%get3A_1974, %get3A_1975] {strides = array<i32>} : memref<8x128xf32, #tpu.memory_space<vmem>>, vector<16xf32>,
        %bitcast3A_1977 = vector.bitcast %get3A_1976 : vector<16xf32> to vector<16xi32>
        %get3A_1978 = arith.constant 7 : i32
        %get3A_1979 = arith.index_cast %get3A_1978 : i32 to index
        %get3A_1980 = arith.constant 32 : index
        %get3A_1981 = tpu.vector_load %arg6[%get3A_1979, %get3A_1980] {strides = array<i32>} : memref<8x128xf32, #tpu.memory_space<vmem>>, vector<16xf32>,
        %bitcast3A_1982 = vector.bitcast %get3A_1981 : vector<16xf32> to vector<16xi32>
        %get3A_1983 = arith.constant 7 : i32
        %get3A_1984 = arith.index_cast %get3A_1983 : i32 to index
        %get3A_1985 = arith.constant 48 : index
        %get3A_1986 = tpu.vector_load %arg6[%get3A_1984, %get3A_1985] {strides = array<i32>} : memref<8x128xf32, #tpu.memory_space<vmem>>, vector<16xf32>,
        %bitcast3A_1987 = vector.bitcast %get3A_1986 : vector<16xf32> to vector<16xi32>
        %get3A_1988 = arith.constant 7 : i32
        %get3A_1989 = arith.index_cast %get3A_1988 : i32 to index
        %get3A_1990 = arith.constant 64 : index
        %get3A_1991 = tpu.vector_load %arg6[%get3A_1989, %get3A_1990] {strides = array<i32>} : memref<8x128xf32, #tpu.memory_space<vmem>>, vector<16xf32>,
        %bitcast3A_1992 = vector.bitcast %get3A_1991 : vector<16xf32> to vector<16xi32>
        %get3A_1993 = arith.constant 7 : i32
        %get3A_1994 = arith.index_cast %get3A_1993 : i32 to index
        %get3A_1995 = arith.constant 80 : index
        %get3A_1996 = tpu.vector_load %arg6[%get3A_1994, %get3A_1995] {strides = array<i32>} : memref<8x128xf32, #tpu.memory_space<vmem>>, vector<16xf32>,
        %bitcast3A_1997 = vector.bitcast %get3A_1996 : vector<16xf32> to vector<16xi32>
        %get3A_1998 = arith.constant 7 : i32
        %get3A_1999 = arith.index_cast %get3A_1998 : i32 to index
        %get3A_2000 = arith.constant 96 : index
        %get3A_2001 = tpu.vector_load %arg6[%get3A_1999, %get3A_2000] {strides = array<i32>} : memref<8x128xf32, #tpu.memory_space<vmem>>, vector<16xf32>,
        %bitcast3A_2002 = vector.bitcast %get3A_2001 : vector<16xf32> to vector<16xi32>
        %get3A_2003 = arith.constant 7 : i32
        %get3A_2004 = arith.index_cast %get3A_2003 : i32 to index
        %get3A_2005 = arith.constant 112 : index
        %get3A_2006 = tpu.vector_load %arg6[%get3A_2004, %get3A_2005] {strides = array<i32>} : memref<8x128xf32, #tpu.memory_space<vmem>>, vector<16xf32>,
        %bitcast3A_2007 = vector.bitcast %get3A_2006 : vector<16xf32> to vector<16xi32>
        %gather3A_2008 = tpu.vector_load_idx %arg5[%bitcast3A_1972, %add3A_5] : memref<1000x128xf32, #tpu.memory_space<vmem>>[vector<16xi32>, vector<16xi32>], vector<16xf32>,
        %gather3A_2009 = tpu.vector_load_idx %arg5[%bitcast3A_1977, %add3A_9] : memref<1000x128xf32, #tpu.memory_space<vmem>>[vector<16xi32>, vector<16xi32>], vector<16xf32>,
        %gather3A_2010 = tpu.vector_load_idx %arg5[%bitcast3A_1982, %add3A_13] : memref<1000x128xf32, #tpu.memory_space<vmem>>[vector<16xi32>, vector<16xi32>], vector<16xf32>,
        %gather3A_2011 = tpu.vector_load_idx %arg5[%bitcast3A_1987, %add3A_17] : memref<1000x128xf32, #tpu.memory_space<vmem>>[vector<16xi32>, vector<16xi32>], vector<16xf32>,
        %gather3A_2012 = tpu.vector_load_idx %arg5[%bitcast3A_1992, %add3A_21] : memref<1000x128xf32, #tpu.memory_space<vmem>>[vector<16xi32>, vector<16xi32>], vector<16xf32>,
        %gather3A_2013 = tpu.vector_load_idx %arg5[%bitcast3A_1997, %add3A_25] : memref<1000x128xf32, #tpu.memory_space<vmem>>[vector<16xi32>, vector<16xi32>], vector<16xf32>,
        %gather3A_2014 = tpu.vector_load_idx %arg5[%bitcast3A_2002, %add3A_29] : memref<1000x128xf32, #tpu.memory_space<vmem>>[vector<16xi32>, vector<16xi32>], vector<16xf32>,
        %gather3A_2015 = tpu.vector_load_idx %arg5[%bitcast3A_2007, %add3A_33] : memref<1000x128xf32, #tpu.memory_space<vmem>>[vector<16xi32>, vector<16xi32>], vector<16xf32>,
        %swap3A_2016 = arith.constant 7 : i32
        %swap3A_2017 = arith.index_cast %swap3A_2016 : i32 to index
        %swap3A_2018 = arith.constant 0 : index
        %swap3A_2019 = tpu.vector_load %arg6[%swap3A_2017, %swap3A_2018] {strides = array<i32>} : memref<8x128xf32, #tpu.memory_space<vmem>>, vector<16xf32>,
        tpu.vector_store %arg6[%swap3A_2017, %swap3A_2018], %gather3A_2008 {strides = array<i32>} : memref<8x128xf32, #tpu.memory_space<vmem>>, vector<16xf32>,
        %swap3A_2020 = arith.constant 7 : i32
        %swap3A_2021 = arith.index_cast %swap3A_2020 : i32 to index
        %swap3A_2022 = arith.constant 16 : index
        %swap3A_2023 = tpu.vector_load %arg6[%swap3A_2021, %swap3A_2022] {strides = array<i32>} : memref<8x128xf32, #tpu.memory_space<vmem>>, vector<16xf32>,
        tpu.vector_store %arg6[%swap3A_2021, %swap3A_2022], %gather3A_2009 {strides = array<i32>} : memref<8x128xf32, #tpu.memory_space<vmem>>, vector<16xf32>,
        %swap3A_2024 = arith.constant 7 : i32
        %swap3A_2025 = arith.index_cast %swap3A_2024 : i32 to index
        %swap3A_2026 = arith.constant 32 : index
        %swap3A_2027 = tpu.vector_load %arg6[%swap3A_2025, %swap3A_2026] {strides = array<i32>} : memref<8x128xf32, #tpu.memory_space<vmem>>, vector<16xf32>,
        tpu.vector_store %arg6[%swap3A_2025, %swap3A_2026], %gather3A_2010 {strides = array<i32>} : memref<8x128xf32, #tpu.memory_space<vmem>>, vector<16xf32>,
        %swap3A_2028 = arith.constant 7 : i32
        %swap3A_2029 = arith.index_cast %swap3A_2028 : i32 to index
        %swap3A_2030 = arith.constant 48 : index
        %swap3A_2031 = tpu.vector_load %arg6[%swap3A_2029, %swap3A_2030] {strides = array<i32>} : memref<8x128xf32, #tpu.memory_space<vmem>>, vector<16xf32>,
        tpu.vector_store %arg6[%swap3A_2029, %swap3A_2030], %gather3A_2011 {strides = array<i32>} : memref<8x128xf32, #tpu.memory_space<vmem>>, vector<16xf32>,
        %swap3A_2032 = arith.constant 7 : i32
        %swap3A_2033 = arith.index_cast %swap3A_2032 : i32 to index
        %swap3A_2034 = arith.constant 64 : index
        %swap3A_2035 = tpu.vector_load %arg6[%swap3A_2033, %swap3A_2034] {strides = array<i32>} : memref<8x128xf32, #tpu.memory_space<vmem>>, vector<16xf32>,
        tpu.vector_store %arg6[%swap3A_2033, %swap3A_2034], %gather3A_2012 {strides = array<i32>} : memref<8x128xf32, #tpu.memory_space<vmem>>, vector<16xf32>,
        %swap3A_2036 = arith.constant 7 : i32
        %swap3A_2037 = arith.index_cast %swap3A_2036 : i32 to index
        %swap3A_2038 = arith.constant 80 : index
        %swap3A_2039 = tpu.vector_load %arg6[%swap3A_2037, %swap3A_2038] {strides = array<i32>} : memref<8x128xf32, #tpu.memory_space<vmem>>, vector<16xf32>,
        tpu.vector_store %arg6[%swap3A_2037, %swap3A_2038], %gather3A_2013 {strides = array<i32>} : memref<8x128xf32, #tpu.memory_space<vmem>>, vector<16xf32>,
        %swap3A_2040 = arith.constant 7 : i32
        %swap3A_2041 = arith.index_cast %swap3A_2040 : i32 to index
        %swap3A_2042 = arith.constant 96 : index
        %swap3A_2043 = tpu.vector_load %arg6[%swap3A_2041, %swap3A_2042] {strides = array<i32>} : memref<8x128xf32, #tpu.memory_space<vmem>>, vector<16xf32>,
        tpu.vector_store %arg6[%swap3A_2041, %swap3A_2042], %gather3A_2014 {strides = array<i32>} : memref<8x128xf32, #tpu.memory_space<vmem>>, vector<16xf32>,
        %swap3A_2044 = arith.constant 7 : i32
        %swap3A_2045 = arith.index_cast %swap3A_2044 : i32 to index
        %swap3A_2046 = arith.constant 112 : index
        %swap3A_2047 = tpu.vector_load %arg6[%swap3A_2045, %swap3A_2046] {strides = array<i32>} : memref<8x128xf32, #tpu.memory_space<vmem>>, vector<16xf32>,
        tpu.vector_store %arg6[%swap3A_2045, %swap3A_2046], %gather3A_2015 {strides = array<i32>} : memref<8x128xf32, #tpu.memory_space<vmem>>, vector<16xf32>,
        %ge3A_2048 = arith.constant 1 : i32
        %ge3A_2049 = arith.cmpi sge, %add3A_1400, %ge3A_2048 : i32
        %convert_element_type3A_2050 = arith.extui %ge3A_2049 : i1 to i32
        %cond3A_2051 = arith.constant 0 : i32
        %cond3A_2052 = arith.cmpi ne, %convert_element_type3A_2050, %cond3A_2051 : i32
        scf.if %cond3A_2052 {
          %sub3A = arith.constant 1 : i32
          %sub3A_2068 = arith.subi %add3A_1400, %sub3A : i32
          %mul3A_2069 = arith.constant 8 : i32
          %mul3A_2070 = arith.muli %sub3A_2068, %mul3A_2069 : i32
          %dma_wait3A_2071 = arith.constant 1 : i32
          %dma_wait3A_2072 = tpu.memref_slice %arg4[%mul3A_2070, %add3A_52] : memref<200x16384xf32, #tpu.memory_space<hbm>> -> memref<8x128xf32, #tpu.memory_space<hbm>>
          %dma_wait3A_2073 = tpu.memref_slice %arg9[%dma_wait3A_2071] : memref<2x!tpu.dma_semaphore, #tpu.memory_space<semaphore_mem>> -> memref<1x!tpu.dma_semaphore, #tpu.memory_space<semaphore_mem>>
          %dma_wait3A_2074 = tpu.memref_squeeze %dma_wait3A_2073 : memref<1x!tpu.dma_semaphore, #tpu.memory_space<semaphore_mem>> -> memref<!tpu.dma_semaphore, #tpu.memory_space<semaphore_mem>>
          %dma_wait3A_2075 = tpu.memref_slice %arg4[%mul3A_2070, %add3A_52] : memref<200x16384xf32, #tpu.memory_space<hbm>> -> memref<8x128xf32, #tpu.memory_space<hbm>>
          tpu.wait_dma2 semaphore(%dma_wait3A_2074 : memref<!tpu.dma_semaphore, #tpu.memory_space<semaphore_mem>>) src(%arg7 : memref<8x128xf32, #tpu.memory_space<vmem>>) dst(%dma_wait3A_2075 : memref<8x128xf32, #tpu.memory_space<hbm>>)
        } else {
        }
        %add3A_2053 = arith.constant 1 : i32
        %add3A_2054 = arith.addi %add3A_1400, %add3A_2053 : i32
        %lt3A_2055 = arith.constant 25 : i32
        %lt3A_2056 = arith.cmpi slt, %add3A_2054, %lt3A_2055 : i32
        %convert_element_type3A_2057 = arith.extui %lt3A_2056 : i1 to i32
        %cond3A_2058 = arith.constant 0 : i32
        %cond3A_2059 = arith.cmpi ne, %convert_element_type3A_2057, %cond3A_2058 : i32
        scf.if %cond3A_2059 {
          %add3A_2068 = arith.constant 1 : i32
          %add3A_2069 = arith.addi %add3A_1400, %add3A_2068 : i32
          %mul3A_2070 = arith.constant 8 : i32
          %mul3A_2071 = arith.muli %add3A_2069, %mul3A_2070 : i32
          %dma_start3A_2072 = arith.constant 1 : i32
          %dma_start3A_2073 = tpu.memref_slice %arg3[%mul3A_2071, %add3A_52] : memref<200x16384xf32, #tpu.memory_space<hbm>> -> memref<8x128xf32, #tpu.memory_space<hbm>>
          %dma_start3A_2074 = tpu.memref_slice %arg8[%dma_start3A_2072] : memref<2x!tpu.dma_semaphore, #tpu.memory_space<semaphore_mem>> -> memref<1x!tpu.dma_semaphore, #tpu.memory_space<semaphore_mem>>
          %dma_start3A_2075 = tpu.memref_squeeze %dma_start3A_2074 : memref<1x!tpu.dma_semaphore, #tpu.memory_space<semaphore_mem>> -> memref<!tpu.dma_semaphore, #tpu.memory_space<semaphore_mem>>
          %dma_start3A_2076 = tpu.memref_slice %arg3[%mul3A_2071, %add3A_52] : memref<200x16384xf32, #tpu.memory_space<hbm>> -> memref<8x128xf32, #tpu.memory_space<hbm>>
          tpu.enqueue_dma source(%dma_start3A_2076 : memref<8x128xf32, #tpu.memory_space<hbm>>) target(%arg7 : memref<8x128xf32, #tpu.memory_space<vmem>>) target_semaphore(%dma_start3A_2075 : memref<!tpu.dma_semaphore, #tpu.memory_space<semaphore_mem>>)
        } else {
        }
        %mul3A_2060 = arith.constant 8 : i32
        %mul3A_2061 = arith.muli %add3A_1400, %mul3A_2060 : i32
        %dma_start3A_2062 = arith.constant 0 : i32
        %dma_start3A_2063 = tpu.memref_slice %arg4[%mul3A_2061, %add3A_52] : memref<200x16384xf32, #tpu.memory_space<hbm>> -> memref<8x128xf32, #tpu.memory_space<hbm>>
        %dma_start3A_2064 = tpu.memref_slice %arg9[%dma_start3A_2062] : memref<2x!tpu.dma_semaphore, #tpu.memory_space<semaphore_mem>> -> memref<1x!tpu.dma_semaphore, #tpu.memory_space<semaphore_mem>>
        %dma_start3A_2065 = tpu.memref_squeeze %dma_start3A_2064 : memref<1x!tpu.dma_semaphore, #tpu.memory_space<semaphore_mem>> -> memref<!tpu.dma_semaphore, #tpu.memory_space<semaphore_mem>>
        %dma_start3A_2066 = tpu.memref_slice %arg4[%mul3A_2061, %add3A_52] : memref<200x16384xf32, #tpu.memory_space<hbm>> -> memref<8x128xf32, #tpu.memory_space<hbm>>
        tpu.enqueue_dma source(%arg6 : memref<8x128xf32, #tpu.memory_space<vmem>>) target(%dma_start3A_2066 : memref<8x128xf32, #tpu.memory_space<hbm>>) target_semaphore(%dma_start3A_2065 : memref<!tpu.dma_semaphore, #tpu.memory_space<semaphore_mem>>)
        %scan3A_2067 = arith.constant 0 : i32
        scf.yield %scan3A_2067 : i32
      }
      %scan3A_724 = arith.constant 12 : i32
      %scan3A_725 = arith.constant 0 : i32
      scf.yield %scan3A_725 : i32
    }
    %scan3A_39 = arith.constant 4 : i32
    %add3A_40 = arith.constant 384 : i32
    %add3A_41 = arith.addi %mul3A_2, %add3A_40 : i32
    %dma_wait3A = arith.constant 0 : i32
    %dma_wait3A_42 = arith.constant 192 : i32
    %dma_wait3A_43 = tpu.memref_slice %arg4[%dma_wait3A_42, %add3A_41] : memref<200x16384xf32, #tpu.memory_space<hbm>> -> memref<8x128xf32, #tpu.memory_space<hbm>>
    %dma_wait3A_44 = tpu.memref_slice %arg9[%dma_wait3A] : memref<2x!tpu.dma_semaphore, #tpu.memory_space<semaphore_mem>> -> memref<1x!tpu.dma_semaphore, #tpu.memory_space<semaphore_mem>>
    %dma_wait3A_45 = tpu.memref_squeeze %dma_wait3A_44 : memref<1x!tpu.dma_semaphore, #tpu.memory_space<semaphore_mem>> -> memref<!tpu.dma_semaphore, #tpu.memory_space<semaphore_mem>>
    %dma_wait3A_46 = arith.constant 192 : i32
    %dma_wait3A_47 = tpu.memref_slice %arg4[%dma_wait3A_46, %add3A_41] : memref<200x16384xf32, #tpu.memory_space<hbm>> -> memref<8x128xf32, #tpu.memory_space<hbm>>
    tpu.wait_dma2 semaphore(%dma_wait3A_45 : memref<!tpu.dma_semaphore, #tpu.memory_space<semaphore_mem>>) src(%arg6 : memref<8x128xf32, #tpu.memory_space<vmem>>) dst(%dma_wait3A_47 : memref<8x128xf32, #tpu.memory_space<hbm>>)
    return
  }
}

</mosaic_0001>

<sc_bundles>
// kernel: kernel.3.cloned.1.call-start
scs
__scs_entry_jumppad:
0x0: {  	(pc) =	sbr.rel $0x88, $3  }
0x1: {  	(tag) =	ssettag $0x0;
	lr =	simm.s32 $0x1  }
0x2: {  	[smem:$0x3F9F] =	sst lr;
	_ =	strace $0xD0000000  }
0x3: {  	_ = 	snop  }
0x4: {  	_ = 	snop  }
0x5: {  	_ = 	snop  }
0x6: {  	_ = 	snop  }
0x7: {  	_ = 	snop  }
__scs_overlays_trampoline_lowered:
0x8: {  	[smem:$0x3FAE] =	sst s0  }
0x9: {  	[smem:$0x3FAF] =	sst s1  }
0xa: {  	[smem:$0x3FB0] =	sst s2  }
0xb: {  	[smem:$0x3FB1] =	sst s3  }
0xc: {  	[smem:$0x3FB2] =	sst s4  }
0xd: {  	[smem:$0x3FB3] =	sst s5  }
0xe: {  	[smem:$0x3FB4] =	sst s6  }
0xf: {  	[smem:$0x3FB5] =	sst s7  }
0x10: {  	[smem:$0x3FB6] =	sst s8  }
0x11: {  	[smem:$0x3FB7] =	sst s9;
	s0 =	simm.s32 @!p0 $0x0  }
0x12: {  	s1 =	sld [smem:$0x3F9D];
	s0 =	simm.s32 @p0 $0x1  }
0x13: {  	[smem:$0x3FB8] =	sst s0;
	s0 =	simm.s32 @!p1 $0x0  }
0x14: {  	s2 =	sld [smem:$0x3F9C];
	s0 =	simm.s32 @p1 $0x1  }
0x15: {  	[smem:$0x3FB9] =	sst s0;
	s0 =	simm.s32 @!p2 $0x0  }
0x16: {  	s3 =	sld [smem:$0x3FDB];
	s0 =	simm.s32 @p2 $0x1  }
0x17: {  	s4 =	simm.s32 $0x1BF5;
	[smem:$0x3FBB] =	sst s0  }
0x18: {  	s0 =	sld [smem:$0x3F9E];
	_ =	swait.ge [sflag:s4], $0x0  }
0x19: {  	s7 =	sld [smem:$0x3F9F]  }
0x1a: {  	s8 =	sadd.s32 $0xFFFFE003, lr  }
0x1b: {  	s9 =	sadd.s32 $0xFFFFFEF7, lr;
	s5 =	simm.s32 $0xFFFFFFFF;
	p2 =	slt.u32 s8, $0xFFFFF086  }
0x1c: {  	p1 =	slt.u32 s9, $0xF7A;
	s5 =	simm.s32 @!p2 $0x0  }
0x1d: {  	s5 =	simm.s32 @p1 $0x1;
	p0 =	seq.s32 s7, s2  }
0x1e: {  	s7 =	smul.u32 @!p0 $0xF7A, s2;
	p2 =	seq.s32 @!p0 s5, $0x0  }
0x1f: {  	s9 =	smul.u32 $0xF7A, s1;
	s8 =	simm.s32 @!p0 $0x1BF5;
	p2 =	por !p2, p0  }
0x20: {  	[sflag:s8] =	ssyncset.s32 @!p0 $0xFFFFF086;
	s6 =	sadd.s32 @!p0 s3, s7;
	s7 =	simm.s32 @!p0 $0x108  }
0x21: {  	s3 =	sadd.s32 s3, s9;
	s6 =	sadd.s32 @!p0 $0x88, s6;
	s7 =	simm.s32 @p2 $0x1082  }
0x22: {  	[simem:s7], [sflag:s8] =	dma.local @!p0 [hbm:s6], $0xF7A  }
0x23: {  	s9 =	sor.u32 $0xD0000000, s2;
	s6 =	simm.s32 $0x108;
	_ =	swait.ge @!p0 [sflag:s8], $0x0  }
0x24: {  	s3 =	sadd.s32 $0x88, s3;
	s6 =	simm.s32 @!p1 $0x1082;
	[sflag:s4] =	ssyncset.s32 $0xFFFFF086  }
0x25: {  	[simem:s6], [sflag:s4] =	dma.local [hbm:s3], $0xF7A  }
0x26: {  	[smem:$0x3F9F] =	sst s1;
	(tag) =	ssettag s2;
	_ =	strace s9  }
0x27: {  	s1 =	sld [smem:$0x3FAF]  }
0x28: {  	s2 =	sld [smem:$0x3FB0]  }
0x29: {  	s4 =	sld [smem:$0x3FB2]  }
0x2a: {  	p0 =	seq.s32 s5, $0x0;
	s5 =	sld [smem:$0x3FB3]  }
0x2b: {  	s6 =	sld [smem:$0x3FB4]  }
0x2c: {  	s7 =	sld [smem:$0x3FB5]  }
0x2d: {  	s3 =	simm.s32 $0x108;
	s8 =	sld [smem:$0x3FB6]  }
0x2e: {  	s3 =	simm.s32 @!p0 $0x1082;
	s9 =	sld [smem:$0x3FB7]  }
0x2f: {  	lr =	sadd.s32 s0, s3;
	s0 =	sld [smem:$0x3FAE]  }
0x30: {  	s3 =	sld [smem:$0x3FB1]  }
0x31: {  	[smem:$0x3FBA] =	sst s10  }
0x32: {  	s10 =	sld [smem:$0x3FB8];
	_ =	sdelay $0x3  }
0x33: {  	p0 =	seq.s32 s10, $0x1;
	s10 =	sld [smem:$0x3FBA];
	_ =	sdelay $0x3  }
0x34: {  	[smem:$0x3FBA] =	sst s10  }
0x35: {  	s10 =	sld [smem:$0x3FB9];
	_ =	sdelay $0x3  }
0x36: {  	p1 =	seq.s32 s10, $0x1;
	s10 =	sld [smem:$0x3FBA];
	_ =	sdelay $0x3  }
0x37: {  	[smem:$0x3FBA] =	sst s10  }
0x38: {  	s10 =	sld [smem:$0x3FBB]  }
0x39: {  	_ = 	snop;
	(pc) =	sbr.ind lr, $3  }
0x3a: {  	_ = 	snop  }
0x3b: {  	_ = 	snop  }
0x3c: {  	p2 =	seq.s32 s10, $0x1;
	s10 =	sld [smem:$0x3FBA]  }
0x3d: {  	_ =	shalt  }
0x3e: {  	_ =	shalt  }
0x3f: {  	_ =	shalt  }
0x40: {  	_ =	shalt  }
0x41: {  	_ =	shalt  }
0x42: {  	_ =	shalt  }
0x43: {  	_ =	shalt  }
0x44: {  	_ =	shalt  }
0x45: {  	_ =	shalt  }
0x46: {  	_ =	shalt  }
0x47: {  	_ =	shalt  }
0x48: {  	_ =	shalt  }
0x49: {  	_ =	shalt  }
0x4a: {  	_ =	shalt  }
0x4b: {  	_ =	shalt  }
0x4c: {  	_ =	shalt  }
0x4d: {  	_ =	shalt  }
0x4e: {  	_ =	shalt  }
0x4f: {  	_ =	shalt  }
0x50: {  	_ =	shalt  }
0x51: {  	_ =	shalt  }
0x52: {  	_ =	shalt  }
0x53: {  	_ =	shalt  }
0x54: {  	_ =	shalt  }
0x55: {  	_ =	shalt  }
0x56: {  	_ =	shalt  }
0x57: {  	_ =	shalt  }
0x58: {  	_ =	shalt  }
0x59: {  	_ =	shalt  }
0x5a: {  	_ =	shalt  }
0x5b: {  	_ =	shalt  }
0x5c: {  	_ =	shalt  }
0x5d: {  	_ =	shalt  }
0x5e: {  	_ =	shalt  }
0x5f: {  	_ =	shalt  }
0x60: {  	_ =	shalt  }
0x61: {  	_ =	shalt  }
0x62: {  	_ =	shalt  }
0x63: {  	_ =	shalt  }
0x64: {  	_ =	shalt  }
0x65: {  	_ =	shalt  }
0x66: {  	_ =	shalt  }
0x67: {  	_ =	shalt  }
0x68: {  	_ =	shalt  }
0x69: {  	_ =	shalt  }
0x6a: {  	_ =	shalt  }
0x6b: {  	_ =	shalt  }
0x6c: {  	_ =	shalt  }
0x6d: {  	_ =	shalt  }
0x6e: {  	_ =	shalt  }
0x6f: {  	_ =	shalt  }
0x70: {  	_ =	shalt  }
0x71: {  	_ =	shalt  }
0x72: {  	_ =	shalt  }
0x73: {  	_ =	shalt  }
0x74: {  	_ =	shalt  }
0x75: {  	_ =	shalt  }
0x76: {  	_ =	shalt  }
0x77: {  	_ =	shalt  }
0x78: {  	_ =	shalt  }
0x79: {  	_ =	shalt  }
0x7a: {  	_ =	shalt  }
0x7b: {  	_ =	shalt  }
0x7c: {  	_ =	shalt  }
0x7d: {  	_ =	shalt  }
0x7e: {  	_ =	shalt  }
0x7f: {  	_ =	shalt  }
0x80: {  	_ =	shalt  }
0x81: {  	_ =	shalt  }
0x82: {  	_ =	shalt  }
0x83: {  	_ =	shalt  }
0x84: {  	_ =	shalt  }
0x85: {  	_ =	shalt  }
0x86: {  	_ =	shalt  }
0x87: {  	_ =	shalt  }
.Lfunc_end0:
.L_simem_size_0:
called_computation_lowered:
.L_overlay_start_0:
0x88: {  	s2 =	sld [smem:$0x3FD9]  }
0x89: {  	s3 =	sld [smem:$0x3FFE];
	_ =	sdelay $0x1  }
0x8a: {  	s1 =	srdreg.scid  }
0x8b: {  	s0 =	sand.u32 $0x1, s1  }
0x8c: {  	s17 =	sshll.u32 s0, $0xA;
	s2 =	sadd.s32 s3, s2  }
0x8d: {  	s2 =	sadd.s32 s2, s17  }
0x8e: {  	[smem:$0x3FC6] =	sst s2  }
0x8f: {  	_ = 	snop  }
0x90: {  	s2 =	sld [smem:$0x3FC9]  }
0x91: {  	s18 =	sld [smem:$0x3FD0];
	(tm) =	ssettm $0x1  }
0x92: {  	s4 =	sld [smem:$0x3FFB];
	_ =	sdelay $0x3  }
0x93: {  	_ =	strace s4  }
0x94: {  	s4 =	sld [smem:$0x3FFC];
	_ =	sdelay $0x3  }
0x95: {  	_ =	strace s4  }
0x96: {  	s4 =	sld [smem:$0x3FFD];
	_ =	sdelay $0x3  }
0x97: {  	_ =	strace s4  }
0x98: {  	_ =	strace $0x8FFFFFFF  }
0x99: {  	s19 =	sld [smem:$0x3FDB];
	_ =	sdelay $0x1  }
0x9a: {  	s5 =	simm.s32 $_scs_section_size  }
0x9b: {  	s6 =	simm.s32 $_size__tile_overlayer_lowered;
	s7 =	simm.s32 $_tile_overlayer_lowered  }
0x9c: {  	s22 =	simm.s32 $0x1BFF;
	s21 =	sshll.u32 s7, $0x1;
	s4 =	sadd.s32 s5, s19  }
0x9d: {  	s8 =	simm.s32 $0x0;
	s20 =	sshll.u32 s6, $0x1;
	s6 =	sadd.s32 s21, s4  }
0x9e: {  	[timem:s8], [sflag:s22] =	dma.local [hbm:s6], s20  }
0x9f: {  	_ =	swait.ge [sflag:s22], s20  }
0xa0: {  	s5 =	ssub.s32 $0x0, s20;
	[sflag:s22] =	ssyncset.done $0x0  }
0xa1: {  	[sflag:s22] =	ssyncadd.s32 s5;
	_ =	sdelay $0x1  }
0xa2: {  	s23 =	simm.s32 $0x1B8B  }
0xa3: {  	_ =	swait.ge [sflag:s23], $0x1  }
0xa4: {  	[sflag:s23] =	ssyncset.done $0x0  }
0xa5: {  	s25 =	simm.s32 $0x1B8E;
	s24 =	sld [smem:$0x3FFE];
	[sflag:s23] =	ssyncadd.s32 $0xFFFFFFFF  }
0xa6: {  	s26 =	simm.s32 $execute0_lowered;
	[smem:$0x3FD2] =	sst s25  }
0xa7: {  	s6 =	sshll.u32 s26, $0x1;
	_ =	strace $0x80000046;
	[dreg:$0x1] =	wrdreg $0xFFFFFFFF  }
0xa8: {  	s28 =	simm.s32 $_size_execute0_lowered;
	s4 =	sadd.s32 s4, s6;
	[dreg:$0x0] =	wrdreg $0x0  }
0xa9: {  	s6 =	sshll.u32 s28, $0x1;
	[dreg:$0x2] =	wrdreg s4  }
0xaa: {  	[dreg:$0x3] =	wrdreg s6  }
0xab: {  	[dreg:$0x4] =	wrdreg $0xC0  }
0xac: {  	_ =	task [dreg:s8], $0x5FFFF  }
0xad: {  	[dreg:$0x1] =	wrdreg $0xFFFFFFFF  }
0xae: {  	[dreg:$0x0] =	wrdreg $0x60  }
0xaf: {  	[dreg:$0x2] =	wrdreg s2  }
0xb0: {  	[dreg:$0x3] =	wrdreg s24  }
0xb1: {  	[dreg:$0x4] =	wrdreg s18  }
0xb2: {  	[dreg:$0x5] =	wrdreg $0x9  }
0xb3: {  	_ =	task.clear_ibuf [dreg:s8], $0x6FFFF;
	_ =	strace $0x90000046  }
0xb4: {  	s29 =	simm.s32 $0x9;
	_ =	strace $0x80000048  }
0xb5: {  	_ =	swait.ge [sflag:s29], $0x1  }
0xb6: {  	[sflag:s29] =	ssyncadd.s32 $0xFFFFFFFF  }
0xb7: {  	_ =	strace $0x90000048  }
0xb8: {  	_ =	sfence  }
0xb9: {  	s30 =	sld [smem:$0x0];
	_ =	sdelay $0x2  }
0xba: {  	s31 =	sshll.u32 s1, $0xD;
	s1 =	sshrl.u32 s1, $0x2  }
0xbb: {  	s3 =	sand.u32 $0x4000, s31;
	s1 =	sadd.s32 s1, s30  }
0xbc: {  	s0 =	sor.u32 s3, s0;
	s1 =	sshll.u32 s1, $0x11  }
0xbd: {  	s0 =	sor.u32 s1, s0  }
0xbe: {  	s0 =	sadd.s32 $0x8F2B, s0  }
0xbf: {  	[sflag:s0] =	ssyncadd.remote.s32 $0x1  }
0xc0: {  	_ =	sfence.sel $0xFFFF  }
0xc1: {  	[dreg:$0x0] =	wrdreg $0xFFFFFFFF;
	(pc) =	sbr.abs _section_cstart, $3  }
0xc2: {  	[dreg:$0x1] =	wrdreg $0xFFFFFFFF  }
0xc3: {  	_ =	task.clear_ibuf [dreg:s8], $0x2FFFF;
	_ =	strace $0x9FFFFFFF  }
0xc4: {  	(tm) =	ssettm $0x7FFFFFFF  }
0xc5: {  	_ =	shalt  }
tec
execute0_lowered:
.L_overlay_start_1:
0x0: {  	(tag) =	ssettag $0x1  }
0x1: {  	s1 =	rddreg [dreg:$0x0]  }
0x2: {  	s7 =	rddreg [dreg:$0x1]  }
0x3: {  	s2 =	rddreg [dreg:$0x2]  }
0x4: {  	s3 =	simm.s32 $0x0;
	s4 =	srdreg.scid;
	s13 =	simm.s32 $0x400  }
0x5: {  	s14 =	simm.s32 $0x20000;
	s15 =	simm.s32 $0x5;
	s16 =	simm.s32 $0x1F400  }
0x6: {  	s17 =	simm.s32 $0x1;
	s18 =	simm.s32 $0x1F800;
	s19 =	simm.s32 $0x2  }
0x7: {  	s20 =	simm.s32 $0x3;
	s21 =	simm.s32 $0x4;
	s22 =	simm.s32 $0x0  }
0x8: {  	[smem:$0x7FF] =	sst s3;
	s6 =	sand.u32 $0x1, s4;
	s5 =	sadd.s32 $0x400, s7  }
0x9: {  	s4 =	stileid.u32;
	s7 =	sadd.s32 $0x4400, s7;
	_ =	strace $0x80000047  }
0xa: {  	s8 =	ssub.s32 $0x2, s6;
	s30 =	sshll.u32 s4, $0xD;
	s10 =	sshll.u32 s6, $0xC  }
0xb: {  	s11 =	sshll.u32 s4, $0x3;
	s6 =	sshll.u32 s6, $0x2;
	s9 =	sshrl.u32 s8, $0x1  }
0xc: {  	v0 =	vlaneseq.u32;
	s6 =	sor.u32 s6, s11;
	s8 =	ssub.s32 s8, s9;
	s9 =	sor.u32 s10, s30  }
0xd: {  	v1 =	vor.u32 $0x10, v0;
	s10 =	sor.u32 $0x60000, s9;
	s8 =	smax.u32 s8, $0x1;
	s31 =	sor.u32 $0x40000, s9  }
0xe: {  	v2 =	vor.u32 $0x20, v0;
	v3 =	vor.u32 $0x30, v0;
	v4 =	vor.u32 $0x40, v0;
	s9 =	sshrl.u32 s9, $0x3;
	s10 =	sshrl.u32 s10, $0x3;
	s12 =	sshrl.u32 s31, $0x3  }
0xf: {  	v5 =	vor.u32 $0x50, v0;
	v6 =	vor.u32 $0x60, v0;
	v7 =	vor.u32 $0x70, v0;
	s10 =	sadd.s32 s10, s5;
	s11 =	sadd.s32 s12, s2;
	s12 =	sadd.s32 s12, s5  }
.LBB2_1:
0x10: {  	s23 =	smov.u32 s12;
	s24 =	smov.u32 s11  }
0x11: {  	s25 =	smov.u32 s10;
	s26 =	smov.u32 s9;
	s28 =	simm.s32 $0x0  }
.LBB2_2:
0x12: {  	s29 =	sadd.s32 s6, s28  }
0x13: {  	s30 =	sshll.u32 s29, $0x7  }
0x14: {  	s29 =	sadd.s32 s1, s30  }
0x15: {  	[tilespmem:s3], [sflag:$0x5] =	stream.strided.gather [hbm4b:s29+s13], $0x1F400, s14, s13, $0x38;
	[tilespmem:$0x1FC00] =	vst v63  }
0x16: {  	_ =	swait.ge [sflag:s15], $0x1F400  }
0x17: {  	p0 =	seq.s32 s28, $0x0;
	[sflag:s15] =	ssyncset.done $0x0  }
0x18: {  	s29 =	simm.s32 @!p0 $0x3;
	[sflag:s15] =	ssyncadd.s32 $0xFFFE0C00  }
0x19: {  	_ =	swait.ge @!p0 [sflag:s29], $0x400  }
0x1a: {  	[sflag:s29] =	ssyncset.done @!p0 $0x0  }
0x1b: {  	s31 =	sadd.s32 s5, s30;
	[sflag:s29] =	ssyncadd.s32 @!p0 $0xFFFFFC00;
	s29 =	simm.s32 $0x0  }
0x1c: {  	[tilespmem:s16], [sflag:$0x1] =	stream.linear.gather [hbm4b:s31+s29], $0x400, $0x38;
	[tilespmem:$0x1FC00] =	vst v63  }
0x1d: {  	_ =	swait.ge [sflag:s17], $0x400  }
0x1e: {  	[sflag:s17] =	ssyncset.done $0x0  }
0x1f: {  	[sflag:s17] =	ssyncadd.s32 $0xFFFFFC00  }
0x20: {  	v8 =	vld [tilespmem:$0x1F400]  }
0x21: {  	v9 =	vld [tilespmem:$0x1F410]  }
0x22: {  	v10 =	vld [tilespmem:$0x1F420]  }
0x23: {  	v11 =	vld [tilespmem:$0x1F430]  }
0x24: {  	v12 =	vld [tilespmem:$0x1F440]  }
0x25: {  	v13 =	vld [tilespmem:$0x1F450]  }
0x26: {  	v14 =	vld [tilespmem:$0x1F460]  }
0x27: {  	v15 =	vld [tilespmem:$0x1F470]  }
0x28: {  	v16 =	vld [tilespmem:$0x1F480]  }
0x29: {  	v17 =	vld [tilespmem:$0x1F490]  }
0x2a: {  	v18 =	vld [tilespmem:$0x1F4A0]  }
0x2b: {  	v26 =	vld [tilespmem:$0x1F4C0]  }
0x2c: {  	v27 =	vld [tilespmem:$0x1F4D0];
	v8 =	vshll.u32 v8, $0x7  }
0x2d: {  	v28 =	vld [tilespmem:$0x1F4E0];
	v9 =	vshll.u32 v9, $0x7;
	v8 =	vor.u32 v0, v8  }
0x2e: {  	v29 =	vld [tilespmem:$0x1F4F0];
	v10 =	vshll.u32 v10, $0x7;
	v9 =	vor.u32 v1, v9  }
0x2f: {  	v31 =	vld [tilespmem:$0x1F500];
	v11 =	vshll.u32 v11, $0x7;
	v10 =	vor.u32 v2, v10  }
0x30: {  	v32 =	vld [tilespmem:$0x1F510];
	v12 =	vshll.u32 v12, $0x7;
	v11 =	vor.u32 v3, v11  }
0x31: {  	v33 =	vld [tilespmem:$0x1F520];
	v13 =	vshll.u32 v13, $0x7;
	v12 =	vor.u32 v4, v12  }
0x32: {  	v14 =	vshll.u32 v14, $0x7;
	v13 =	vor.u32 v5, v13;
	v8 =	vld.idx.msk [tilespmem:v8+s29+$0x0], $0xffff  }
0x33: {  	v15 =	vshll.u32 v15, $0x7;
	v14 =	vor.u32 v6, v14;
	v9 =	vld.idx.msk [tilespmem:v9+s29+$0x0], $0xffff  }
0x34: {  	v15 =	vor.u32 v7, v15;
	v10 =	vld.idx.msk [tilespmem:v10+s29+$0x0], $0xffff  }
0x35: {  	v11 =	vld.idx.msk [tilespmem:v11+s29+$0x0], $0xffff  }
0x36: {  	v12 =	vld.idx.msk [tilespmem:v12+s29+$0x0], $0xffff  }
0x37: {  	v13 =	vld.idx.msk [tilespmem:v13+s29+$0x0], $0xffff  }
0x38: {  	v14 =	vld.idx.msk [tilespmem:v14+s29+$0x0], $0xffff  }
0x39: {  	v15 =	vld.idx.msk [tilespmem:v15+s29+$0x0], $0xffff;
	[tilespmem:$0x1F400] =	vst v8  }
0x3a: {  	v34 =	vld [tilespmem:$0x1F530];
	[tilespmem:$0x1F410] =	vst v9  }
0x3b: {  	v35 =	vld [tilespmem:$0x1F540];
	v16 =	vshll.u32 v16, $0x7;
	[tilespmem:$0x1F420] =	vst v10  }
0x3c: {  	v17 =	vshll.u32 v17, $0x7;
	v16 =	vor.u32 v0, v16;
	v8 =	vld [tilespmem:$0x1F4B0];
	[tilespmem:$0x1F430] =	vst v11  }
0x3d: {  	v36 =	vld [tilespmem:$0x1F550];
	v18 =	vshll.u32 v18, $0x7;
	v17 =	vor.u32 v1, v17;
	[tilespmem:$0x1F440] =	vst v12  }
0x3e: {  	v37 =	vld [tilespmem:$0x1F570];
	v30 =	vor.u32 v2, v18;
	[tilespmem:$0x1F450] =	vst v13;
	v9 =	vshll.u32 v26, $0x7  }
0x3f: {  	v44 =	vld [tilespmem:$0x1F580];
	[tilespmem:$0x1F460] =	vst v14;
	v10 =	vshll.u32 v27, $0x7;
	v9 =	vor.u32 v4, v9  }
0x40: {  	v45 =	vld [tilespmem:$0x1F590];
	[tilespmem:$0x1F470] =	vst v15;
	v11 =	vshll.u32 v28, $0x7;
	v10 =	vor.u32 v5, v10  }
0x41: {  	v14 =	vld.idx.msk [tilespmem:v16+s29+$0x0], $0xffff;
	v11 =	vor.u32 v6, v11;
	v8 =	vshll.u32 v8, $0x7  }
0x42: {  	v12 =	vshll.u32 v29, $0x7;
	v15 =	vld.idx.msk [tilespmem:v17+s29+$0x0], $0xffff;
	v8 =	vor.u32 v3, v8  }
0x43: {  	v13 =	vld.idx.msk [tilespmem:v30+s29+$0x0], $0xffff;
	v12 =	vor.u32 v7, v12  }
0x44: {  	v9 =	vld.idx.msk [tilespmem:v9+s29+$0x0], $0xffff  }
0x45: {  	v10 =	vld.idx.msk [tilespmem:v10+s29+$0x0], $0xffff  }
0x46: {  	v11 =	vld.idx.msk [tilespmem:v11+s29+$0x0], $0xffff  }
0x47: {  	v8 =	vld.idx.msk [tilespmem:v8+s29+$0x0], $0xffff  }
0x48: {  	v12 =	vld.idx.msk [tilespmem:v12+s29+$0x0], $0xffff;
	[tilespmem:$0x1F480] =	vst v14  }
0x49: {  	v46 =	vld [tilespmem:$0x1F5A0];
	[tilespmem:$0x1F490] =	vst v15  }
0x4a: {  	v47 =	vld [tilespmem:$0x1F5B0];
	v16 =	vshll.u32 v31, $0x7;
	[tilespmem:$0x1F4A0] =	vst v13  }
0x4b: {  	v48 =	vld [tilespmem:$0x1F5C0];
	v17 =	vshll.u32 v32, $0x7;
	v16 =	vor.u32 v0, v16;
	[tilespmem:$0x1F4C0] =	vst v9  }
0x4c: {  	v18 =	vshll.u32 v33, $0x7;
	v17 =	vor.u32 v1, v17;
	[tilespmem:$0x1F4B0] =	vst v8;
	v8 =	vld [tilespmem:$0x1F560]  }
0x4d: {  	v49 =	vld [tilespmem:$0x1F5D0];
	v38 =	vor.u32 v2, v18;
	[tilespmem:$0x1F4D0] =	vst v10;
	v14 =	vshll.u32 v34, $0x7  }
0x4e: {  	v50 =	vld [tilespmem:$0x1F5E0];
	v40 =	vshll.u32 v35, $0x7;
	[tilespmem:$0x1F4E0] =	vst v11;
	v39 =	vor.u32 v3, v14  }
0x4f: {  	v51 =	vld [tilespmem:$0x1F5F0];
	v41 =	vor.u32 v4, v40;
	[tilespmem:$0x1F4F0] =	vst v12;
	v13 =	vshll.u32 v36, $0x7  }
0x50: {  	v9 =	vshll.u32 v37, $0x7;
	v13 =	vor.u32 v5, v13;
	v42 =	vld.idx.msk [tilespmem:v16+s29+$0x0], $0xffff  }
0x51: {  	v9 =	vor.u32 v7, v9;
	v43 =	vld.idx.msk [tilespmem:v17+s29+$0x0], $0xffff;
	v8 =	vshll.u32 v8, $0x7  }
0x52: {  	v10 =	vld.idx.msk [tilespmem:v38+s29+$0x0], $0xffff;
	v8 =	vor.u32 v6, v8  }
0x53: {  	v11 =	vld.idx.msk [tilespmem:v39+s29+$0x0], $0xffff  }
0x54: {  	v12 =	vld.idx.msk [tilespmem:v41+s29+$0x0], $0xffff  }
0x55: {  	v13 =	vld.idx.msk [tilespmem:v13+s29+$0x0], $0xffff  }
0x56: {  	v9 =	vld.idx.msk [tilespmem:v9+s29+$0x0], $0xffff  }
0x57: {  	v8 =	vld.idx.msk [tilespmem:v8+s29+$0x0], $0xffff;
	[tilespmem:$0x1F500] =	vst v42  }
0x58: {  	v57 =	vld [tilespmem:$0x1F600];
	[tilespmem:$0x1F510] =	vst v43  }
0x59: {  	v58 =	vld [tilespmem:$0x1F610];
	v16 =	vshll.u32 v44, $0x7;
	[tilespmem:$0x1F520] =	vst v10  }
0x5a: {  	v59 =	vld [tilespmem:$0x1F620];
	v17 =	vshll.u32 v45, $0x7;
	v16 =	vor.u32 v0, v16;
	[tilespmem:$0x1F530] =	vst v11  }
0x5b: {  	v60 =	vld [tilespmem:$0x1F630];
	v18 =	vshll.u32 v46, $0x7;
	v17 =	vor.u32 v1, v17;
	[tilespmem:$0x1F540] =	vst v12  }
0x5c: {  	v61 =	vld [tilespmem:$0x1F640];
	v53 =	vshll.u32 v48, $0x7;
	v52 =	vor.u32 v2, v18;
	[tilespmem:$0x1F550] =	vst v13  }
0x5d: {  	v62 =	vld [tilespmem:$0x1F650];
	v54 =	vor.u32 v4, v53;
	[tilespmem:$0x1F570] =	vst v9;
	v10 =	vshll.u32 v49, $0x7  }
0x5e: {  	v63 =	vld [tilespmem:$0x1F670];
	v11 =	vshll.u32 v50, $0x7;
	v10 =	vor.u32 v5, v10;
	[tilespmem:$0x1F560] =	vst v8  }
0x5f: {  	v14 =	vshll.u32 v47, $0x7;
	v11 =	vor.u32 v6, v11;
	v55 =	vld.idx.msk [tilespmem:v16+s29+$0x0], $0xffff  }
0x60: {  	v12 =	vshll.u32 v51, $0x7;
	v8 =	vor.u32 v3, v14;
	v56 =	vld.idx.msk [tilespmem:v17+s29+$0x0], $0xffff  }
0x61: {  	v12 =	vor.u32 v7, v12;
	v13 =	vld.idx.msk [tilespmem:v52+s29+$0x0], $0xffff  }
0x62: {  	v9 =	vld.idx.msk [tilespmem:v54+s29+$0x0], $0xffff  }
0x63: {  	v10 =	vld.idx.msk [tilespmem:v10+s29+$0x0], $0xffff  }
0x64: {  	v11 =	vld.idx.msk [tilespmem:v11+s29+$0x0], $0xffff  }
0x65: {  	v8 =	vld.idx.msk [tilespmem:v8+s29+$0x0], $0xffff  }
0x66: {  	v12 =	vld.idx.msk [tilespmem:v12+s29+$0x0], $0xffff;
	[tilespmem:$0x1F580] =	vst v55  }
0x67: {  	v25 =	vld [tilespmem:$0x1F680];
	[tilespmem:$0x1F590] =	vst v56  }
0x68: {  	v40 =	vld [tilespmem:$0x1F720];
	v16 =	vshll.u32 v57, $0x7;
	[tilespmem:$0x1F5A0] =	vst v13  }
0x69: {  	v53 =	vld [tilespmem:$0x1F7A0];
	v17 =	vshll.u32 v58, $0x7;
	v16 =	vor.u32 v0, v16;
	[tilespmem:$0x1F5C0] =	vst v9  }
0x6a: {  	v18 =	vshll.u32 v59, $0x7;
	v17 =	vor.u32 v1, v17;
	[tilespmem:$0x1F5B0] =	vst v8;
	v8 =	vld [tilespmem:$0x1F660]  }
0x6b: {  	v19 =	vor.u32 v2, v18;
	v26 =	vld [tilespmem:$0x1F690];
	v14 =	vshll.u32 v60, $0x7;
	[tilespmem:$0x1F5D0] =	vst v10  }
0x6c: {  	v21 =	vshll.u32 v61, $0x7;
	v27 =	vld [tilespmem:$0x1F6A0];
	v20 =	vor.u32 v3, v14;
	[tilespmem:$0x1F5E0] =	vst v11  }
0x6d: {  	v22 =	vor.u32 v4, v21;
	v29 =	vld [tilespmem:$0x1F6C0];
	[tilespmem:$0x1F5F0] =	vst v12;
	v13 =	vshll.u32 v62, $0x7  }
0x6e: {  	v9 =	vshll.u32 v63, $0x7;
	v13 =	vor.u32 v5, v13;
	v23 =	vld.idx.msk [tilespmem:v16+s29+$0x0], $0xffff  }
0x6f: {  	v9 =	vor.u32 v7, v9;
	v24 =	vld.idx.msk [tilespmem:v17+s29+$0x0], $0xffff;
	v8 =	vshll.u32 v8, $0x7  }
0x70: {  	v10 =	vld.idx.msk [tilespmem:v19+s29+$0x0], $0xffff;
	v8 =	vor.u32 v6, v8  }
0x71: {  	v11 =	vld.idx.msk [tilespmem:v20+s29+$0x0], $0xffff  }
0x72: {  	v12 =	vld.idx.msk [tilespmem:v22+s29+$0x0], $0xffff  }
0x73: {  	v13 =	vld.idx.msk [tilespmem:v13+s29+$0x0], $0xffff  }
0x74: {  	v9 =	vld.idx.msk [tilespmem:v9+s29+$0x0], $0xffff  }
0x75: {  	v8 =	vld.idx.msk [tilespmem:v8+s29+$0x0], $0xffff;
	[tilespmem:$0x1F600] =	vst v23  }
0x76: {  	v30 =	vld [tilespmem:$0x1F6D0];
	[tilespmem:$0x1F610] =	vst v24  }
0x77: {  	v31 =	vld [tilespmem:$0x1F6E0];
	v16 =	vshll.u32 v25, $0x7;
	[tilespmem:$0x1F620] =	vst v10  }
0x78: {  	v28 =	vld [tilespmem:$0x1F6B0];
	v17 =	vshll.u32 v26, $0x7;
	v16 =	vor.u32 v0, v16;
	[tilespmem:$0x1F630] =	vst v11  }
0x79: {  	v32 =	vld [tilespmem:$0x1F6F0];
	v18 =	vshll.u32 v27, $0x7;
	v17 =	vor.u32 v1, v17;
	[tilespmem:$0x1F640] =	vst v12  }
0x7a: {  	v33 =	vor.u32 v2, v18;
	v34 =	vshll.u32 v29, $0x7;
	v38 =	vld [tilespmem:$0x1F700];
	[tilespmem:$0x1F650] =	vst v13  }
0x7b: {  	v35 =	vor.u32 v4, v34;
	v39 =	vld [tilespmem:$0x1F710];
	[tilespmem:$0x1F670] =	vst v9;
	v10 =	vshll.u32 v30, $0x7  }
0x7c: {  	v41 =	vld [tilespmem:$0x1F730];
	v11 =	vshll.u32 v31, $0x7;
	v10 =	vor.u32 v5, v10;
	[tilespmem:$0x1F660] =	vst v8  }
0x7d: {  	v14 =	vshll.u32 v28, $0x7;
	v11 =	vor.u32 v6, v11;
	v36 =	vld.idx.msk [tilespmem:v16+s29+$0x0], $0xffff  }
0x7e: {  	v12 =	vshll.u32 v32, $0x7;
	v8 =	vor.u32 v3, v14;
	v37 =	vld.idx.msk [tilespmem:v17+s29+$0x0], $0xffff  }
0x7f: {  	v12 =	vor.u32 v7, v12;
	v13 =	vld.idx.msk [tilespmem:v33+s29+$0x0], $0xffff  }
0x80: {  	v9 =	vld.idx.msk [tilespmem:v35+s29+$0x0], $0xffff  }
0x81: {  	v10 =	vld.idx.msk [tilespmem:v10+s29+$0x0], $0xffff  }
0x82: {  	v11 =	vld.idx.msk [tilespmem:v11+s29+$0x0], $0xffff  }
0x83: {  	v8 =	vld.idx.msk [tilespmem:v8+s29+$0x0], $0xffff  }
0x84: {  	v12 =	vld.idx.msk [tilespmem:v12+s29+$0x0], $0xffff;
	[tilespmem:$0x1F680] =	vst v36  }
0x85: {  	v42 =	vld [tilespmem:$0x1F740];
	[tilespmem:$0x1F690] =	vst v37  }
0x86: {  	v43 =	vld [tilespmem:$0x1F750];
	v16 =	vshll.u32 v38, $0x7;
	[tilespmem:$0x1F6A0] =	vst v13  }
0x87: {  	v44 =	vld [tilespmem:$0x1F770];
	v17 =	vshll.u32 v39, $0x7;
	v16 =	vor.u32 v0, v16;
	[tilespmem:$0x1F6C0] =	vst v9  }
0x88: {  	v18 =	vshll.u32 v40, $0x7;
	v17 =	vor.u32 v1, v17;
	[tilespmem:$0x1F6B0] =	vst v8;
	v8 =	vld [tilespmem:$0x1F760]  }
0x89: {  	v45 =	vor.u32 v2, v18;
	v51 =	vld [tilespmem:$0x1F780];
	v14 =	vshll.u32 v41, $0x7;
	[tilespmem:$0x1F6D0] =	vst v10  }
0x8a: {  	v47 =	vshll.u32 v42, $0x7;
	v52 =	vld [tilespmem:$0x1F790];
	v46 =	vor.u32 v3, v14;
	[tilespmem:$0x1F6E0] =	vst v11  }
0x8b: {  	v48 =	vor.u32 v4, v47;
	v55 =	vld [tilespmem:$0x1F7C0];
	[tilespmem:$0x1F6F0] =	vst v12;
	v13 =	vshll.u32 v43, $0x7  }
0x8c: {  	v9 =	vshll.u32 v44, $0x7;
	v13 =	vor.u32 v5, v13;
	v49 =	vld.idx.msk [tilespmem:v16+s29+$0x0], $0xffff  }
0x8d: {  	v9 =	vor.u32 v7, v9;
	v50 =	vld.idx.msk [tilespmem:v17+s29+$0x0], $0xffff;
	v8 =	vshll.u32 v8, $0x7  }
0x8e: {  	v10 =	vld.idx.msk [tilespmem:v45+s29+$0x0], $0xffff;
	v8 =	vor.u32 v6, v8  }
0x8f: {  	v11 =	vld.idx.msk [tilespmem:v46+s29+$0x0], $0xffff  }
0x90: {  	v12 =	vld.idx.msk [tilespmem:v48+s29+$0x0], $0xffff  }
0x91: {  	v13 =	vld.idx.msk [tilespmem:v13+s29+$0x0], $0xffff  }
0x92: {  	v9 =	vld.idx.msk [tilespmem:v9+s29+$0x0], $0xffff  }
0x93: {  	v8 =	vld.idx.msk [tilespmem:v8+s29+$0x0], $0xffff;
	[tilespmem:$0x1F700] =	vst v49  }
0x94: {  	v56 =	vld [tilespmem:$0x1F7D0];
	[tilespmem:$0x1F710] =	vst v50  }
0x95: {  	v57 =	vld [tilespmem:$0x1F7E0];
	v16 =	vshll.u32 v51, $0x7;
	[tilespmem:$0x1F720] =	vst v10  }
0x96: {  	v58 =	vld [tilespmem:$0x1F7F0];
	v17 =	vshll.u32 v52, $0x7;
	v16 =	vor.u32 v0, v16;
	[tilespmem:$0x1F730] =	vst v11  }
0x97: {  	v18 =	vshll.u32 v53, $0x7;
	v54 =	vld [tilespmem:$0x1F7B0];
	v17 =	vor.u32 v1, v17;
	[tilespmem:$0x1F740] =	vst v12  }
0x98: {  	v59 =	vor.u32 v2, v18;
	v60 =	vshll.u32 v55, $0x7;
	[tilespmem:$0x1F750] =	vst v13  }
0x99: {  	v61 =	vor.u32 v4, v60;
	[tilespmem:$0x1F770] =	vst v9;
	v10 =	vshll.u32 v56, $0x7  }
0x9a: {  	v11 =	vshll.u32 v57, $0x7;
	v10 =	vor.u32 v5, v10;
	[tilespmem:$0x1F760] =	vst v8  }
0x9b: {  	v12 =	vshll.u32 v58, $0x7;
	v11 =	vor.u32 v6, v11;
	v62 =	vld.idx.msk [tilespmem:v16+s29+$0x0], $0xffff  }
0x9c: {  	v14 =	vshll.u32 v54, $0x7;
	v12 =	vor.u32 v7, v12;
	v63 =	vld.idx.msk [tilespmem:v17+s29+$0x0], $0xffff  }
0x9d: {  	v8 =	vor.u32 v3, v14;
	v13 =	vld.idx.msk [tilespmem:v59+s29+$0x0], $0xffff  }
0x9e: {  	v9 =	vld.idx.msk [tilespmem:v61+s29+$0x0], $0xffff  }
0x9f: {  	v10 =	vld.idx.msk [tilespmem:v10+s29+$0x0], $0xffff  }
0xa0: {  	v11 =	vld.idx.msk [tilespmem:v11+s29+$0x0], $0xffff  }
0xa1: {  	v12 =	vld.idx.msk [tilespmem:v12+s29+$0x0], $0xffff  }
0xa2: {  	v8 =	vld.idx.msk [tilespmem:v8+s29+$0x0], $0xffff;
	[tilespmem:$0x1F780] =	vst v62  }
0xa3: {  	[tilespmem:$0x1F790] =	vst v63  }
0xa4: {  	[tilespmem:$0x1F7A0] =	vst v13  }
0xa5: {  	[tilespmem:$0x1F7C0] =	vst v9  }
0xa6: {  	[tilespmem:$0x1F7D0] =	vst v10  }
0xa7: {  	[tilespmem:$0x1F7E0] =	vst v11  }
0xa8: {  	[tilespmem:$0x1F7F0] =	vst v12  }
0xa9: {  	s0 =	sadd.s32 s30, s7;
	[tilespmem:$0x1F7B0] =	vst v8  }
0xaa: {  	[tilespmem:s18], [sflag:$0x2] =	stream.linear.gather [hbm4b:s0+s29], $0x400, $0x38;
	[tilespmem:$0x1FC00] =	vst v63  }
0xab: {  	s30 =	sadd.s32 s2, s30  }
0xac: {  	[hbm4b:s30+s29] =	stream.linear.scatter [tilespmem:s16], [sflag:$0x3], $0x400, $0x38;
	[tilespmem:$0x1FC00] =	vst v63  }
.LBB2_3:
0xad: {  	_ =	swait.ge [sflag:s19], $0x400  }
0xae: {  	[sflag:s19] =	ssyncset.done $0x0  }
0xaf: {  	[sflag:s19] =	ssyncadd.s32 $0xFFFFFC00  }
0xb0: {  	v8 =	vld [tilespmem:$0x1F800]  }
0xb1: {  	v9 =	vld [tilespmem:$0x1F810]  }
0xb2: {  	v10 =	vld [tilespmem:$0x1F820]  }
0xb3: {  	v11 =	vld [tilespmem:$0x1F830]  }
0xb4: {  	v12 =	vld [tilespmem:$0x1F840]  }
0xb5: {  	v13 =	vld [tilespmem:$0x1F850]  }
0xb6: {  	v14 =	vld [tilespmem:$0x1F860]  }
0xb7: {  	v15 =	vld [tilespmem:$0x1F870]  }
0xb8: {  	v16 =	vld [tilespmem:$0x1F880]  }
0xb9: {  	v17 =	vld [tilespmem:$0x1F890]  }
0xba: {  	v18 =	vld [tilespmem:$0x1F8A0]  }
0xbb: {  	v25 =	vld [tilespmem:$0x1F8C0]  }
0xbc: {  	v26 =	vld [tilespmem:$0x1F8D0];
	v8 =	vshll.u32 v8, $0x7  }
0xbd: {  	v27 =	vld [tilespmem:$0x1F8E0];
	v9 =	vshll.u32 v9, $0x7;
	v8 =	vor.u32 v0, v8  }
0xbe: {  	v28 =	vld [tilespmem:$0x1F8F0];
	v10 =	vshll.u32 v10, $0x7;
	v9 =	vor.u32 v1, v9  }
0xbf: {  	v30 =	vld [tilespmem:$0x1F900];
	v11 =	vshll.u32 v11, $0x7;
	v10 =	vor.u32 v2, v10  }
0xc0: {  	v31 =	vld [tilespmem:$0x1F910];
	v12 =	vshll.u32 v12, $0x7;
	v11 =	vor.u32 v3, v11  }
0xc1: {  	v32 =	vld [tilespmem:$0x1F920];
	v13 =	vshll.u32 v13, $0x7;
	v12 =	vor.u32 v4, v12  }
0xc2: {  	v14 =	vshll.u32 v14, $0x7;
	v13 =	vor.u32 v5, v13;
	v8 =	vld.idx.msk [tilespmem:v8+s3+$0x0], $0xffff  }
0xc3: {  	v15 =	vshll.u32 v15, $0x7;
	v14 =	vor.u32 v6, v14;
	v9 =	vld.idx.msk [tilespmem:v9+s3+$0x0], $0xffff  }
0xc4: {  	v15 =	vor.u32 v7, v15;
	v10 =	vld.idx.msk [tilespmem:v10+s3+$0x0], $0xffff  }
0xc5: {  	v11 =	vld.idx.msk [tilespmem:v11+s3+$0x0], $0xffff  }
0xc6: {  	v12 =	vld.idx.msk [tilespmem:v12+s3+$0x0], $0xffff  }
0xc7: {  	v13 =	vld.idx.msk [tilespmem:v13+s3+$0x0], $0xffff  }
0xc8: {  	v14 =	vld.idx.msk [tilespmem:v14+s3+$0x0], $0xffff  }
0xc9: {  	v15 =	vld.idx.msk [tilespmem:v15+s3+$0x0], $0xffff;
	[tilespmem:$0x1F800] =	vst v8  }
0xca: {  	v33 =	vld [tilespmem:$0x1F930];
	[tilespmem:$0x1F810] =	vst v9  }
0xcb: {  	v34 =	vld [tilespmem:$0x1F940];
	v16 =	vshll.u32 v16, $0x7;
	[tilespmem:$0x1F820] =	vst v10  }
0xcc: {  	v17 =	vshll.u32 v17, $0x7;
	v16 =	vor.u32 v0, v16;
	v8 =	vld [tilespmem:$0x1F8B0];
	[tilespmem:$0x1F830] =	vst v11  }
0xcd: {  	v35 =	vld [tilespmem:$0x1F950];
	v18 =	vshll.u32 v18, $0x7;
	v17 =	vor.u32 v1, v17;
	[tilespmem:$0x1F840] =	vst v12  }
0xce: {  	v36 =	vld [tilespmem:$0x1F970];
	v29 =	vor.u32 v2, v18;
	[tilespmem:$0x1F850] =	vst v13;
	v9 =	vshll.u32 v25, $0x7  }
0xcf: {  	v43 =	vld [tilespmem:$0x1F980];
	[tilespmem:$0x1F860] =	vst v14;
	v10 =	vshll.u32 v26, $0x7;
	v9 =	vor.u32 v4, v9  }
0xd0: {  	v44 =	vld [tilespmem:$0x1F990];
	[tilespmem:$0x1F870] =	vst v15;
	v11 =	vshll.u32 v27, $0x7;
	v10 =	vor.u32 v5, v10  }
0xd1: {  	v14 =	vld.idx.msk [tilespmem:v16+s3+$0x0], $0xffff;
	v11 =	vor.u32 v6, v11;
	v8 =	vshll.u32 v8, $0x7  }
0xd2: {  	v12 =	vshll.u32 v28, $0x7;
	v15 =	vld.idx.msk [tilespmem:v17+s3+$0x0], $0xffff;
	v8 =	vor.u32 v3, v8  }
0xd3: {  	v13 =	vld.idx.msk [tilespmem:v29+s3+$0x0], $0xffff;
	v12 =	vor.u32 v7, v12  }
0xd4: {  	v9 =	vld.idx.msk [tilespmem:v9+s3+$0x0], $0xffff  }
0xd5: {  	v10 =	vld.idx.msk [tilespmem:v10+s3+$0x0], $0xffff  }
0xd6: {  	v11 =	vld.idx.msk [tilespmem:v11+s3+$0x0], $0xffff  }
0xd7: {  	v8 =	vld.idx.msk [tilespmem:v8+s3+$0x0], $0xffff  }
0xd8: {  	v12 =	vld.idx.msk [tilespmem:v12+s3+$0x0], $0xffff;
	[tilespmem:$0x1F880] =	vst v14  }
0xd9: {  	v45 =	vld [tilespmem:$0x1F9A0];
	[tilespmem:$0x1F890] =	vst v15  }
0xda: {  	v46 =	vld [tilespmem:$0x1F9B0];
	v16 =	vshll.u32 v30, $0x7;
	[tilespmem:$0x1F8A0] =	vst v13  }
0xdb: {  	v47 =	vld [tilespmem:$0x1F9C0];
	v17 =	vshll.u32 v31, $0x7;
	v16 =	vor.u32 v0, v16;
	[tilespmem:$0x1F8C0] =	vst v9  }
0xdc: {  	v18 =	vshll.u32 v32, $0x7;
	v17 =	vor.u32 v1, v17;
	[tilespmem:$0x1F8B0] =	vst v8;
	v8 =	vld [tilespmem:$0x1F960]  }
0xdd: {  	v48 =	vld [tilespmem:$0x1F9D0];
	v37 =	vor.u32 v2, v18;
	[tilespmem:$0x1F8D0] =	vst v10;
	v14 =	vshll.u32 v33, $0x7  }
0xde: {  	v49 =	vld [tilespmem:$0x1F9E0];
	v39 =	vshll.u32 v34, $0x7;
	[tilespmem:$0x1F8E0] =	vst v11;
	v38 =	vor.u32 v3, v14  }
0xdf: {  	v50 =	vld [tilespmem:$0x1F9F0];
	v40 =	vor.u32 v4, v39;
	[tilespmem:$0x1F8F0] =	vst v12;
	v13 =	vshll.u32 v35, $0x7  }
0xe0: {  	v9 =	vshll.u32 v36, $0x7;
	v13 =	vor.u32 v5, v13;
	v41 =	vld.idx.msk [tilespmem:v16+s3+$0x0], $0xffff  }
0xe1: {  	v9 =	vor.u32 v7, v9;
	v42 =	vld.idx.msk [tilespmem:v17+s3+$0x0], $0xffff;
	v8 =	vshll.u32 v8, $0x7  }
0xe2: {  	v10 =	vld.idx.msk [tilespmem:v37+s3+$0x0], $0xffff;
	v8 =	vor.u32 v6, v8  }
0xe3: {  	v11 =	vld.idx.msk [tilespmem:v38+s3+$0x0], $0xffff  }
0xe4: {  	v12 =	vld.idx.msk [tilespmem:v40+s3+$0x0], $0xffff  }
0xe5: {  	v13 =	vld.idx.msk [tilespmem:v13+s3+$0x0], $0xffff  }
0xe6: {  	v9 =	vld.idx.msk [tilespmem:v9+s3+$0x0], $0xffff  }
0xe7: {  	v8 =	vld.idx.msk [tilespmem:v8+s3+$0x0], $0xffff;
	[tilespmem:$0x1F900] =	vst v41  }
0xe8: {  	v56 =	vld [tilespmem:$0x1FA00];
	[tilespmem:$0x1F910] =	vst v42  }
0xe9: {  	v57 =	vld [tilespmem:$0x1FA10];
	v16 =	vshll.u32 v43, $0x7;
	[tilespmem:$0x1F920] =	vst v10  }
0xea: {  	v58 =	vld [tilespmem:$0x1FA20];
	v17 =	vshll.u32 v44, $0x7;
	v16 =	vor.u32 v0, v16;
	[tilespmem:$0x1F930] =	vst v11  }
0xeb: {  	v59 =	vld [tilespmem:$0x1FA30];
	v18 =	vshll.u32 v45, $0x7;
	v17 =	vor.u32 v1, v17;
	[tilespmem:$0x1F940] =	vst v12  }
0xec: {  	v60 =	vld [tilespmem:$0x1FA40];
	v52 =	vshll.u32 v47, $0x7;
	v51 =	vor.u32 v2, v18;
	[tilespmem:$0x1F950] =	vst v13  }
0xed: {  	v61 =	vld [tilespmem:$0x1FA50];
	v53 =	vor.u32 v4, v52;
	[tilespmem:$0x1F970] =	vst v9;
	v10 =	vshll.u32 v48, $0x7  }
0xee: {  	v62 =	vld [tilespmem:$0x1FA70];
	v11 =	vshll.u32 v49, $0x7;
	v10 =	vor.u32 v5, v10;
	[tilespmem:$0x1F960] =	vst v8  }
0xef: {  	v14 =	vshll.u32 v46, $0x7;
	v11 =	vor.u32 v6, v11;
	v54 =	vld.idx.msk [tilespmem:v16+s3+$0x0], $0xffff  }
0xf0: {  	v12 =	vshll.u32 v50, $0x7;
	v8 =	vor.u32 v3, v14;
	v55 =	vld.idx.msk [tilespmem:v17+s3+$0x0], $0xffff  }
0xf1: {  	v12 =	vor.u32 v7, v12;
	v13 =	vld.idx.msk [tilespmem:v51+s3+$0x0], $0xffff  }
0xf2: {  	v9 =	vld.idx.msk [tilespmem:v53+s3+$0x0], $0xffff  }
0xf3: {  	v10 =	vld.idx.msk [tilespmem:v10+s3+$0x0], $0xffff  }
0xf4: {  	v11 =	vld.idx.msk [tilespmem:v11+s3+$0x0], $0xffff  }
0xf5: {  	v8 =	vld.idx.msk [tilespmem:v8+s3+$0x0], $0xffff  }
0xf6: {  	v12 =	vld.idx.msk [tilespmem:v12+s3+$0x0], $0xffff;
	[tilespmem:$0x1F980] =	vst v54  }
0xf7: {  	v23 =	vld [tilespmem:$0x1FA80];
	[tilespmem:$0x1F990] =	vst v55  }
0xf8: {  	v24 =	vld [tilespmem:$0x1FA90];
	v16 =	vshll.u32 v56, $0x7;
	[tilespmem:$0x1F9A0] =	vst v13  }
0xf9: {  	v39 =	vld [tilespmem:$0x1FB30];
	v17 =	vshll.u32 v57, $0x7;
	v16 =	vor.u32 v0, v16;
	[tilespmem:$0x1F9C0] =	vst v9  }
0xfa: {  	v18 =	vshll.u32 v58, $0x7;
	v17 =	vor.u32 v1, v17;
	[tilespmem:$0x1F9B0] =	vst v8;
	v8 =	vld [tilespmem:$0x1FA60]  }
0xfb: {  	v63 =	vor.u32 v2, v18;
	v25 =	vld [tilespmem:$0x1FAA0];
	v14 =	vshll.u32 v59, $0x7;
	[tilespmem:$0x1F9D0] =	vst v10  }
0xfc: {  	v19 =	vshll.u32 v60, $0x7;
	v26 =	vld [tilespmem:$0x1FAB0];
	v18 =	vor.u32 v3, v14;
	[tilespmem:$0x1F9E0] =	vst v11  }
0xfd: {  	v20 =	vor.u32 v4, v19;
	v27 =	vld [tilespmem:$0x1FAC0];
	[tilespmem:$0x1F9F0] =	vst v12;
	v13 =	vshll.u32 v61, $0x7  }
0xfe: {  	v9 =	vshll.u32 v62, $0x7;
	v13 =	vor.u32 v5, v13;
	v21 =	vld.idx.msk [tilespmem:v16+s3+$0x0], $0xffff  }
0xff: {  	v9 =	vor.u32 v7, v9;
	v22 =	vld.idx.msk [tilespmem:v17+s3+$0x0], $0xffff;
	v8 =	vshll.u32 v8, $0x7  }
0x100: {  	v10 =	vld.idx.msk [tilespmem:v63+s3+$0x0], $0xffff;
	v8 =	vor.u32 v6, v8  }
0x101: {  	v11 =	vld.idx.msk [tilespmem:v18+s3+$0x0], $0xffff  }
0x102: {  	v12 =	vld.idx.msk [tilespmem:v20+s3+$0x0], $0xffff  }
0x103: {  	v13 =	vld.idx.msk [tilespmem:v13+s3+$0x0], $0xffff  }
0x104: {  	v9 =	vld.idx.msk [tilespmem:v9+s3+$0x0], $0xffff  }
0x105: {  	v8 =	vld.idx.msk [tilespmem:v8+s3+$0x0], $0xffff;
	[tilespmem:$0x1FA00] =	vst v21  }
0x106: {  	v28 =	vld [tilespmem:$0x1FAD0];
	[tilespmem:$0x1FA10] =	vst v22  }
0x107: {  	v29 =	vld [tilespmem:$0x1FAE0];
	v16 =	vshll.u32 v23, $0x7;
	[tilespmem:$0x1FA20] =	vst v10  }
0x108: {  	v30 =	vld [tilespmem:$0x1FAF0];
	v17 =	vshll.u32 v24, $0x7;
	v16 =	vor.u32 v0, v16;
	[tilespmem:$0x1FA30] =	vst v11  }
0x109: {  	v36 =	vld [tilespmem:$0x1FB00];
	v18 =	vshll.u32 v25, $0x7;
	v17 =	vor.u32 v1, v17;
	[tilespmem:$0x1FA40] =	vst v12  }
0x10a: {  	v32 =	vshll.u32 v27, $0x7;
	v37 =	vld [tilespmem:$0x1FB10];
	v31 =	vor.u32 v2, v18;
	[tilespmem:$0x1FA50] =	vst v13  }
0x10b: {  	v33 =	vor.u32 v4, v32;
	v38 =	vld [tilespmem:$0x1FB20];
	[tilespmem:$0x1FA70] =	vst v9;
	v10 =	vshll.u32 v28, $0x7  }
0x10c: {  	v40 =	vld [tilespmem:$0x1FB40];
	v11 =	vshll.u32 v29, $0x7;
	v10 =	vor.u32 v5, v10;
	[tilespmem:$0x1FA60] =	vst v8  }
0x10d: {  	v14 =	vshll.u32 v26, $0x7;
	v11 =	vor.u32 v6, v11;
	v34 =	vld.idx.msk [tilespmem:v16+s3+$0x0], $0xffff  }
0x10e: {  	v12 =	vshll.u32 v30, $0x7;
	v8 =	vor.u32 v3, v14;
	v35 =	vld.idx.msk [tilespmem:v17+s3+$0x0], $0xffff  }
0x10f: {  	v12 =	vor.u32 v7, v12;
	v13 =	vld.idx.msk [tilespmem:v31+s3+$0x0], $0xffff  }
0x110: {  	v9 =	vld.idx.msk [tilespmem:v33+s3+$0x0], $0xffff  }
0x111: {  	v10 =	vld.idx.msk [tilespmem:v10+s3+$0x0], $0xffff  }
0x112: {  	v11 =	vld.idx.msk [tilespmem:v11+s3+$0x0], $0xffff  }
0x113: {  	v8 =	vld.idx.msk [tilespmem:v8+s3+$0x0], $0xffff  }
0x114: {  	v12 =	vld.idx.msk [tilespmem:v12+s3+$0x0], $0xffff;
	[tilespmem:$0x1FA80] =	vst v34  }
0x115: {  	v41 =	vld [tilespmem:$0x1FB50];
	[tilespmem:$0x1FA90] =	vst v35  }
0x116: {  	v42 =	vld [tilespmem:$0x1FB70];
	v16 =	vshll.u32 v36, $0x7;
	[tilespmem:$0x1FAA0] =	vst v13  }
0x117: {  	v49 =	vld [tilespmem:$0x1FB80];
	v17 =	vshll.u32 v37, $0x7;
	v16 =	vor.u32 v0, v16;
	[tilespmem:$0x1FAC0] =	vst v9  }
0x118: {  	v18 =	vshll.u32 v38, $0x7;
	v17 =	vor.u32 v1, v17;
	[tilespmem:$0x1FAB0] =	vst v8;
	v8 =	vld [tilespmem:$0x1FB60]  }
0x119: {  	v50 =	vld [tilespmem:$0x1FB90];
	v43 =	vor.u32 v2, v18;
	v14 =	vshll.u32 v39, $0x7;
	[tilespmem:$0x1FAD0] =	vst v10  }
0x11a: {  	v45 =	vshll.u32 v40, $0x7;
	v51 =	vld [tilespmem:$0x1FBA0];
	v44 =	vor.u32 v3, v14;
	[tilespmem:$0x1FAE0] =	vst v11  }
0x11b: {  	v46 =	vor.u32 v4, v45;
	v53 =	vld [tilespmem:$0x1FBC0];
	[tilespmem:$0x1FAF0] =	vst v12;
	v13 =	vshll.u32 v41, $0x7  }
0x11c: {  	v9 =	vshll.u32 v42, $0x7;
	v13 =	vor.u32 v5, v13;
	v47 =	vld.idx.msk [tilespmem:v16+s3+$0x0], $0xffff  }
0x11d: {  	v9 =	vor.u32 v7, v9;
	v48 =	vld.idx.msk [tilespmem:v17+s3+$0x0], $0xffff;
	v8 =	vshll.u32 v8, $0x7  }
0x11e: {  	v10 =	vld.idx.msk [tilespmem:v43+s3+$0x0], $0xffff;
	v8 =	vor.u32 v6, v8  }
0x11f: {  	v11 =	vld.idx.msk [tilespmem:v44+s3+$0x0], $0xffff  }
0x120: {  	v12 =	vld.idx.msk [tilespmem:v46+s3+$0x0], $0xffff  }
0x121: {  	v13 =	vld.idx.msk [tilespmem:v13+s3+$0x0], $0xffff  }
0x122: {  	v9 =	vld.idx.msk [tilespmem:v9+s3+$0x0], $0xffff  }
0x123: {  	v8 =	vld.idx.msk [tilespmem:v8+s3+$0x0], $0xffff;
	[tilespmem:$0x1FB00] =	vst v47  }
0x124: {  	v54 =	vld [tilespmem:$0x1FBD0];
	[tilespmem:$0x1FB10] =	vst v48  }
0x125: {  	v55 =	vld [tilespmem:$0x1FBE0];
	v16 =	vshll.u32 v49, $0x7;
	[tilespmem:$0x1FB20] =	vst v10  }
0x126: {  	v56 =	vld [tilespmem:$0x1FBF0];
	v17 =	vshll.u32 v50, $0x7;
	v16 =	vor.u32 v0, v16;
	[tilespmem:$0x1FB30] =	vst v11  }
0x127: {  	v52 =	vld [tilespmem:$0x1FBB0];
	v18 =	vshll.u32 v51, $0x7;
	v17 =	vor.u32 v1, v17;
	[tilespmem:$0x1FB40] =	vst v12  }
0x128: {  	v58 =	vshll.u32 v53, $0x7;
	v57 =	vor.u32 v2, v18;
	[tilespmem:$0x1FB50] =	vst v13  }
0x129: {  	v59 =	vor.u32 v4, v58;
	[tilespmem:$0x1FB70] =	vst v9;
	v10 =	vshll.u32 v54, $0x7  }
0x12a: {  	v11 =	vshll.u32 v55, $0x7;
	v10 =	vor.u32 v5, v10;
	[tilespmem:$0x1FB60] =	vst v8  }
0x12b: {  	v12 =	vshll.u32 v56, $0x7;
	v11 =	vor.u32 v6, v11;
	v60 =	vld.idx.msk [tilespmem:v16+s3+$0x0], $0xffff  }
0x12c: {  	v14 =	vshll.u32 v52, $0x7;
	v12 =	vor.u32 v7, v12;
	v61 =	vld.idx.msk [tilespmem:v17+s3+$0x0], $0xffff  }
0x12d: {  	v8 =	vor.u32 v3, v14;
	v13 =	vld.idx.msk [tilespmem:v57+s3+$0x0], $0xffff  }
0x12e: {  	v9 =	vld.idx.msk [tilespmem:v59+s3+$0x0], $0xffff  }
0x12f: {  	v10 =	vld.idx.msk [tilespmem:v10+s3+$0x0], $0xffff  }
0x130: {  	v11 =	vld.idx.msk [tilespmem:v11+s3+$0x0], $0xffff  }
0x131: {  	v12 =	vld.idx.msk [tilespmem:v12+s3+$0x0], $0xffff  }
0x132: {  	v8 =	vld.idx.msk [tilespmem:v8+s3+$0x0], $0xffff;
	[tilespmem:$0x1FB80] =	vst v60  }
0x133: {  	[tilespmem:$0x1FB90] =	vst v61  }
0x134: {  	[tilespmem:$0x1FBA0] =	vst v13  }
0x135: {  	[tilespmem:$0x1FBC0] =	vst v9  }
0x136: {  	[tilespmem:$0x1FBD0] =	vst v10  }
0x137: {  	[tilespmem:$0x1FBE0] =	vst v11  }
0x138: {  	[tilespmem:$0x1FBF0] =	vst v12  }
0x139: {  	[tilespmem:$0x1FBB0] =	vst v8  }
0x13a: {  	_ =	swait.ge [sflag:s20], $0x400  }
0x13b: {  	[sflag:s20] =	ssyncset.done $0x0  }
0x13c: {  	s30 =	sadd.s32 s29, s23;
	s0 =	sadd.s32 s29, s26;
	[sflag:s20] =	ssyncadd.s32 $0xFFFFFC00  }
0x13d: {  	[tilespmem:s16], [sflag:$0x1] =	stream.linear.gather [hbm4b:s30+s3], $0x400, $0x38;
	[tilespmem:$0x1FC00] =	vst v63  }
0x13e: {  	s30 =	sor.u32 $0x4000, s0  }
0x13f: {  	s30 =	sadd.s32 s2, s30  }
0x140: {  	[hbm4b:s30+s3] =	stream.linear.scatter [tilespmem:s18], [sflag:$0x4], $0x400, $0x38;
	[tilespmem:$0x1FC00] =	vst v63  }
0x141: {  	_ =	swait.ge [sflag:s17], $0x400  }
0x142: {  	[sflag:s17] =	ssyncset.done $0x0  }
0x143: {  	[sflag:s17] =	ssyncadd.s32 $0xFFFFFC00  }
0x144: {  	v8 =	vld [tilespmem:$0x1F400]  }
0x145: {  	v62 =	vld [tilespmem:$0x1F410]  }
0x146: {  	v63 =	vld [tilespmem:$0x1F420]  }
0x147: {  	v18 =	vld [tilespmem:$0x1F430]  }
0x148: {  	v19 =	vld [tilespmem:$0x1F440]  }
0x149: {  	v20 =	vld [tilespmem:$0x1F450]  }
0x14a: {  	v21 =	vld [tilespmem:$0x1F460]  }
0x14b: {  	v22 =	vld [tilespmem:$0x1F470]  }
0x14c: {  	v23 =	vld [tilespmem:$0x1F480]  }
0x14d: {  	v24 =	vld [tilespmem:$0x1F490]  }
0x14e: {  	v25 =	vld [tilespmem:$0x1F4A0]  }
0x14f: {  	v26 =	vld [tilespmem:$0x1F4C0]  }
0x150: {  	v27 =	vld [tilespmem:$0x1F4D0];
	v8 =	vshll.u32 v8, $0x7  }
0x151: {  	v28 =	vld [tilespmem:$0x1F4E0];
	v9 =	vshll.u32 v62, $0x7;
	v8 =	vor.u32 v0, v8  }
0x152: {  	v29 =	vld [tilespmem:$0x1F4F0];
	v10 =	vshll.u32 v63, $0x7;
	v9 =	vor.u32 v1, v9  }
0x153: {  	v31 =	vld [tilespmem:$0x1F500];
	v11 =	vshll.u32 v18, $0x7;
	v10 =	vor.u32 v2, v10  }
0x154: {  	v32 =	vld [tilespmem:$0x1F510];
	v12 =	vshll.u32 v19, $0x7;
	v11 =	vor.u32 v3, v11  }
0x155: {  	v33 =	vld [tilespmem:$0x1F520];
	v13 =	vshll.u32 v20, $0x7;
	v12 =	vor.u32 v4, v12  }
0x156: {  	v14 =	vshll.u32 v21, $0x7;
	v13 =	vor.u32 v5, v13;
	v8 =	vld.idx.msk [tilespmem:v8+s3+$0x0], $0xffff  }
0x157: {  	v15 =	vshll.u32 v22, $0x7;
	v14 =	vor.u32 v6, v14;
	v9 =	vld.idx.msk [tilespmem:v9+s3+$0x0], $0xffff  }
0x158: {  	v15 =	vor.u32 v7, v15;
	v10 =	vld.idx.msk [tilespmem:v10+s3+$0x0], $0xffff  }
0x159: {  	v11 =	vld.idx.msk [tilespmem:v11+s3+$0x0], $0xffff  }
0x15a: {  	v12 =	vld.idx.msk [tilespmem:v12+s3+$0x0], $0xffff  }
0x15b: {  	v13 =	vld.idx.msk [tilespmem:v13+s3+$0x0], $0xffff  }
0x15c: {  	v14 =	vld.idx.msk [tilespmem:v14+s3+$0x0], $0xffff  }
0x15d: {  	v15 =	vld.idx.msk [tilespmem:v15+s3+$0x0], $0xffff;
	[tilespmem:$0x1F400] =	vst v8  }
0x15e: {  	v34 =	vld [tilespmem:$0x1F530];
	[tilespmem:$0x1F410] =	vst v9  }
0x15f: {  	v35 =	vld [tilespmem:$0x1F540];
	v16 =	vshll.u32 v23, $0x7;
	[tilespmem:$0x1F420] =	vst v10  }
0x160: {  	v17 =	vshll.u32 v24, $0x7;
	v16 =	vor.u32 v0, v16;
	v8 =	vld [tilespmem:$0x1F4B0];
	[tilespmem:$0x1F430] =	vst v11  }
0x161: {  	v36 =	vld [tilespmem:$0x1F550];
	v18 =	vshll.u32 v25, $0x7;
	v17 =	vor.u32 v1, v17;
	[tilespmem:$0x1F440] =	vst v12  }
0x162: {  	v37 =	vld [tilespmem:$0x1F570];
	v30 =	vor.u32 v2, v18;
	[tilespmem:$0x1F450] =	vst v13;
	v9 =	vshll.u32 v26, $0x7  }
0x163: {  	v44 =	vld [tilespmem:$0x1F580];
	[tilespmem:$0x1F460] =	vst v14;
	v10 =	vshll.u32 v27, $0x7;
	v9 =	vor.u32 v4, v9  }
0x164: {  	v45 =	vld [tilespmem:$0x1F590];
	[tilespmem:$0x1F470] =	vst v15;
	v11 =	vshll.u32 v28, $0x7;
	v10 =	vor.u32 v5, v10  }
0x165: {  	v14 =	vld.idx.msk [tilespmem:v16+s3+$0x0], $0xffff;
	v11 =	vor.u32 v6, v11;
	v8 =	vshll.u32 v8, $0x7  }
0x166: {  	v12 =	vshll.u32 v29, $0x7;
	v15 =	vld.idx.msk [tilespmem:v17+s3+$0x0], $0xffff;
	v8 =	vor.u32 v3, v8  }
0x167: {  	v13 =	vld.idx.msk [tilespmem:v30+s3+$0x0], $0xffff;
	v12 =	vor.u32 v7, v12  }
0x168: {  	v9 =	vld.idx.msk [tilespmem:v9+s3+$0x0], $0xffff  }
0x169: {  	v10 =	vld.idx.msk [tilespmem:v10+s3+$0x0], $0xffff  }
0x16a: {  	v11 =	vld.idx.msk [tilespmem:v11+s3+$0x0], $0xffff  }
0x16b: {  	v8 =	vld.idx.msk [tilespmem:v8+s3+$0x0], $0xffff  }
0x16c: {  	v12 =	vld.idx.msk [tilespmem:v12+s3+$0x0], $0xffff;
	[tilespmem:$0x1F480] =	vst v14  }
0x16d: {  	v46 =	vld [tilespmem:$0x1F5A0];
	[tilespmem:$0x1F490] =	vst v15  }
0x16e: {  	v47 =	vld [tilespmem:$0x1F5B0];
	v16 =	vshll.u32 v31, $0x7;
	[tilespmem:$0x1F4A0] =	vst v13  }
0x16f: {  	v48 =	vld [tilespmem:$0x1F5C0];
	v17 =	vshll.u32 v32, $0x7;
	v16 =	vor.u32 v0, v16;
	[tilespmem:$0x1F4C0] =	vst v9  }
0x170: {  	v18 =	vshll.u32 v33, $0x7;
	v17 =	vor.u32 v1, v17;
	[tilespmem:$0x1F4B0] =	vst v8;
	v8 =	vld [tilespmem:$0x1F560]  }
0x171: {  	v49 =	vld [tilespmem:$0x1F5D0];
	v38 =	vor.u32 v2, v18;
	[tilespmem:$0x1F4D0] =	vst v10;
	v14 =	vshll.u32 v34, $0x7  }
0x172: {  	v50 =	vld [tilespmem:$0x1F5E0];
	v40 =	vshll.u32 v35, $0x7;
	[tilespmem:$0x1F4E0] =	vst v11;
	v39 =	vor.u32 v3, v14  }
0x173: {  	v51 =	vld [tilespmem:$0x1F5F0];
	v41 =	vor.u32 v4, v40;
	[tilespmem:$0x1F4F0] =	vst v12;
	v13 =	vshll.u32 v36, $0x7  }
0x174: {  	v9 =	vshll.u32 v37, $0x7;
	v13 =	vor.u32 v5, v13;
	v42 =	vld.idx.msk [tilespmem:v16+s3+$0x0], $0xffff  }
0x175: {  	v9 =	vor.u32 v7, v9;
	v43 =	vld.idx.msk [tilespmem:v17+s3+$0x0], $0xffff;
	v8 =	vshll.u32 v8, $0x7  }
0x176: {  	v10 =	vld.idx.msk [tilespmem:v38+s3+$0x0], $0xffff;
	v8 =	vor.u32 v6, v8  }
0x177: {  	v11 =	vld.idx.msk [tilespmem:v39+s3+$0x0], $0xffff  }
0x178: {  	v12 =	vld.idx.msk [tilespmem:v41+s3+$0x0], $0xffff  }
0x179: {  	v13 =	vld.idx.msk [tilespmem:v13+s3+$0x0], $0xffff  }
0x17a: {  	v9 =	vld.idx.msk [tilespmem:v9+s3+$0x0], $0xffff  }
0x17b: {  	v8 =	vld.idx.msk [tilespmem:v8+s3+$0x0], $0xffff;
	[tilespmem:$0x1F500] =	vst v42  }
0x17c: {  	v57 =	vld [tilespmem:$0x1F600];
	[tilespmem:$0x1F510] =	vst v43  }
0x17d: {  	v58 =	vld [tilespmem:$0x1F610];
	v16 =	vshll.u32 v44, $0x7;
	[tilespmem:$0x1F520] =	vst v10  }
0x17e: {  	v59 =	vld [tilespmem:$0x1F620];
	v17 =	vshll.u32 v45, $0x7;
	v16 =	vor.u32 v0, v16;
	[tilespmem:$0x1F530] =	vst v11  }
0x17f: {  	v60 =	vld [tilespmem:$0x1F630];
	v18 =	vshll.u32 v46, $0x7;
	v17 =	vor.u32 v1, v17;
	[tilespmem:$0x1F540] =	vst v12  }
0x180: {  	v61 =	vld [tilespmem:$0x1F640];
	v53 =	vshll.u32 v48, $0x7;
	v52 =	vor.u32 v2, v18;
	[tilespmem:$0x1F550] =	vst v13  }
0x181: {  	v62 =	vld [tilespmem:$0x1F650];
	v54 =	vor.u32 v4, v53;
	[tilespmem:$0x1F570] =	vst v9;
	v10 =	vshll.u32 v49, $0x7  }
0x182: {  	v63 =	vld [tilespmem:$0x1F670];
	v11 =	vshll.u32 v50, $0x7;
	v10 =	vor.u32 v5, v10;
	[tilespmem:$0x1F560] =	vst v8  }
0x183: {  	v14 =	vshll.u32 v47, $0x7;
	v11 =	vor.u32 v6, v11;
	v55 =	vld.idx.msk [tilespmem:v16+s3+$0x0], $0xffff  }
0x184: {  	v12 =	vshll.u32 v51, $0x7;
	v8 =	vor.u32 v3, v14;
	v56 =	vld.idx.msk [tilespmem:v17+s3+$0x0], $0xffff  }
0x185: {  	v12 =	vor.u32 v7, v12;
	v13 =	vld.idx.msk [tilespmem:v52+s3+$0x0], $0xffff  }
0x186: {  	v9 =	vld.idx.msk [tilespmem:v54+s3+$0x0], $0xffff  }
0x187: {  	v10 =	vld.idx.msk [tilespmem:v10+s3+$0x0], $0xffff  }
0x188: {  	v11 =	vld.idx.msk [tilespmem:v11+s3+$0x0], $0xffff  }
0x189: {  	v8 =	vld.idx.msk [tilespmem:v8+s3+$0x0], $0xffff  }
0x18a: {  	v12 =	vld.idx.msk [tilespmem:v12+s3+$0x0], $0xffff;
	[tilespmem:$0x1F580] =	vst v55  }
0x18b: {  	v25 =	vld [tilespmem:$0x1F680];
	[tilespmem:$0x1F590] =	vst v56  }
0x18c: {  	v40 =	vld [tilespmem:$0x1F720];
	v16 =	vshll.u32 v57, $0x7;
	[tilespmem:$0x1F5A0] =	vst v13  }
0x18d: {  	v53 =	vld [tilespmem:$0x1F7A0];
	v17 =	vshll.u32 v58, $0x7;
	v16 =	vor.u32 v0, v16;
	[tilespmem:$0x1F5C0] =	vst v9  }
0x18e: {  	v18 =	vshll.u32 v59, $0x7;
	v17 =	vor.u32 v1, v17;
	[tilespmem:$0x1F5B0] =	vst v8;
	v8 =	vld [tilespmem:$0x1F660]  }
0x18f: {  	v19 =	vor.u32 v2, v18;
	v26 =	vld [tilespmem:$0x1F690];
	v14 =	vshll.u32 v60, $0x7;
	[tilespmem:$0x1F5D0] =	vst v10  }
0x190: {  	v21 =	vshll.u32 v61, $0x7;
	v27 =	vld [tilespmem:$0x1F6A0];
	v20 =	vor.u32 v3, v14;
	[tilespmem:$0x1F5E0] =	vst v11  }
0x191: {  	v22 =	vor.u32 v4, v21;
	v29 =	vld [tilespmem:$0x1F6C0];
	[tilespmem:$0x1F5F0] =	vst v12;
	v13 =	vshll.u32 v62, $0x7  }
0x192: {  	v9 =	vshll.u32 v63, $0x7;
	v13 =	vor.u32 v5, v13;
	v23 =	vld.idx.msk [tilespmem:v16+s3+$0x0], $0xffff  }
0x193: {  	v9 =	vor.u32 v7, v9;
	v24 =	vld.idx.msk [tilespmem:v17+s3+$0x0], $0xffff;
	v8 =	vshll.u32 v8, $0x7  }
0x194: {  	v10 =	vld.idx.msk [tilespmem:v19+s3+$0x0], $0xffff;
	v8 =	vor.u32 v6, v8  }
0x195: {  	v11 =	vld.idx.msk [tilespmem:v20+s3+$0x0], $0xffff  }
0x196: {  	v12 =	vld.idx.msk [tilespmem:v22+s3+$0x0], $0xffff  }
0x197: {  	v13 =	vld.idx.msk [tilespmem:v13+s3+$0x0], $0xffff  }
0x198: {  	v9 =	vld.idx.msk [tilespmem:v9+s3+$0x0], $0xffff  }
0x199: {  	v8 =	vld.idx.msk [tilespmem:v8+s3+$0x0], $0xffff;
	[tilespmem:$0x1F600] =	vst v23  }
0x19a: {  	v30 =	vld [tilespmem:$0x1F6D0];
	[tilespmem:$0x1F610] =	vst v24  }
0x19b: {  	v31 =	vld [tilespmem:$0x1F6E0];
	v16 =	vshll.u32 v25, $0x7;
	[tilespmem:$0x1F620] =	vst v10  }
0x19c: {  	v28 =	vld [tilespmem:$0x1F6B0];
	v17 =	vshll.u32 v26, $0x7;
	v16 =	vor.u32 v0, v16;
	[tilespmem:$0x1F630] =	vst v11  }
0x19d: {  	v32 =	vld [tilespmem:$0x1F6F0];
	v18 =	vshll.u32 v27, $0x7;
	v17 =	vor.u32 v1, v17;
	[tilespmem:$0x1F640] =	vst v12  }
0x19e: {  	v33 =	vor.u32 v2, v18;
	v34 =	vshll.u32 v29, $0x7;
	v38 =	vld [tilespmem:$0x1F700];
	[tilespmem:$0x1F650] =	vst v13  }
0x19f: {  	v35 =	vor.u32 v4, v34;
	v39 =	vld [tilespmem:$0x1F710];
	[tilespmem:$0x1F670] =	vst v9;
	v10 =	vshll.u32 v30, $0x7  }
0x1a0: {  	v41 =	vld [tilespmem:$0x1F730];
	v11 =	vshll.u32 v31, $0x7;
	v10 =	vor.u32 v5, v10;
	[tilespmem:$0x1F660] =	vst v8  }
0x1a1: {  	v14 =	vshll.u32 v28, $0x7;
	v11 =	vor.u32 v6, v11;
	v36 =	vld.idx.msk [tilespmem:v16+s3+$0x0], $0xffff  }
0x1a2: {  	v12 =	vshll.u32 v32, $0x7;
	v8 =	vor.u32 v3, v14;
	v37 =	vld.idx.msk [tilespmem:v17+s3+$0x0], $0xffff  }
0x1a3: {  	v12 =	vor.u32 v7, v12;
	v13 =	vld.idx.msk [tilespmem:v33+s3+$0x0], $0xffff  }
0x1a4: {  	v9 =	vld.idx.msk [tilespmem:v35+s3+$0x0], $0xffff  }
0x1a5: {  	v10 =	vld.idx.msk [tilespmem:v10+s3+$0x0], $0xffff  }
0x1a6: {  	v11 =	vld.idx.msk [tilespmem:v11+s3+$0x0], $0xffff  }
0x1a7: {  	v8 =	vld.idx.msk [tilespmem:v8+s3+$0x0], $0xffff  }
0x1a8: {  	v12 =	vld.idx.msk [tilespmem:v12+s3+$0x0], $0xffff;
	[tilespmem:$0x1F680] =	vst v36  }
0x1a9: {  	v42 =	vld [tilespmem:$0x1F740];
	[tilespmem:$0x1F690] =	vst v37  }
0x1aa: {  	v43 =	vld [tilespmem:$0x1F750];
	v16 =	vshll.u32 v38, $0x7;
	[tilespmem:$0x1F6A0] =	vst v13  }
0x1ab: {  	v44 =	vld [tilespmem:$0x1F770];
	v17 =	vshll.u32 v39, $0x7;
	v16 =	vor.u32 v0, v16;
	[tilespmem:$0x1F6C0] =	vst v9  }
0x1ac: {  	v18 =	vshll.u32 v40, $0x7;
	v17 =	vor.u32 v1, v17;
	[tilespmem:$0x1F6B0] =	vst v8;
	v8 =	vld [tilespmem:$0x1F760]  }
0x1ad: {  	v45 =	vor.u32 v2, v18;
	v51 =	vld [tilespmem:$0x1F780];
	v14 =	vshll.u32 v41, $0x7;
	[tilespmem:$0x1F6D0] =	vst v10  }
0x1ae: {  	v47 =	vshll.u32 v42, $0x7;
	v52 =	vld [tilespmem:$0x1F790];
	v46 =	vor.u32 v3, v14;
	[tilespmem:$0x1F6E0] =	vst v11  }
0x1af: {  	v48 =	vor.u32 v4, v47;
	v55 =	vld [tilespmem:$0x1F7C0];
	[tilespmem:$0x1F6F0] =	vst v12;
	v13 =	vshll.u32 v43, $0x7  }
0x1b0: {  	v9 =	vshll.u32 v44, $0x7;
	v13 =	vor.u32 v5, v13;
	v49 =	vld.idx.msk [tilespmem:v16+s3+$0x0], $0xffff  }
0x1b1: {  	v9 =	vor.u32 v7, v9;
	v50 =	vld.idx.msk [tilespmem:v17+s3+$0x0], $0xffff;
	v8 =	vshll.u32 v8, $0x7  }
0x1b2: {  	v10 =	vld.idx.msk [tilespmem:v45+s3+$0x0], $0xffff;
	v8 =	vor.u32 v6, v8  }
0x1b3: {  	v11 =	vld.idx.msk [tilespmem:v46+s3+$0x0], $0xffff  }
0x1b4: {  	v12 =	vld.idx.msk [tilespmem:v48+s3+$0x0], $0xffff  }
0x1b5: {  	v13 =	vld.idx.msk [tilespmem:v13+s3+$0x0], $0xffff  }
0x1b6: {  	v9 =	vld.idx.msk [tilespmem:v9+s3+$0x0], $0xffff  }
0x1b7: {  	v8 =	vld.idx.msk [tilespmem:v8+s3+$0x0], $0xffff;
	[tilespmem:$0x1F700] =	vst v49  }
0x1b8: {  	v56 =	vld [tilespmem:$0x1F7D0];
	[tilespmem:$0x1F710] =	vst v50  }
0x1b9: {  	v57 =	vld [tilespmem:$0x1F7E0];
	v16 =	vshll.u32 v51, $0x7;
	[tilespmem:$0x1F720] =	vst v10  }
0x1ba: {  	v58 =	vld [tilespmem:$0x1F7F0];
	v17 =	vshll.u32 v52, $0x7;
	v16 =	vor.u32 v0, v16;
	[tilespmem:$0x1F730] =	vst v11  }
0x1bb: {  	v18 =	vshll.u32 v53, $0x7;
	v54 =	vld [tilespmem:$0x1F7B0];
	v17 =	vor.u32 v1, v17;
	[tilespmem:$0x1F740] =	vst v12  }
0x1bc: {  	v59 =	vor.u32 v2, v18;
	v60 =	vshll.u32 v55, $0x7;
	[tilespmem:$0x1F750] =	vst v13  }
0x1bd: {  	v61 =	vor.u32 v4, v60;
	[tilespmem:$0x1F770] =	vst v9;
	v10 =	vshll.u32 v56, $0x7  }
0x1be: {  	v11 =	vshll.u32 v57, $0x7;
	v10 =	vor.u32 v5, v10;
	[tilespmem:$0x1F760] =	vst v8  }
0x1bf: {  	v12 =	vshll.u32 v58, $0x7;
	v11 =	vor.u32 v6, v11;
	v62 =	vld.idx.msk [tilespmem:v16+s3+$0x0], $0xffff  }
0x1c0: {  	v14 =	vshll.u32 v54, $0x7;
	v12 =	vor.u32 v7, v12;
	v63 =	vld.idx.msk [tilespmem:v17+s3+$0x0], $0xffff  }
0x1c1: {  	v8 =	vor.u32 v3, v14;
	v13 =	vld.idx.msk [tilespmem:v59+s3+$0x0], $0xffff  }
0x1c2: {  	v9 =	vld.idx.msk [tilespmem:v61+s3+$0x0], $0xffff  }
0x1c3: {  	v10 =	vld.idx.msk [tilespmem:v10+s3+$0x0], $0xffff  }
0x1c4: {  	v11 =	vld.idx.msk [tilespmem:v11+s3+$0x0], $0xffff  }
0x1c5: {  	v12 =	vld.idx.msk [tilespmem:v12+s3+$0x0], $0xffff  }
0x1c6: {  	v8 =	vld.idx.msk [tilespmem:v8+s3+$0x0], $0xffff;
	[tilespmem:$0x1F780] =	vst v62  }
0x1c7: {  	[tilespmem:$0x1F790] =	vst v63  }
0x1c8: {  	[tilespmem:$0x1F7A0] =	vst v13  }
0x1c9: {  	[tilespmem:$0x1F7C0] =	vst v9  }
0x1ca: {  	[tilespmem:$0x1F7D0] =	vst v10  }
0x1cb: {  	[tilespmem:$0x1F7E0] =	vst v11  }
0x1cc: {  	[tilespmem:$0x1F7F0] =	vst v12  }
0x1cd: {  	[tilespmem:$0x1F7B0] =	vst v8  }
0x1ce: {  	p0 =	seq.s32 s29, $0x58000;
	_ =	swait.ge [sflag:s21], $0x400  }
0x1cf: {  	s31 =	simm.s32 @!p0 $0x0;
	[sflag:s21] =	ssyncset.done $0x0  }
0x1d0: {  	s0 =	simm.s32 @!p0 $0x1F800;
	s30 =	sadd.s32 @!p0 s29, s25;
	[sflag:s21] =	ssyncadd.s32 $0xFFFFFC00  }
0x1d1: {  	[tilespmem:s0], [sflag:$0x2] =	stream.linear.gather @!p0 [hbm4b:s30+s31], $0x400, $0x38;
	[tilespmem:$0x1FC00] =	vst v63  }
0x1d2: {  	s31 =	sadd.s32 s29, s24;
	s29 =	sadd.s32 $0x8000, s29  }
0x1d3: {  	p0 =	sne.s32 s29, $0x60000  }
.Ltmp0:
0x1d4: {  	_ = 	snop;
	(pc) =	sbr.rel @p0 .LBB2_3-.Ltmp0, $2  }
0x1d5: {  	_ =	sdelay $0x2  }
0x1d6: {  	[hbm4b:s31+s3] =	stream.linear.scatter [tilespmem:s16], [sflag:$0x3], $0x400, $0x38;
	[tilespmem:$0x1FC00] =	vst v63  }
0x1d7: {  	s28 =	sadd.s32 $0x1, s28  }
0x1d8: {  	p0 =	sne.s32 s28, $0x4  }
.Ltmp1:
0x1d9: {  	_ = 	snop;
	(pc) =	sbr.rel @p0 .LBB2_2-.Ltmp1, $3  }
0x1da: {  	_ =	sdelay $0x1  }
0x1db: {  	s26 =	sadd.s32 $0x80, s26  }
0x1dc: {  	s25 =	sadd.s32 $0x80, s25;
	s24 =	sadd.s32 $0x80, s24;
	s23 =	sadd.s32 $0x80, s23  }
0x1dd: {  	s22 =	sadd.s32 $0x1, s22  }
0x1de: {  	p0 =	sne.s32 s22, s8  }
.Ltmp2:
0x1df: {  	_ = 	snop;
	(pc) =	sbr.rel @p0 .LBB2_1-.Ltmp2, $4  }
0x1e0: {  	_ = 	snop  }
0x1e1: {  	_ =	swait.ge [sflag:s20], $0x400  }
0x1e2: {  	[sflag:s20] =	ssyncset.done $0x0  }
0x1e3: {  	[sflag:s20] =	ssyncadd.s32 $0xFFFFFC00  }
0x1e4: {  	_ =	sfence.sel $0x180000  }
0x1e5: {  	[bflag:$0x0] =	sbarrier.arrive $0xFFFF  }
0x1e6: {  	_ =	strace $0x90000047  }
0x1e7: {  	[bflag:$0x2] =	sbarrier.arrive $0xFFFF  }
0x1e8: {  	p0 =	sne.s32 s4, $0x0;
	s0 =	rddreg [dreg:$0x3]  }
0x1e9: {  	s0 =	sadd.s32 @!p0 $0x100000, s0  }
0x1ea: {  	[sflag:s0] =	ssyncadd.tile.s32 @!p0 $0x1;
	_ =	shalt  }
.Lfunc_end2:
_tile_overlayer_lowered:
.L_overlay_start_2:
0x1eb: {  	(tag) =	ssettag $0x2  }
0x1ec: {  	s0 =	rddreg [dreg:$0x0];
	s2 =	stileid.u32  }
0x1ed: {  	s1 =	rddreg [dreg:$0x1];
	p0 =	sne.s32 s2, $0x0  }
0x1ee: {  	s3 =	rddreg [dreg:$0x2];
	[bflag:$0x3] =	sbarrier.arrive $0xFFFF;
	s2 =	simm.s32 @!p0 $0x1C05  }
0x1ef: {  	[timem:s3], [sflag:s2] =	dma.local @!p0 [hbm:s0], s1  }
0x1f0: {  	s0 =	simm.s32 @!p0 $0x5  }
0x1f1: {  	_ =	swait.ge @!p0 [sflag:s0], s1  }
0x1f2: {  	s1 =	ssub.s32 @!p0 $0x0, s1;
	[sflag:s0] =	ssyncset.done @!p0 $0x0  }
0x1f3: {  	[sflag:s0] =	ssyncadd.s32 @!p0 s1  }
0x1f4: {  	[bflag:$0x3] =	sbarrier.arrive $0xFFFF  }
0x1f5: {  	_ =	shalt  }

</sc_bundles>
